<compile_context>
chip_gen: v7x
topology: tpu7x:2x2x1
jax: 0.10.2.dev20260603
libtpu: 0.0.44.dev20260713+nightly
codegen_flags: <defaults>
</compile_context>

<pallas_src>
import functools

import numpy as _np

import jax
import jax.numpy as jnp
from jax import lax
from jax.experimental import pallas as pl
from jax.experimental.pallas import tpu as pltpu
from jax.experimental.pallas import tpu_sc as plsc

N = 10000
E = 320000
D = 128
WOUT = D + 16

NC = 2
NSUB = 16
NP = 10240
EP = 327680
EPT = EP // (NC * NSUB)
K = 32
NCHUNK = EPT // K
RPT = NP // NSUB


def _prep(xp, W1, b1):
    BN = 1024

    def body(x_ref, w1_ref, b1_ref, a_ref, u_ref):
        xb = x_ref[...]
        w1 = w1_ref[...]
        a_ref[...] = (2.0 * (jnp.dot(xb, w1[:D], preferred_element_type=jnp.float32)
                             + b1_ref[...])).astype(jnp.bfloat16)
        u_ref[:, :D] = (2.0 * jnp.dot(xb, w1[D:], preferred_element_type=jnp.float32)
                        ).astype(jnp.bfloat16)
        u_ref[:, D:] = xb.astype(jnp.bfloat16)

    return pl.pallas_call(
        body,
        grid=(NP // BN,),
        in_specs=[
            pl.BlockSpec((BN, D), lambda i: (i, 0)),
            pl.BlockSpec((2 * D, D), lambda i: (0, 0)),
            pl.BlockSpec((1, D), lambda i: (0, 0)),
        ],
        out_specs=[
            pl.BlockSpec((BN, D), lambda i: (i, 0)),
            pl.BlockSpec((BN, 2 * D), lambda i: (i, 0)),
        ],
        out_shape=[
            jax.ShapeDtypeStruct((NP, D), jnp.bfloat16),
            jax.ShapeDtypeStruct((NP, 2 * D), jnp.bfloat16),
        ],
    )(xp, W1, b1.reshape(1, D))


def _sc_edges(A, U, W2, epk):
    mesh = plsc.VectorSubcoreMesh(core_axis_name="c", subcore_axis_name="s")

    @functools.partial(
        pl.kernel,
        mesh=mesh,
        compiler_params=pltpu.CompilerParams(use_tc_tiling_on_sc=False,
                                             needs_layout_passes=False),
        out_type=jax.ShapeDtypeStruct((NC, NP, WOUT), jnp.float32),
        scratch_types=[
            [pltpu.VMEM((K,), jnp.int32)] * 2,
            [pltpu.VMEM((K,), jnp.int32)] * 2,
            [pltpu.VMEM((K,), jnp.int32)] * 2,
            [pltpu.VMEM((K,), jnp.int32)] * 2,
            [pltpu.VMEM((K, D), jnp.bfloat16)] * 2,
            [pltpu.VMEM((K, 2 * D), jnp.bfloat16)] * 2,
            [pltpu.VMEM((K, WOUT), jnp.float32)] * 2,
            pltpu.VMEM((D,), jnp.float32),
            pltpu.VMEM_SHARED((NP, WOUT), jnp.float32),
            [pltpu.SemaphoreType.DMA] * 2,
            [pltpu.SemaphoreType.DMA] * 2,
            [pltpu.SemaphoreType.DMA] * 2,
            [pltpu.SemaphoreType.DMA] * 2,
        ],
    )
    def k(a_hbm, u_hbm, w2_hbm, epk_hbm, out_hbm,
          epkb, sidx, didx, sdix, av, uv, sb, w2v, acc, sema, semu, ssem, isem):
        c = lax.axis_index("c")
        s = lax.axis_index("s")
        pltpu.sync_copy(w2_hbm, w2v)

        zero16 = jnp.zeros((16,), jnp.float32)
        onehot0 = jnp.where(lax.iota(jnp.int32, 16) == 0, 1.0, 0.0)
        perms = tuple(lax.iota(jnp.int32, 16) ^ (1 << t) for t in range(4))
        def lanesum(v):
            for p in perms:
                v = v + v.at[p].get(mode="promise_in_bounds")
            return v

        w2r = tuple(w2v[pl.ds(16 * j, 16)] for j in range(D // 16))
        s2v = zero16
        for j in range(D // 16):
            s2v = s2v + w2r[j]
        s2f = lanesum(s2v)

        def zrow(i, _):
            for j in range(WOUT // 16):
                sb[0][i, pl.ds(16 * j, 16)] = zero16
            return _
        lax.fori_loop(0, K, zrow, None)

        def zacc(i, _):
            pltpu.sync_copy(sb[0], acc.at[pl.ds(s * RPT + i * K, K)])
            return _
        lax.fori_loop(0, RPT // K, zacc, None)
        plsc.subcore_barrier()

        ebase = (c * NSUB + s) * EPT

        def unpack_ids(b):
            for g in range(K // 16):
                raw = epkb[b][pl.ds(16 * g, 16)]
                sidx[b][pl.ds(16 * g, 16)] = raw & 0xFFFF
                didx[b][pl.ds(16 * g, 16)] = lax.shift_right_logical(raw, 16)

        def start_gather(b):
            pltpu.async_copy(a_hbm.at[didx[b]], av[b], sema[b])
            pltpu.async_copy(u_hbm.at[sidx[b]], uv[b], semu[b])

        def compute(b):
            avb, uvb, sbb = av[b], uv[b], sb[b]

            def edge(e):
                accv = zero16
                for j in range(D // 32):
                    ae, ao = plsc.unpack(avb[e, pl.ds(32 * j, 32)],
                                         format=plsc.PackFormat.INTERLEAVED)
                    ue, uo = plsc.unpack(uvb[e, pl.ds(32 * j, 32)],
                                         format=plsc.PackFormat.INTERLEAVED)
                    accv = accv + w2r[2 * j] / (jnp.exp(ae + ue) + 1.0)
                    accv = accv + w2r[2 * j + 1] / (jnp.exp(ao + uo) + 1.0)
                exv = jnp.exp(s2f - 2.0 * lanesum(accv))
                for j in range(D // 32):
                    xe, xo = plsc.unpack(uvb[e, pl.ds(D + 32 * j, 32)],
                                         format=plsc.PackFormat.INTERLEAVED)
                    sbb[e, pl.ds(32 * j, 16)] = exv * xe
                    sbb[e, pl.ds(32 * j + 16, 16)] = exv * xo
                sbb[e, pl.ds(D, 16)] = exv * onehot0
            plsc.parallel_loop(0, K, 1, unroll=2)(edge)

        pltpu.sync_copy(epk_hbm.at[pl.ds(ebase, K)], epkb[0])
        unpack_ids(0)
        start_gather(0)
        pltpu.async_copy(epk_hbm.at[pl.ds(ebase + K, K)], epkb[1], isem[1])

        def pair(p, _):
            for b in (0, 1):
                ci = p * 2 + b
                nb = 1 - b

                @pl.when(ci + 1 < NCHUNK)
                def _prefetch():
                    pltpu.make_async_copy(
                        epk_hbm.at[pl.ds(ebase + (ci + 1) * K, K)],
                        epkb[nb], isem[nb]).wait()
                    unpack_ids(nb)
                    start_gather(nb)

                @pl.when(ci + 2 < NCHUNK)
                def _ids_ahead():
                    pltpu.async_copy(
                        epk_hbm.at[pl.ds(ebase + (ci + 2) * K, K)],
                        epkb[b], isem[b])

                pltpu.make_async_copy(a_hbm.at[didx[b]], av[b], sema[b]).wait()
                pltpu.make_async_copy(u_hbm.at[sidx[b]], uv[b], semu[b]).wait()

                @pl.when(ci >= 2)
                def _drain_scatter():
                    pltpu.make_async_copy(sb[b], acc.at[sdix[b]], ssem[b]).wait()

                compute(b)
                for g in range(K // 16):
                    sdix[b][pl.ds(16 * g, 16)] = didx[b][pl.ds(16 * g, 16)]
                pltpu.async_copy(sb[b], acc.at[sdix[b]], ssem[b], add=True)
            return _
        lax.fori_loop(0, NCHUNK // 2, pair, None)

        pltpu.make_async_copy(sb[0], acc.at[sdix[0]], ssem[0]).wait()
        pltpu.make_async_copy(sb[1], acc.at[sdix[1]], ssem[1]).wait()
        plsc.subcore_barrier()
        pltpu.sync_copy(acc.at[pl.ds(s * RPT, RPT)],
                        out_hbm.at[c].at[pl.ds(s * RPT, RPT)])

    return k(A, U, W2, epk)


def _final(x, ns, Wfc, bfc):
    BN = 1000

    def body(x_ref, ns_ref, wfc_ref, bfc_ref, o_ref):
        sacc = ns_ref[0] + ns_ref[1]
        denom = sacc[:, D:D + 1]
        neigh = jnp.where(denom > 0.0, sacc[:, :D] / denom, 0.0)
        wfc = wfc_ref[...]
        h = (jnp.dot(x_ref[...], wfc[:D], preferred_element_type=jnp.float32)
             + jnp.dot(neigh, wfc[D:], preferred_element_type=jnp.float32)
             + bfc_ref[...])
        o_ref[...] = jnp.maximum(h, 0.0)

    return pl.pallas_call(
        body,
        grid=(N // BN,),
        in_specs=[
            pl.BlockSpec((BN, D), lambda i: (i, 0)),
            pl.BlockSpec((NC, BN, WOUT), lambda i: (0, i, 0)),
            pl.BlockSpec((2 * D, D), lambda i: (0, 0)),
            pl.BlockSpec((1, D), lambda i: (0, 0)),
        ],
        out_specs=pl.BlockSpec((BN, D), lambda i: (i, 0)),
        out_shape=jax.ShapeDtypeStruct((N, D), jnp.float32),
    )(x, ns, Wfc, bfc.reshape(1, D))


_PERM = (32 * (_np.arange(D) // 32)
         + 2 * (_np.arange(D) % 16)
         + ((_np.arange(D) // 16) % 2))


def kernel(x, edge_index, W1, b1, W2, b2, Wfc, bfc):
    xp = jnp.zeros((NP, D), jnp.float32).at[:N].set(x)
    ei = edge_index.astype(jnp.int32)
    pad = jnp.full((EP - E,), (NP - 1) | ((NP - 1) << 16), jnp.int32)
    epk = jnp.concatenate([ei[0] | (ei[1] << 16), pad])
    perm = jnp.asarray(_PERM)
    w2p = W2.reshape(-1)[perm]
    wfcp = jnp.concatenate([Wfc[:D], Wfc[D:][perm]], axis=0)
    A, U = _prep(xp, W1, b1)
    ns = _sc_edges(A, U, w2p, epk)
    return _final(x, ns, wfcp, bfc)

# --- scband reference (transcript-rebuilt; emitter-appended) ---
"""Pipeline reference for scband-hmmodel-gatt-n-mean-gru-att-dot-88828513616043 (READ-ONLY COPY).

The authoritative reference and input builder live on the scoring server;
editing this copy changes nothing except your own understanding.
"""

import jax, jax.numpy as jnp
import numpy as np

N_NODES = 10000
N_EDGES = 320000
D_FEAT = 128
D_OUT = 128


def setup_inputs(seed: int = 0) -> dict:
    key = jax.random.key(seed)
    ks = jax.random.split(key, 8)
    x = jax.random.normal(ks[0], (N_NODES, D_FEAT), dtype=jnp.float32)
    edge_index = jax.random.randint(ks[1], (2, N_EDGES), 0, N_NODES, dtype=jnp.int64)
    # AttentionAGG params: fc1: (in_dst+in_src)=2d -> in_src=d ; fc2: d -> 1
    s1 = 1.0 / np.sqrt(2 * D_FEAT)
    W1 = jax.random.uniform(ks[2], (2 * D_FEAT, D_FEAT), dtype=jnp.float32, minval=-s1, maxval=s1)
    b1 = jnp.zeros((D_FEAT,), dtype=jnp.float32)
    s2 = 1.0 / np.sqrt(D_FEAT)
    W2 = jax.random.uniform(ks[3], (D_FEAT, 1), dtype=jnp.float32, minval=-s2, maxval=s2)
    b2 = jnp.zeros((1,), dtype=jnp.float32)
    # fc_layer: 2d -> out
    Wfc = jax.random.uniform(ks[4], (2 * D_FEAT, D_OUT), dtype=jnp.float32, minval=-s1, maxval=s1)
    bfc = jnp.zeros((D_OUT,), dtype=jnp.float32)
    return {"x": x, "edge_index": edge_index, "W1": W1, "b1": b1, "W2": W2, "b2": b2, "Wfc": Wfc, "bfc": bfc}


def reference(x, edge_index, W1, b1, W2, b2, Wfc, bfc):
    # GAttConv forward (eval mode, no dropout), attention reducer over incoming messages.
    src = edge_index[0]
    dst = edge_index[1]
    N = x.shape[0]
    # message: m = h_src gathered along edges
    m = jnp.take(x, src, axis=0)            # [E, d]
    h_dst_e = jnp.take(x, dst, axis=0)       # [E, d]
    # attention logits: fc2(tanh(fc1(cat[h_dst, m])))
    att_inp = jnp.concatenate([h_dst_e, m], axis=1)  # [E, 2d]
    logits = (jnp.tanh(att_inp @ W1 + b1) @ W2 + b2)[:, 0]  # [E]
    # segment softmax over edges grouped by dst (matches softmax over mailbox dim)
    seg_max = jax.ops.segment_max(logits, dst, num_segments=N)
    seg_max = jnp.where(jnp.isfinite(seg_max), seg_max, 0.0)
    ex = jnp.exp(logits - jnp.take(seg_max, dst, axis=0))
    denom = jax.ops.segment_sum(ex, dst, num_segments=N)
    w = ex / jnp.take(denom, dst, axis=0)   # [E]
    # neigh = sum(att_w * m) per dst node (scatter-add)
    neigh = jax.ops.segment_sum(w[:, None] * m, dst, num_segments=N)  # [N, d]
    # rst = ReLU(fc_layer(cat[h_self, neigh]))
    rst = jax.nn.relu(jnp.concatenate([x, neigh], axis=1) @ Wfc + bfc)
    return rst

if __name__ == "__main__":
    import jax
    _d = setup_inputs()
    print(jax.jit(kernel)(*tuple(_d.values())))

</pallas_src>

<mosaic_0001>
#map = affine_map<(d0, d1) -> (0, 0)>
#map1 = affine_map<(d0, d1) -> (0)>
#map2 = affine_map<(d0, d1) -> (0, 0, 0)>
module attributes {stable_mosaic.version = 14 : i64} {
  func.func @k(%arg0: i32, %arg1: i32, %arg2: memref<10240x128xbf16, #tpu.memory_space<hbm>>, %arg3: memref<10240x256xbf16, #tpu.memory_space<hbm>>, %arg4: memref<128xf32, #tpu.memory_space<hbm>>, %arg5: memref<327680xi32, #tpu.memory_space<hbm>>, %arg6: memref<2x10240x144xf32, #tpu.memory_space<hbm>>, %arg7: memref<32xi32, #tpu.memory_space<vmem>>, %arg8: memref<32xi32, #tpu.memory_space<vmem>>, %arg9: memref<32xi32, #tpu.memory_space<vmem>>, %arg10: memref<32xi32, #tpu.memory_space<vmem>>, %arg11: memref<32xi32, #tpu.memory_space<vmem>>, %arg12: memref<32xi32, #tpu.memory_space<vmem>>, %arg13: memref<32xi32, #tpu.memory_space<vmem>>, %arg14: memref<32xi32, #tpu.memory_space<vmem>>, %arg15: memref<32x128xbf16, #tpu.memory_space<vmem>>, %arg16: memref<32x128xbf16, #tpu.memory_space<vmem>>, %arg17: memref<32x256xbf16, #tpu.memory_space<vmem>>, %arg18: memref<32x256xbf16, #tpu.memory_space<vmem>>, %arg19: memref<32x144xf32, #tpu.memory_space<vmem>>, %arg20: memref<32x144xf32, #tpu.memory_space<vmem>>, %arg21: memref<128xf32, #tpu.memory_space<vmem>>, %arg22: memref<10240x144xf32, #tpu.memory_space<vmem_shared>>, %arg23: memref<!tpu.dma_semaphore, #tpu.memory_space<semaphore_mem>>, %arg24: memref<!tpu.dma_semaphore, #tpu.memory_space<semaphore_mem>>, %arg25: memref<!tpu.dma_semaphore, #tpu.memory_space<semaphore_mem>>, %arg26: memref<!tpu.dma_semaphore, #tpu.memory_space<semaphore_mem>>, %arg27: memref<!tpu.dma_semaphore, #tpu.memory_space<semaphore_mem>>, %arg28: memref<!tpu.dma_semaphore, #tpu.memory_space<semaphore_mem>>, %arg29: memref<!tpu.dma_semaphore, #tpu.memory_space<semaphore_mem>>, %arg30: memref<!tpu.dma_semaphore, #tpu.memory_space<semaphore_mem>>) attributes {dimension_semantics = [#tpu.dimension_semantics<core_parallel>, #tpu.dimension_semantics<subcore_parallel>], iteration_bounds = array<i64: 2, 16>, scalar_prefetch = 0 : i64, scratch_operands = 24 : i64, tpu.core_type = #tpu.core_type<sc_vector_subcore>, window_params = [{transform_indices = #map}, {transform_indices = #map}, {transform_indices = #map1}, {transform_indices = #map1}, {transform_indices = #map2}]} {
    "tpu.region"() ({
      %run_scoped3A = tpu.sem_alloc : memref<!tpu.dma_semaphore, #tpu.memory_space<semaphore_mem>>
      tpu.enqueue_dma source(%arg4 : memref<128xf32, #tpu.memory_space<hbm>>) target(%arg21 : memref<128xf32, #tpu.memory_space<vmem>>) target_semaphore(%run_scoped3A : memref<!tpu.dma_semaphore, #tpu.memory_space<semaphore_mem>>)
      tpu.wait_dma2 semaphore(%run_scoped3A : memref<!tpu.dma_semaphore, #tpu.memory_space<semaphore_mem>>) src(%arg4 : memref<128xf32, #tpu.memory_space<hbm>>) dst(%arg21 : memref<128xf32, #tpu.memory_space<vmem>>)
      tpu.yield
    }) : () -> ()
    %broadcast_in_dim3A = arith.constant 0.000000e+00 : f32
    %broadcast_in_dim3A_0 = vector.broadcast %broadcast_in_dim3A : f32 to vector<16xf32>
    %iota3A = tpu.iota {dimensions = array<i32: 0>} : vector<16xi32>
    %eq3A = arith.constant 0 : i32
    %eq3A_1 = vector.broadcast %eq3A : i32 to vector<16xi32>
    %eq3A_2 = arith.cmpi eq, %iota3A, %eq3A_1 : vector<16xi32>
    %jit3A = arith.constant 1.000000e+00 : f32
    %jit3A_3 = arith.constant 0.000000e+00 : f32
    %broadcast_in_dim3A_4 = vector.broadcast %jit3A : f32 to vector<16xf32>
    %broadcast_in_dim3A_5 = vector.broadcast %jit3A_3 : f32 to vector<16xf32>
    %select_n3A = arith.select %eq3A_2, %broadcast_in_dim3A_4, %broadcast_in_dim3A_5 : vector<16xi1>, vector<16xf32>
    %iota3A_6 = tpu.iota {dimensions = array<i32: 0>} : vector<16xi32>
    %xor3A = arith.constant 1 : i32
    %xor3A_7 = vector.broadcast %xor3A : i32 to vector<16xi32>
    %xor3A_8 = arith.xori %iota3A_6, %xor3A_7 : vector<16xi32>
    %iota3A_9 = tpu.iota {dimensions = array<i32: 0>} : vector<16xi32>
    %xor3A_10 = arith.constant 2 : i32
    %xor3A_11 = vector.broadcast %xor3A_10 : i32 to vector<16xi32>
    %xor3A_12 = arith.xori %iota3A_9, %xor3A_11 : vector<16xi32>
    %iota3A_13 = tpu.iota {dimensions = array<i32: 0>} : vector<16xi32>
    %xor3A_14 = arith.constant 4 : i32
    %xor3A_15 = vector.broadcast %xor3A_14 : i32 to vector<16xi32>
    %xor3A_16 = arith.xori %iota3A_13, %xor3A_15 : vector<16xi32>
    %iota3A_17 = tpu.iota {dimensions = array<i32: 0>} : vector<16xi32>
    %xor3A_18 = arith.constant 8 : i32
    %xor3A_19 = vector.broadcast %xor3A_18 : i32 to vector<16xi32>
    %xor3A_20 = arith.xori %iota3A_17, %xor3A_19 : vector<16xi32>
    %get3A = arith.constant 0 : index
    %get3A_21 = tpu.vector_load %arg21[%get3A] {strides = array<i32>} : memref<128xf32, #tpu.memory_space<vmem>>, vector<16xf32>,
    %get3A_22 = arith.constant 16 : index
    %get3A_23 = tpu.vector_load %arg21[%get3A_22] {strides = array<i32>} : memref<128xf32, #tpu.memory_space<vmem>>, vector<16xf32>,
    %get3A_24 = arith.constant 32 : index
    %get3A_25 = tpu.vector_load %arg21[%get3A_24] {strides = array<i32>} : memref<128xf32, #tpu.memory_space<vmem>>, vector<16xf32>,
    %get3A_26 = arith.constant 48 : index
    %get3A_27 = tpu.vector_load %arg21[%get3A_26] {strides = array<i32>} : memref<128xf32, #tpu.memory_space<vmem>>, vector<16xf32>,
    %get3A_28 = arith.constant 64 : index
    %get3A_29 = tpu.vector_load %arg21[%get3A_28] {strides = array<i32>} : memref<128xf32, #tpu.memory_space<vmem>>, vector<16xf32>,
    %get3A_30 = arith.constant 80 : index
    %get3A_31 = tpu.vector_load %arg21[%get3A_30] {strides = array<i32>} : memref<128xf32, #tpu.memory_space<vmem>>, vector<16xf32>,
    %get3A_32 = arith.constant 96 : index
    %get3A_33 = tpu.vector_load %arg21[%get3A_32] {strides = array<i32>} : memref<128xf32, #tpu.memory_space<vmem>>, vector<16xf32>,
    %get3A_34 = arith.constant 112 : index
    %get3A_35 = tpu.vector_load %arg21[%get3A_34] {strides = array<i32>} : memref<128xf32, #tpu.memory_space<vmem>>, vector<16xf32>,
    %add3A = arith.addf %broadcast_in_dim3A_0, %get3A_21 : vector<16xf32>
    %add3A_36 = arith.addf %add3A, %get3A_23 : vector<16xf32>
    %add3A_37 = arith.addf %add3A_36, %get3A_25 : vector<16xf32>
    %add3A_38 = arith.addf %add3A_37, %get3A_27 : vector<16xf32>
    %add3A_39 = arith.addf %add3A_38, %get3A_29 : vector<16xf32>
    %add3A_40 = arith.addf %add3A_39, %get3A_31 : vector<16xf32>
    %add3A_41 = arith.addf %add3A_40, %get3A_33 : vector<16xf32>
    %add3A_42 = arith.addf %add3A_41, %get3A_35 : vector<16xf32>
    %lt3A = arith.constant 0 : i32
    %lt3A_43 = vector.broadcast %lt3A : i32 to vector<16xi32>
    %lt3A_44 = arith.cmpi slt, %xor3A_8, %lt3A_43 : vector<16xi32>
    %add3A_45 = arith.constant 16 : i32
    %add3A_46 = vector.broadcast %add3A_45 : i32 to vector<16xi32>
    %add3A_47 = arith.addi %xor3A_8, %add3A_46 : vector<16xi32>
    %select_n3A_48 = arith.select %lt3A_44, %add3A_47, %xor3A_8 : vector<16xi1>, vector<16xi32>
    %broadcast_in_dim3A_49 = vector.shape_cast %select_n3A_48 : vector<16xi32> to vector<16x1xi32>
    %gather3A = vector.shape_cast %broadcast_in_dim3A_49 : vector<16x1xi32> to vector<16xi32>
    %gather3A_50 = tpu.dynamic_gather %add3A_42[%gather3A] in [0] : vector<16xf32>, vector<16xi32> -> vector<16xf32>
    %add3A_51 = arith.addf %add3A_42, %gather3A_50 : vector<16xf32>
    %lt3A_52 = arith.constant 0 : i32
    %lt3A_53 = vector.broadcast %lt3A_52 : i32 to vector<16xi32>
    %lt3A_54 = arith.cmpi slt, %xor3A_12, %lt3A_53 : vector<16xi32>
    %add3A_55 = arith.constant 16 : i32
    %add3A_56 = vector.broadcast %add3A_55 : i32 to vector<16xi32>
    %add3A_57 = arith.addi %xor3A_12, %add3A_56 : vector<16xi32>
    %select_n3A_58 = arith.select %lt3A_54, %add3A_57, %xor3A_12 : vector<16xi1>, vector<16xi32>
    %broadcast_in_dim3A_59 = vector.shape_cast %select_n3A_58 : vector<16xi32> to vector<16x1xi32>
    %gather3A_60 = vector.shape_cast %broadcast_in_dim3A_59 : vector<16x1xi32> to vector<16xi32>
    %gather3A_61 = tpu.dynamic_gather %add3A_51[%gather3A_60] in [0] : vector<16xf32>, vector<16xi32> -> vector<16xf32>
    %add3A_62 = arith.addf %add3A_51, %gather3A_61 : vector<16xf32>
    %lt3A_63 = arith.constant 0 : i32
    %lt3A_64 = vector.broadcast %lt3A_63 : i32 to vector<16xi32>
    %lt3A_65 = arith.cmpi slt, %xor3A_16, %lt3A_64 : vector<16xi32>
    %add3A_66 = arith.constant 16 : i32
    %add3A_67 = vector.broadcast %add3A_66 : i32 to vector<16xi32>
    %add3A_68 = arith.addi %xor3A_16, %add3A_67 : vector<16xi32>
    %select_n3A_69 = arith.select %lt3A_65, %add3A_68, %xor3A_16 : vector<16xi1>, vector<16xi32>
    %broadcast_in_dim3A_70 = vector.shape_cast %select_n3A_69 : vector<16xi32> to vector<16x1xi32>
    %gather3A_71 = vector.shape_cast %broadcast_in_dim3A_70 : vector<16x1xi32> to vector<16xi32>
    %gather3A_72 = tpu.dynamic_gather %add3A_62[%gather3A_71] in [0] : vector<16xf32>, vector<16xi32> -> vector<16xf32>
    %add3A_73 = arith.addf %add3A_62, %gather3A_72 : vector<16xf32>
    %lt3A_74 = arith.constant 0 : i32
    %lt3A_75 = vector.broadcast %lt3A_74 : i32 to vector<16xi32>
    %lt3A_76 = arith.cmpi slt, %xor3A_20, %lt3A_75 : vector<16xi32>
    %add3A_77 = arith.constant 16 : i32
    %add3A_78 = vector.broadcast %add3A_77 : i32 to vector<16xi32>
    %add3A_79 = arith.addi %xor3A_20, %add3A_78 : vector<16xi32>
    %select_n3A_80 = arith.select %lt3A_76, %add3A_79, %xor3A_20 : vector<16xi1>, vector<16xi32>
    %broadcast_in_dim3A_81 = vector.shape_cast %select_n3A_80 : vector<16xi32> to vector<16x1xi32>
    %gather3A_82 = vector.shape_cast %broadcast_in_dim3A_81 : vector<16x1xi32> to vector<16xi32>
    %gather3A_83 = tpu.dynamic_gather %add3A_73[%gather3A_82] in [0] : vector<16xf32>, vector<16xi32> -> vector<16xf32>
    %add3A_84 = arith.addf %add3A_73, %gather3A_83 : vector<16xf32>
    %scan3A = arith.constant 0 : i32
    %scan3A_85 = arith.constant 32 : i32
    %scan3A_86 = arith.addi %scan3A, %scan3A_85 : i32
    %scan3A_87 = arith.constant 1 : i32
    scf.for %scan3A_143 = %scan3A to %scan3A_86 step %scan3A_87  : i32 {
      %swap3A_144 = arith.index_cast %scan3A_143 : i32 to index
      %swap3A_145 = arith.constant 0 : index
      %swap3A_146 = tpu.vector_load %arg19[%swap3A_144, %swap3A_145] {strides = array<i32>} : memref<32x144xf32, #tpu.memory_space<vmem>>, vector<16xf32>,
      tpu.vector_store %arg19[%swap3A_144, %swap3A_145], %broadcast_in_dim3A_0 {strides = array<i32>} : memref<32x144xf32, #tpu.memory_space<vmem>>, vector<16xf32>,
      %swap3A_147 = arith.index_cast %scan3A_143 : i32 to index
      %swap3A_148 = arith.constant 16 : index
      %swap3A_149 = tpu.vector_load %arg19[%swap3A_147, %swap3A_148] {strides = array<i32>} : memref<32x144xf32, #tpu.memory_space<vmem>>, vector<16xf32>,
      tpu.vector_store %arg19[%swap3A_147, %swap3A_148], %broadcast_in_dim3A_0 {strides = array<i32>} : memref<32x144xf32, #tpu.memory_space<vmem>>, vector<16xf32>,
      %swap3A_150 = arith.index_cast %scan3A_143 : i32 to index
      %swap3A_151 = arith.constant 32 : index
      %swap3A_152 = tpu.vector_load %arg19[%swap3A_150, %swap3A_151] {strides = array<i32>} : memref<32x144xf32, #tpu.memory_space<vmem>>, vector<16xf32>,
      tpu.vector_store %arg19[%swap3A_150, %swap3A_151], %broadcast_in_dim3A_0 {strides = array<i32>} : memref<32x144xf32, #tpu.memory_space<vmem>>, vector<16xf32>,
      %swap3A_153 = arith.index_cast %scan3A_143 : i32 to index
      %swap3A_154 = arith.constant 48 : index
      %swap3A_155 = tpu.vector_load %arg19[%swap3A_153, %swap3A_154] {strides = array<i32>} : memref<32x144xf32, #tpu.memory_space<vmem>>, vector<16xf32>,
      tpu.vector_store %arg19[%swap3A_153, %swap3A_154], %broadcast_in_dim3A_0 {strides = array<i32>} : memref<32x144xf32, #tpu.memory_space<vmem>>, vector<16xf32>,
      %swap3A_156 = arith.index_cast %scan3A_143 : i32 to index
      %swap3A_157 = arith.constant 64 : index
      %swap3A_158 = tpu.vector_load %arg19[%swap3A_156, %swap3A_157] {strides = array<i32>} : memref<32x144xf32, #tpu.memory_space<vmem>>, vector<16xf32>,
      tpu.vector_store %arg19[%swap3A_156, %swap3A_157], %broadcast_in_dim3A_0 {strides = array<i32>} : memref<32x144xf32, #tpu.memory_space<vmem>>, vector<16xf32>,
      %swap3A_159 = arith.index_cast %scan3A_143 : i32 to index
      %swap3A_160 = arith.constant 80 : index
      %swap3A_161 = tpu.vector_load %arg19[%swap3A_159, %swap3A_160] {strides = array<i32>} : memref<32x144xf32, #tpu.memory_space<vmem>>, vector<16xf32>,
      tpu.vector_store %arg19[%swap3A_159, %swap3A_160], %broadcast_in_dim3A_0 {strides = array<i32>} : memref<32x144xf32, #tpu.memory_space<vmem>>, vector<16xf32>,
      %swap3A_162 = arith.index_cast %scan3A_143 : i32 to index
      %swap3A_163 = arith.constant 96 : index
      %swap3A_164 = tpu.vector_load %arg19[%swap3A_162, %swap3A_163] {strides = array<i32>} : memref<32x144xf32, #tpu.memory_space<vmem>>, vector<16xf32>,
      tpu.vector_store %arg19[%swap3A_162, %swap3A_163], %broadcast_in_dim3A_0 {strides = array<i32>} : memref<32x144xf32, #tpu.memory_space<vmem>>, vector<16xf32>,
      %swap3A_165 = arith.index_cast %scan3A_143 : i32 to index
      %swap3A_166 = arith.constant 112 : index
      %swap3A_167 = tpu.vector_load %arg19[%swap3A_165, %swap3A_166] {strides = array<i32>} : memref<32x144xf32, #tpu.memory_space<vmem>>, vector<16xf32>,
      tpu.vector_store %arg19[%swap3A_165, %swap3A_166], %broadcast_in_dim3A_0 {strides = array<i32>} : memref<32x144xf32, #tpu.memory_space<vmem>>, vector<16xf32>,
      %swap3A_168 = arith.index_cast %scan3A_143 : i32 to index
      %swap3A_169 = arith.constant 128 : index
      %swap3A_170 = tpu.vector_load %arg19[%swap3A_168, %swap3A_169] {strides = array<i32>} : memref<32x144xf32, #tpu.memory_space<vmem>>, vector<16xf32>,
      tpu.vector_store %arg19[%swap3A_168, %swap3A_169], %broadcast_in_dim3A_0 {strides = array<i32>} : memref<32x144xf32, #tpu.memory_space<vmem>>, vector<16xf32>,
    }
    %scan3A_88 = arith.constant 32 : i32
    %scan3A_89 = arith.constant 0 : i32
    %scan3A_90 = arith.constant 20 : i32
    %scan3A_91 = arith.addi %scan3A_89, %scan3A_90 : i32
    %scan3A_92 = arith.constant 1 : i32
    scf.for %scan3A_143 = %scan3A_89 to %scan3A_91 step %scan3A_92  : i32 {
      %mul3A_144 = arith.constant 640 : i32
      %mul3A_145 = arith.muli %arg1, %mul3A_144 : i32
      %mul3A_146 = arith.constant 32 : i32
      %mul3A_147 = arith.muli %scan3A_143, %mul3A_146 : i32
      %add3A_148 = arith.addi %mul3A_145, %mul3A_147 : i32
      "tpu.region"() ({
        %run_scoped3A = tpu.sem_alloc : memref<!tpu.dma_semaphore, #tpu.memory_space<semaphore_mem>>
        %dma_start3A_149 = arith.constant 0 : i32
        %dma_start3A_150 = tpu.memref_slice %arg22[%add3A_148, %dma_start3A_149] : memref<10240x144xf32, #tpu.memory_space<vmem_shared>> -> memref<32x144xf32, #tpu.memory_space<vmem_shared>>
        %dma_start3A_151 = arith.constant 0 : i32
        %dma_start3A_152 = tpu.memref_slice %arg22[%add3A_148, %dma_start3A_151] : memref<10240x144xf32, #tpu.memory_space<vmem_shared>> -> memref<32x144xf32, #tpu.memory_space<vmem_shared>>
        tpu.enqueue_dma source(%arg19 : memref<32x144xf32, #tpu.memory_space<vmem>>) target(%dma_start3A_152 : memref<32x144xf32, #tpu.memory_space<vmem_shared>>) target_semaphore(%run_scoped3A : memref<!tpu.dma_semaphore, #tpu.memory_space<semaphore_mem>>)
        %dma_wait3A_153 = arith.constant 0 : i32
        %dma_wait3A_154 = tpu.memref_slice %arg22[%add3A_148, %dma_wait3A_153] : memref<10240x144xf32, #tpu.memory_space<vmem_shared>> -> memref<32x144xf32, #tpu.memory_space<vmem_shared>>
        %dma_wait3A_155 = arith.constant 0 : i32
        %dma_wait3A_156 = tpu.memref_slice %arg22[%add3A_148, %dma_wait3A_155] : memref<10240x144xf32, #tpu.memory_space<vmem_shared>> -> memref<32x144xf32, #tpu.memory_space<vmem_shared>>
        tpu.wait_dma2 semaphore(%run_scoped3A : memref<!tpu.dma_semaphore, #tpu.memory_space<semaphore_mem>>) src(%arg19 : memref<32x144xf32, #tpu.memory_space<vmem>>) dst(%dma_wait3A_156 : memref<32x144xf32, #tpu.memory_space<vmem_shared>>)
        tpu.yield
      }) : () -> ()
    }
    %scan3A_93 = arith.constant 20 : i32
    %barrier3A = arith.constant 0 : index
    tpu.barrier barrier_id(%barrier3A)
    %mul3A = arith.constant 16 : i32
    %mul3A_94 = arith.muli %arg0, %mul3A : i32
    %add3A_95 = arith.addi %mul3A_94, %arg1 : i32
    %mul3A_96 = arith.constant 10240 : i32
    %mul3A_97 = arith.muli %add3A_95, %mul3A_96 : i32
    "tpu.region"() ({
      %run_scoped3A = tpu.sem_alloc : memref<!tpu.dma_semaphore, #tpu.memory_space<semaphore_mem>>
      %dma_start3A_143 = tpu.memref_slice %arg5[%mul3A_97] : memref<327680xi32, #tpu.memory_space<hbm>> -> memref<32xi32, #tpu.memory_space<hbm>>
      %dma_start3A_144 = tpu.memref_slice %arg5[%mul3A_97] : memref<327680xi32, #tpu.memory_space<hbm>> -> memref<32xi32, #tpu.memory_space<hbm>>
      tpu.enqueue_dma source(%dma_start3A_144 : memref<32xi32, #tpu.memory_space<hbm>>) target(%arg7 : memref<32xi32, #tpu.memory_space<vmem>>) target_semaphore(%run_scoped3A : memref<!tpu.dma_semaphore, #tpu.memory_space<semaphore_mem>>)
      %dma_wait3A_145 = tpu.memref_slice %arg5[%mul3A_97] : memref<327680xi32, #tpu.memory_space<hbm>> -> memref<32xi32, #tpu.memory_space<hbm>>
      %dma_wait3A_146 = tpu.memref_slice %arg5[%mul3A_97] : memref<327680xi32, #tpu.memory_space<hbm>> -> memref<32xi32, #tpu.memory_space<hbm>>
      tpu.wait_dma2 semaphore(%run_scoped3A : memref<!tpu.dma_semaphore, #tpu.memory_space<semaphore_mem>>) src(%dma_wait3A_146 : memref<32xi32, #tpu.memory_space<hbm>>) dst(%arg7 : memref<32xi32, #tpu.memory_space<vmem>>)
      tpu.yield
    }) : () -> ()
    %get3A_98 = arith.constant 0 : index
    %get3A_99 = tpu.vector_load %arg7[%get3A_98] {strides = array<i32>} : memref<32xi32, #tpu.memory_space<vmem>>, vector<16xi32>,
    %and3A = arith.constant 65535 : i32
    %and3A_100 = vector.broadcast %and3A : i32 to vector<16xi32>
    %and3A_101 = arith.andi %get3A_99, %and3A_100 : vector<16xi32>
    %swap3A = arith.constant 0 : index
    %swap3A_102 = tpu.vector_load %arg9[%swap3A] {strides = array<i32>} : memref<32xi32, #tpu.memory_space<vmem>>, vector<16xi32>,
    tpu.vector_store %arg9[%swap3A], %and3A_101 {strides = array<i32>} : memref<32xi32, #tpu.memory_space<vmem>>, vector<16xi32>,
    %shift_right_logical3A = arith.constant 16 : i32
    %shift_right_logical3A_103 = vector.broadcast %shift_right_logical3A : i32 to vector<16xi32>
    %shift_right_logical3A_104 = arith.shrui %get3A_99, %shift_right_logical3A_103 : vector<16xi32>
    %swap3A_105 = arith.constant 0 : index
    %swap3A_106 = tpu.vector_load %arg11[%swap3A_105] {strides = array<i32>} : memref<32xi32, #tpu.memory_space<vmem>>, vector<16xi32>,
    tpu.vector_store %arg11[%swap3A_105], %shift_right_logical3A_104 {strides = array<i32>} : memref<32xi32, #tpu.memory_space<vmem>>, vector<16xi32>,
    %get3A_107 = arith.constant 16 : index
    %get3A_108 = tpu.vector_load %arg7[%get3A_107] {strides = array<i32>} : memref<32xi32, #tpu.memory_space<vmem>>, vector<16xi32>,
    %and3A_109 = arith.constant 65535 : i32
    %and3A_110 = vector.broadcast %and3A_109 : i32 to vector<16xi32>
    %and3A_111 = arith.andi %get3A_108, %and3A_110 : vector<16xi32>
    %swap3A_112 = arith.constant 16 : index
    %swap3A_113 = tpu.vector_load %arg9[%swap3A_112] {strides = array<i32>} : memref<32xi32, #tpu.memory_space<vmem>>, vector<16xi32>,
    tpu.vector_store %arg9[%swap3A_112], %and3A_111 {strides = array<i32>} : memref<32xi32, #tpu.memory_space<vmem>>, vector<16xi32>,
    %shift_right_logical3A_114 = arith.constant 16 : i32
    %shift_right_logical3A_115 = vector.broadcast %shift_right_logical3A_114 : i32 to vector<16xi32>
    %shift_right_logical3A_116 = arith.shrui %get3A_108, %shift_right_logical3A_115 : vector<16xi32>
    %swap3A_117 = arith.constant 16 : index
    %swap3A_118 = tpu.vector_load %arg11[%swap3A_117] {strides = array<i32>} : memref<32xi32, #tpu.memory_space<vmem>>, vector<16xi32>,
    tpu.vector_store %arg11[%swap3A_117], %shift_right_logical3A_116 {strides = array<i32>} : memref<32xi32, #tpu.memory_space<vmem>>, vector<16xi32>,
    %dma_start3A = arith.constant 0 : i32
    %dma_start3A_119 = arith.constant 0 : i32
    %dma_start3A_120 = tpu.memref_slice %arg2[%dma_start3A, %dma_start3A_119] : memref<10240x128xbf16, #tpu.memory_space<hbm>> -> memref<10240x128xbf16, #tpu.memory_space<hbm>>
    tpu.enqueue_indirect_dma source(%dma_start3A_120 : memref<10240x128xbf16, #tpu.memory_space<hbm>>) target(%arg15 : memref<32x128xbf16, #tpu.memory_space<vmem>>) offsets(%arg11 : memref<32xi32, #tpu.memory_space<vmem>>) semaphore(%arg23 : memref<!tpu.dma_semaphore, #tpu.memory_space<semaphore_mem>>)
    %dma_start3A_121 = arith.constant 0 : i32
    %dma_start3A_122 = arith.constant 0 : i32
    %dma_start3A_123 = tpu.memref_slice %arg3[%dma_start3A_121, %dma_start3A_122] : memref<10240x256xbf16, #tpu.memory_space<hbm>> -> memref<10240x256xbf16, #tpu.memory_space<hbm>>
    tpu.enqueue_indirect_dma source(%dma_start3A_123 : memref<10240x256xbf16, #tpu.memory_space<hbm>>) target(%arg17 : memref<32x256xbf16, #tpu.memory_space<vmem>>) offsets(%arg9 : memref<32xi32, #tpu.memory_space<vmem>>) semaphore(%arg25 : memref<!tpu.dma_semaphore, #tpu.memory_space<semaphore_mem>>)
    %add3A_124 = arith.constant 32 : i32
    %add3A_125 = arith.addi %mul3A_97, %add3A_124 : i32
    %dma_start3A_126 = tpu.memref_slice %arg5[%add3A_125] : memref<327680xi32, #tpu.memory_space<hbm>> -> memref<32xi32, #tpu.memory_space<hbm>>
    %dma_start3A_127 = tpu.memref_slice %arg5[%add3A_125] : memref<327680xi32, #tpu.memory_space<hbm>> -> memref<32xi32, #tpu.memory_space<hbm>>
    tpu.enqueue_dma source(%dma_start3A_127 : memref<32xi32, #tpu.memory_space<hbm>>) target(%arg8 : memref<32xi32, #tpu.memory_space<vmem>>) target_semaphore(%arg30 : memref<!tpu.dma_semaphore, #tpu.memory_space<semaphore_mem>>)
    %scan3A_128 = arith.constant 0 : i32
    %scan3A_129 = arith.constant 160 : i32
    %scan3A_130 = arith.addi %scan3A_128, %scan3A_129 : i32
    %scan3A_131 = arith.constant 1 : i32
    scf.for %scan3A_143 = %scan3A_128 to %scan3A_130 step %scan3A_131  : i32 {
      %mul3A_144 = arith.constant 2 : i32
      %mul3A_145 = arith.muli %scan3A_143, %mul3A_144 : i32
      %add3A_146 = arith.constant 0 : i32
      %add3A_147 = arith.addi %mul3A_145, %add3A_146 : i32
      %add3A_148 = arith.constant 1 : i32
      %add3A_149 = arith.addi %add3A_147, %add3A_148 : i32
      %lt3A_150 = arith.constant 320 : i32
      %lt3A_151 = arith.cmpi slt, %add3A_149, %lt3A_150 : i32
      %convert_element_type3A = arith.extui %lt3A_151 : i1 to i32
      %cond3A = arith.constant 0 : i32
      %cond3A_152 = arith.cmpi ne, %convert_element_type3A, %cond3A : i32
      scf.if %cond3A_152 {
        %add3A_226 = arith.constant 1 : i32
        %add3A_227 = arith.addi %add3A_147, %add3A_226 : i32
        %mul3A_228 = arith.constant 32 : i32
        %mul3A_229 = arith.muli %add3A_227, %mul3A_228 : i32
        %add3A_230 = arith.addi %mul3A_97, %mul3A_229 : i32
        %dma_wait3A_231 = tpu.memref_slice %arg5[%add3A_230] : memref<327680xi32, #tpu.memory_space<hbm>> -> memref<32xi32, #tpu.memory_space<hbm>>
        %dma_wait3A_232 = tpu.memref_slice %arg5[%add3A_230] : memref<327680xi32, #tpu.memory_space<hbm>> -> memref<32xi32, #tpu.memory_space<hbm>>
        tpu.wait_dma2 semaphore(%arg30 : memref<!tpu.dma_semaphore, #tpu.memory_space<semaphore_mem>>) src(%dma_wait3A_232 : memref<32xi32, #tpu.memory_space<hbm>>) dst(%arg8 : memref<32xi32, #tpu.memory_space<vmem>>)
        %get3A_233 = arith.constant 0 : index
        %get3A_234 = tpu.vector_load %arg8[%get3A_233] {strides = array<i32>} : memref<32xi32, #tpu.memory_space<vmem>>, vector<16xi32>,
        %and3A_235 = arith.constant 65535 : i32
        %and3A_236 = vector.broadcast %and3A_235 : i32 to vector<16xi32>
        %and3A_237 = arith.andi %get3A_234, %and3A_236 : vector<16xi32>
        %swap3A_238 = arith.constant 0 : index
        %swap3A_239 = tpu.vector_load %arg10[%swap3A_238] {strides = array<i32>} : memref<32xi32, #tpu.memory_space<vmem>>, vector<16xi32>,
        tpu.vector_store %arg10[%swap3A_238], %and3A_237 {strides = array<i32>} : memref<32xi32, #tpu.memory_space<vmem>>, vector<16xi32>,
        %shift_right_logical3A_240 = arith.constant 16 : i32
        %shift_right_logical3A_241 = vector.broadcast %shift_right_logical3A_240 : i32 to vector<16xi32>
        %shift_right_logical3A_242 = arith.shrui %get3A_234, %shift_right_logical3A_241 : vector<16xi32>
        %swap3A_243 = arith.constant 0 : index
        %swap3A_244 = tpu.vector_load %arg12[%swap3A_243] {strides = array<i32>} : memref<32xi32, #tpu.memory_space<vmem>>, vector<16xi32>,
        tpu.vector_store %arg12[%swap3A_243], %shift_right_logical3A_242 {strides = array<i32>} : memref<32xi32, #tpu.memory_space<vmem>>, vector<16xi32>,
        %get3A_245 = arith.constant 16 : index
        %get3A_246 = tpu.vector_load %arg8[%get3A_245] {strides = array<i32>} : memref<32xi32, #tpu.memory_space<vmem>>, vector<16xi32>,
        %and3A_247 = arith.constant 65535 : i32
        %and3A_248 = vector.broadcast %and3A_247 : i32 to vector<16xi32>
        %and3A_249 = arith.andi %get3A_246, %and3A_248 : vector<16xi32>
        %swap3A_250 = arith.constant 16 : index
        %swap3A_251 = tpu.vector_load %arg10[%swap3A_250] {strides = array<i32>} : memref<32xi32, #tpu.memory_space<vmem>>, vector<16xi32>,
        tpu.vector_store %arg10[%swap3A_250], %and3A_249 {strides = array<i32>} : memref<32xi32, #tpu.memory_space<vmem>>, vector<16xi32>,
        %shift_right_logical3A_252 = arith.constant 16 : i32
        %shift_right_logical3A_253 = vector.broadcast %shift_right_logical3A_252 : i32 to vector<16xi32>
        %shift_right_logical3A_254 = arith.shrui %get3A_246, %shift_right_logical3A_253 : vector<16xi32>
        %swap3A_255 = arith.constant 16 : index
        %swap3A_256 = tpu.vector_load %arg12[%swap3A_255] {strides = array<i32>} : memref<32xi32, #tpu.memory_space<vmem>>, vector<16xi32>,
        tpu.vector_store %arg12[%swap3A_255], %shift_right_logical3A_254 {strides = array<i32>} : memref<32xi32, #tpu.memory_space<vmem>>, vector<16xi32>,
        %dma_start3A_257 = arith.constant 0 : i32
        %dma_start3A_258 = arith.constant 0 : i32
        %dma_start3A_259 = tpu.memref_slice %arg2[%dma_start3A_257, %dma_start3A_258] : memref<10240x128xbf16, #tpu.memory_space<hbm>> -> memref<10240x128xbf16, #tpu.memory_space<hbm>>
        tpu.enqueue_indirect_dma source(%dma_start3A_259 : memref<10240x128xbf16, #tpu.memory_space<hbm>>) target(%arg16 : memref<32x128xbf16, #tpu.memory_space<vmem>>) offsets(%arg12 : memref<32xi32, #tpu.memory_space<vmem>>) semaphore(%arg24 : memref<!tpu.dma_semaphore, #tpu.memory_space<semaphore_mem>>)
        %dma_start3A_260 = arith.constant 0 : i32
        %dma_start3A_261 = arith.constant 0 : i32
        %dma_start3A_262 = tpu.memref_slice %arg3[%dma_start3A_260, %dma_start3A_261] : memref<10240x256xbf16, #tpu.memory_space<hbm>> -> memref<10240x256xbf16, #tpu.memory_space<hbm>>
        tpu.enqueue_indirect_dma source(%dma_start3A_262 : memref<10240x256xbf16, #tpu.memory_space<hbm>>) target(%arg18 : memref<32x256xbf16, #tpu.memory_space<vmem>>) offsets(%arg10 : memref<32xi32, #tpu.memory_space<vmem>>) semaphore(%arg26 : memref<!tpu.dma_semaphore, #tpu.memory_space<semaphore_mem>>)
      } else {
      }
      %add3A_153 = arith.constant 2 : i32
      %add3A_154 = arith.addi %add3A_147, %add3A_153 : i32
      %lt3A_155 = arith.constant 320 : i32
      %lt3A_156 = arith.cmpi slt, %add3A_154, %lt3A_155 : i32
      %convert_element_type3A_157 = arith.extui %lt3A_156 : i1 to i32
      %cond3A_158 = arith.constant 0 : i32
      %cond3A_159 = arith.cmpi ne, %convert_element_type3A_157, %cond3A_158 : i32
      scf.if %cond3A_159 {
        %add3A_226 = arith.constant 2 : i32
        %add3A_227 = arith.addi %add3A_147, %add3A_226 : i32
        %mul3A_228 = arith.constant 32 : i32
        %mul3A_229 = arith.muli %add3A_227, %mul3A_228 : i32
        %add3A_230 = arith.addi %mul3A_97, %mul3A_229 : i32
        %dma_start3A_231 = tpu.memref_slice %arg5[%add3A_230] : memref<327680xi32, #tpu.memory_space<hbm>> -> memref<32xi32, #tpu.memory_space<hbm>>
        %dma_start3A_232 = tpu.memref_slice %arg5[%add3A_230] : memref<327680xi32, #tpu.memory_space<hbm>> -> memref<32xi32, #tpu.memory_space<hbm>>
        tpu.enqueue_dma source(%dma_start3A_232 : memref<32xi32, #tpu.memory_space<hbm>>) target(%arg7 : memref<32xi32, #tpu.memory_space<vmem>>) target_semaphore(%arg29 : memref<!tpu.dma_semaphore, #tpu.memory_space<semaphore_mem>>)
      } else {
      }
      %dma_wait3A_160 = arith.constant 0 : i32
      %dma_wait3A_161 = arith.constant 0 : i32
      %dma_wait3A_162 = tpu.memref_slice %arg2[%dma_wait3A_160, %dma_wait3A_161] : memref<10240x128xbf16, #tpu.memory_space<hbm>> -> memref<10240x128xbf16, #tpu.memory_space<hbm>>
      tpu.wait_indirect_dma semaphore(%arg23 : memref<!tpu.dma_semaphore, #tpu.memory_space<semaphore_mem>>) src(%dma_wait3A_162 : memref<10240x128xbf16, #tpu.memory_space<hbm>>) dst(%arg15 : memref<32x128xbf16, #tpu.memory_space<vmem>>)
      %dma_wait3A_163 = arith.constant 0 : i32
      %dma_wait3A_164 = arith.constant 0 : i32
      %dma_wait3A_165 = tpu.memref_slice %arg3[%dma_wait3A_163, %dma_wait3A_164] : memref<10240x256xbf16, #tpu.memory_space<hbm>> -> memref<10240x256xbf16, #tpu.memory_space<hbm>>
      tpu.wait_indirect_dma semaphore(%arg25 : memref<!tpu.dma_semaphore, #tpu.memory_space<semaphore_mem>>) src(%dma_wait3A_165 : memref<10240x256xbf16, #tpu.memory_space<hbm>>) dst(%arg17 : memref<32x256xbf16, #tpu.memory_space<vmem>>)
      %ge3A = arith.constant 2 : i32
      %ge3A_166 = arith.cmpi sge, %add3A_147, %ge3A : i32
      %convert_element_type3A_167 = arith.extui %ge3A_166 : i1 to i32
      %cond3A_168 = arith.constant 0 : i32
      %cond3A_169 = arith.cmpi ne, %convert_element_type3A_167, %cond3A_168 : i32
      scf.if %cond3A_169 {
        %dma_wait3A_226 = arith.constant 0 : i32
        %dma_wait3A_227 = arith.constant 0 : i32
        %dma_wait3A_228 = tpu.memref_slice %arg22[%dma_wait3A_226, %dma_wait3A_227] : memref<10240x144xf32, #tpu.memory_space<vmem_shared>> -> memref<10240x144xf32, #tpu.memory_space<vmem_shared>>
        tpu.wait_indirect_dma semaphore(%arg27 : memref<!tpu.dma_semaphore, #tpu.memory_space<semaphore_mem>>) src(%arg19 : memref<32x144xf32, #tpu.memory_space<vmem>>) dst(%dma_wait3A_228 : memref<10240x144xf32, #tpu.memory_space<vmem_shared>>)
      } else {
      }
      %parallel_loop3A = arith.constant 0 : i32
      %parallel_loop3A_170 = arith.constant 32 : i32
      %parallel_loop3A_171 = arith.constant 1 : i32
      scf.for %parallel_loop3A_226 = %parallel_loop3A to %parallel_loop3A_170 step %parallel_loop3A_171  : i32 {
        %parallel_loop3A_227 = arith.index_cast %parallel_loop3A_226 : i32 to index
        %parallel_loop3A_228 = arith.constant 0 : index
        %parallel_loop3A_229 = tpu.vector_load %arg15[%parallel_loop3A_227, %parallel_loop3A_228] {strides = array<i32>} : memref<32x128xbf16, #tpu.memory_space<vmem>>, vector<32xbf16>,
        %parallel_loop3A_230 = tpu.unpack_subelements %parallel_loop3A_229, 0 {pack_format = #tpu.pack_format<interleaved>} : vector<32xbf16> -> vector<16xf32>
        %parallel_loop3A_231 = tpu.unpack_subelements %parallel_loop3A_229, 1 {pack_format = #tpu.pack_format<interleaved>} : vector<32xbf16> -> vector<16xf32>
        %parallel_loop3A_232 = arith.index_cast %parallel_loop3A_226 : i32 to index
        %parallel_loop3A_233 = arith.constant 0 : index
        %parallel_loop3A_234 = tpu.vector_load %arg17[%parallel_loop3A_232, %parallel_loop3A_233] {strides = array<i32>} : memref<32x256xbf16, #tpu.memory_space<vmem>>, vector<32xbf16>,
        %parallel_loop3A_235 = tpu.unpack_subelements %parallel_loop3A_234, 0 {pack_format = #tpu.pack_format<interleaved>} : vector<32xbf16> -> vector<16xf32>
        %parallel_loop3A_236 = tpu.unpack_subelements %parallel_loop3A_234, 1 {pack_format = #tpu.pack_format<interleaved>} : vector<32xbf16> -> vector<16xf32>
        %parallel_loop3A_237 = arith.addf %parallel_loop3A_230, %parallel_loop3A_235 : vector<16xf32>
        %parallel_loop3A_238 = math.exp %parallel_loop3A_237 : vector<16xf32>
        %parallel_loop3A_239 = arith.constant 1.000000e+00 : f32
        %parallel_loop3A_240 = vector.broadcast %parallel_loop3A_239 : f32 to vector<16xf32>
        %parallel_loop3A_241 = arith.addf %parallel_loop3A_238, %parallel_loop3A_240 : vector<16xf32>
        %parallel_loop3A_242 = arith.divf %get3A_21, %parallel_loop3A_241 : vector<16xf32>
        %parallel_loop3A_243 = arith.addf %broadcast_in_dim3A_0, %parallel_loop3A_242 : vector<16xf32>
        %parallel_loop3A_244 = arith.addf %parallel_loop3A_231, %parallel_loop3A_236 : vector<16xf32>
        %parallel_loop3A_245 = math.exp %parallel_loop3A_244 : vector<16xf32>
        %parallel_loop3A_246 = arith.constant 1.000000e+00 : f32
        %parallel_loop3A_247 = vector.broadcast %parallel_loop3A_246 : f32 to vector<16xf32>
        %parallel_loop3A_248 = arith.addf %parallel_loop3A_245, %parallel_loop3A_247 : vector<16xf32>
        %parallel_loop3A_249 = arith.divf %get3A_23, %parallel_loop3A_248 : vector<16xf32>
        %parallel_loop3A_250 = arith.addf %parallel_loop3A_243, %parallel_loop3A_249 : vector<16xf32>
        %parallel_loop3A_251 = arith.index_cast %parallel_loop3A_226 : i32 to index
        %parallel_loop3A_252 = arith.constant 32 : index
        %parallel_loop3A_253 = tpu.vector_load %arg15[%parallel_loop3A_251, %parallel_loop3A_252] {strides = array<i32>} : memref<32x128xbf16, #tpu.memory_space<vmem>>, vector<32xbf16>,
        %parallel_loop3A_254 = tpu.unpack_subelements %parallel_loop3A_253, 0 {pack_format = #tpu.pack_format<interleaved>} : vector<32xbf16> -> vector<16xf32>
        %parallel_loop3A_255 = tpu.unpack_subelements %parallel_loop3A_253, 1 {pack_format = #tpu.pack_format<interleaved>} : vector<32xbf16> -> vector<16xf32>
        %parallel_loop3A_256 = arith.index_cast %parallel_loop3A_226 : i32 to index
        %parallel_loop3A_257 = arith.constant 32 : index
        %parallel_loop3A_258 = tpu.vector_load %arg17[%parallel_loop3A_256, %parallel_loop3A_257] {strides = array<i32>} : memref<32x256xbf16, #tpu.memory_space<vmem>>, vector<32xbf16>,
        %parallel_loop3A_259 = tpu.unpack_subelements %parallel_loop3A_258, 0 {pack_format = #tpu.pack_format<interleaved>} : vector<32xbf16> -> vector<16xf32>
        %parallel_loop3A_260 = tpu.unpack_subelements %parallel_loop3A_258, 1 {pack_format = #tpu.pack_format<interleaved>} : vector<32xbf16> -> vector<16xf32>
        %parallel_loop3A_261 = arith.addf %parallel_loop3A_254, %parallel_loop3A_259 : vector<16xf32>
        %parallel_loop3A_262 = math.exp %parallel_loop3A_261 : vector<16xf32>
        %parallel_loop3A_263 = arith.constant 1.000000e+00 : f32
        %parallel_loop3A_264 = vector.broadcast %parallel_loop3A_263 : f32 to vector<16xf32>
        %parallel_loop3A_265 = arith.addf %parallel_loop3A_262, %parallel_loop3A_264 : vector<16xf32>
        %parallel_loop3A_266 = arith.divf %get3A_25, %parallel_loop3A_265 : vector<16xf32>
        %parallel_loop3A_267 = arith.addf %parallel_loop3A_250, %parallel_loop3A_266 : vector<16xf32>
        %parallel_loop3A_268 = arith.addf %parallel_loop3A_255, %parallel_loop3A_260 : vector<16xf32>
        %parallel_loop3A_269 = math.exp %parallel_loop3A_268 : vector<16xf32>
        %parallel_loop3A_270 = arith.constant 1.000000e+00 : f32
        %parallel_loop3A_271 = vector.broadcast %parallel_loop3A_270 : f32 to vector<16xf32>
        %parallel_loop3A_272 = arith.addf %parallel_loop3A_269, %parallel_loop3A_271 : vector<16xf32>
        %parallel_loop3A_273 = arith.divf %get3A_27, %parallel_loop3A_272 : vector<16xf32>
        %parallel_loop3A_274 = arith.addf %parallel_loop3A_267, %parallel_loop3A_273 : vector<16xf32>
        %parallel_loop3A_275 = arith.index_cast %parallel_loop3A_226 : i32 to index
        %parallel_loop3A_276 = arith.constant 64 : index
        %parallel_loop3A_277 = tpu.vector_load %arg15[%parallel_loop3A_275, %parallel_loop3A_276] {strides = array<i32>} : memref<32x128xbf16, #tpu.memory_space<vmem>>, vector<32xbf16>,
        %parallel_loop3A_278 = tpu.unpack_subelements %parallel_loop3A_277, 0 {pack_format = #tpu.pack_format<interleaved>} : vector<32xbf16> -> vector<16xf32>
        %parallel_loop3A_279 = tpu.unpack_subelements %parallel_loop3A_277, 1 {pack_format = #tpu.pack_format<interleaved>} : vector<32xbf16> -> vector<16xf32>
        %parallel_loop3A_280 = arith.index_cast %parallel_loop3A_226 : i32 to index
        %parallel_loop3A_281 = arith.constant 64 : index
        %parallel_loop3A_282 = tpu.vector_load %arg17[%parallel_loop3A_280, %parallel_loop3A_281] {strides = array<i32>} : memref<32x256xbf16, #tpu.memory_space<vmem>>, vector<32xbf16>,
        %parallel_loop3A_283 = tpu.unpack_subelements %parallel_loop3A_282, 0 {pack_format = #tpu.pack_format<interleaved>} : vector<32xbf16> -> vector<16xf32>
        %parallel_loop3A_284 = tpu.unpack_subelements %parallel_loop3A_282, 1 {pack_format = #tpu.pack_format<interleaved>} : vector<32xbf16> -> vector<16xf32>
        %parallel_loop3A_285 = arith.addf %parallel_loop3A_278, %parallel_loop3A_283 : vector<16xf32>
        %parallel_loop3A_286 = math.exp %parallel_loop3A_285 : vector<16xf32>
        %parallel_loop3A_287 = arith.constant 1.000000e+00 : f32
        %parallel_loop3A_288 = vector.broadcast %parallel_loop3A_287 : f32 to vector<16xf32>
        %parallel_loop3A_289 = arith.addf %parallel_loop3A_286, %parallel_loop3A_288 : vector<16xf32>
        %parallel_loop3A_290 = arith.divf %get3A_29, %parallel_loop3A_289 : vector<16xf32>
        %parallel_loop3A_291 = arith.addf %parallel_loop3A_274, %parallel_loop3A_290 : vector<16xf32>
        %parallel_loop3A_292 = arith.addf %parallel_loop3A_279, %parallel_loop3A_284 : vector<16xf32>
        %parallel_loop3A_293 = math.exp %parallel_loop3A_292 : vector<16xf32>
        %parallel_loop3A_294 = arith.constant 1.000000e+00 : f32
        %parallel_loop3A_295 = vector.broadcast %parallel_loop3A_294 : f32 to vector<16xf32>
        %parallel_loop3A_296 = arith.addf %parallel_loop3A_293, %parallel_loop3A_295 : vector<16xf32>
        %parallel_loop3A_297 = arith.divf %get3A_31, %parallel_loop3A_296 : vector<16xf32>
        %parallel_loop3A_298 = arith.addf %parallel_loop3A_291, %parallel_loop3A_297 : vector<16xf32>
        %parallel_loop3A_299 = arith.index_cast %parallel_loop3A_226 : i32 to index
        %parallel_loop3A_300 = arith.constant 96 : index
        %parallel_loop3A_301 = tpu.vector_load %arg15[%parallel_loop3A_299, %parallel_loop3A_300] {strides = array<i32>} : memref<32x128xbf16, #tpu.memory_space<vmem>>, vector<32xbf16>,
        %parallel_loop3A_302 = tpu.unpack_subelements %parallel_loop3A_301, 0 {pack_format = #tpu.pack_format<interleaved>} : vector<32xbf16> -> vector<16xf32>
        %parallel_loop3A_303 = tpu.unpack_subelements %parallel_loop3A_301, 1 {pack_format = #tpu.pack_format<interleaved>} : vector<32xbf16> -> vector<16xf32>
        %parallel_loop3A_304 = arith.index_cast %parallel_loop3A_226 : i32 to index
        %parallel_loop3A_305 = arith.constant 96 : index
        %parallel_loop3A_306 = tpu.vector_load %arg17[%parallel_loop3A_304, %parallel_loop3A_305] {strides = array<i32>} : memref<32x256xbf16, #tpu.memory_space<vmem>>, vector<32xbf16>,
        %parallel_loop3A_307 = tpu.unpack_subelements %parallel_loop3A_306, 0 {pack_format = #tpu.pack_format<interleaved>} : vector<32xbf16> -> vector<16xf32>
        %parallel_loop3A_308 = tpu.unpack_subelements %parallel_loop3A_306, 1 {pack_format = #tpu.pack_format<interleaved>} : vector<32xbf16> -> vector<16xf32>
        %parallel_loop3A_309 = arith.addf %parallel_loop3A_302, %parallel_loop3A_307 : vector<16xf32>
        %parallel_loop3A_310 = math.exp %parallel_loop3A_309 : vector<16xf32>
        %parallel_loop3A_311 = arith.constant 1.000000e+00 : f32
        %parallel_loop3A_312 = vector.broadcast %parallel_loop3A_311 : f32 to vector<16xf32>
        %parallel_loop3A_313 = arith.addf %parallel_loop3A_310, %parallel_loop3A_312 : vector<16xf32>
        %parallel_loop3A_314 = arith.divf %get3A_33, %parallel_loop3A_313 : vector<16xf32>
        %parallel_loop3A_315 = arith.addf %parallel_loop3A_298, %parallel_loop3A_314 : vector<16xf32>
        %parallel_loop3A_316 = arith.addf %parallel_loop3A_303, %parallel_loop3A_308 : vector<16xf32>
        %parallel_loop3A_317 = math.exp %parallel_loop3A_316 : vector<16xf32>
        %parallel_loop3A_318 = arith.constant 1.000000e+00 : f32
        %parallel_loop3A_319 = vector.broadcast %parallel_loop3A_318 : f32 to vector<16xf32>
        %parallel_loop3A_320 = arith.addf %parallel_loop3A_317, %parallel_loop3A_319 : vector<16xf32>
        %parallel_loop3A_321 = arith.divf %get3A_35, %parallel_loop3A_320 : vector<16xf32>
        %parallel_loop3A_322 = arith.addf %parallel_loop3A_315, %parallel_loop3A_321 : vector<16xf32>
        %parallel_loop3A_323 = arith.constant 0 : i32
        %parallel_loop3A_324 = vector.broadcast %parallel_loop3A_323 : i32 to vector<16xi32>
        %parallel_loop3A_325 = arith.cmpi slt, %xor3A_8, %parallel_loop3A_324 : vector<16xi32>
        %parallel_loop3A_326 = arith.constant 16 : i32
        %parallel_loop3A_327 = vector.broadcast %parallel_loop3A_326 : i32 to vector<16xi32>
        %parallel_loop3A_328 = arith.addi %xor3A_8, %parallel_loop3A_327 : vector<16xi32>
        %parallel_loop3A_329 = arith.select %parallel_loop3A_325, %parallel_loop3A_328, %xor3A_8 : vector<16xi1>, vector<16xi32>
        %parallel_loop3A_330 = vector.shape_cast %parallel_loop3A_329 : vector<16xi32> to vector<16x1xi32>
        %parallel_loop3A_331 = vector.shape_cast %parallel_loop3A_330 : vector<16x1xi32> to vector<16xi32>
        %parallel_loop3A_332 = tpu.dynamic_gather %parallel_loop3A_322[%parallel_loop3A_331] in [0] : vector<16xf32>, vector<16xi32> -> vector<16xf32>
        %parallel_loop3A_333 = arith.addf %parallel_loop3A_322, %parallel_loop3A_332 : vector<16xf32>
        %parallel_loop3A_334 = arith.constant 0 : i32
        %parallel_loop3A_335 = vector.broadcast %parallel_loop3A_334 : i32 to vector<16xi32>
        %parallel_loop3A_336 = arith.cmpi slt, %xor3A_12, %parallel_loop3A_335 : vector<16xi32>
        %parallel_loop3A_337 = arith.constant 16 : i32
        %parallel_loop3A_338 = vector.broadcast %parallel_loop3A_337 : i32 to vector<16xi32>
        %parallel_loop3A_339 = arith.addi %xor3A_12, %parallel_loop3A_338 : vector<16xi32>
        %parallel_loop3A_340 = arith.select %parallel_loop3A_336, %parallel_loop3A_339, %xor3A_12 : vector<16xi1>, vector<16xi32>
        %parallel_loop3A_341 = vector.shape_cast %parallel_loop3A_340 : vector<16xi32> to vector<16x1xi32>
        %parallel_loop3A_342 = vector.shape_cast %parallel_loop3A_341 : vector<16x1xi32> to vector<16xi32>
        %parallel_loop3A_343 = tpu.dynamic_gather %parallel_loop3A_333[%parallel_loop3A_342] in [0] : vector<16xf32>, vector<16xi32> -> vector<16xf32>
        %parallel_loop3A_344 = arith.addf %parallel_loop3A_333, %parallel_loop3A_343 : vector<16xf32>
        %parallel_loop3A_345 = arith.constant 0 : i32
        %parallel_loop3A_346 = vector.broadcast %parallel_loop3A_345 : i32 to vector<16xi32>
        %parallel_loop3A_347 = arith.cmpi slt, %xor3A_16, %parallel_loop3A_346 : vector<16xi32>
        %parallel_loop3A_348 = arith.constant 16 : i32
        %parallel_loop3A_349 = vector.broadcast %parallel_loop3A_348 : i32 to vector<16xi32>
        %parallel_loop3A_350 = arith.addi %xor3A_16, %parallel_loop3A_349 : vector<16xi32>
        %parallel_loop3A_351 = arith.select %parallel_loop3A_347, %parallel_loop3A_350, %xor3A_16 : vector<16xi1>, vector<16xi32>
        %parallel_loop3A_352 = vector.shape_cast %parallel_loop3A_351 : vector<16xi32> to vector<16x1xi32>
        %parallel_loop3A_353 = vector.shape_cast %parallel_loop3A_352 : vector<16x1xi32> to vector<16xi32>
        %parallel_loop3A_354 = tpu.dynamic_gather %parallel_loop3A_344[%parallel_loop3A_353] in [0] : vector<16xf32>, vector<16xi32> -> vector<16xf32>
        %parallel_loop3A_355 = arith.addf %parallel_loop3A_344, %parallel_loop3A_354 : vector<16xf32>
        %parallel_loop3A_356 = arith.constant 0 : i32
        %parallel_loop3A_357 = vector.broadcast %parallel_loop3A_356 : i32 to vector<16xi32>
        %parallel_loop3A_358 = arith.cmpi slt, %xor3A_20, %parallel_loop3A_357 : vector<16xi32>
        %parallel_loop3A_359 = arith.constant 16 : i32
        %parallel_loop3A_360 = vector.broadcast %parallel_loop3A_359 : i32 to vector<16xi32>
        %parallel_loop3A_361 = arith.addi %xor3A_20, %parallel_loop3A_360 : vector<16xi32>
        %parallel_loop3A_362 = arith.select %parallel_loop3A_358, %parallel_loop3A_361, %xor3A_20 : vector<16xi1>, vector<16xi32>
        %parallel_loop3A_363 = vector.shape_cast %parallel_loop3A_362 : vector<16xi32> to vector<16x1xi32>
        %parallel_loop3A_364 = vector.shape_cast %parallel_loop3A_363 : vector<16x1xi32> to vector<16xi32>
        %parallel_loop3A_365 = tpu.dynamic_gather %parallel_loop3A_355[%parallel_loop3A_364] in [0] : vector<16xf32>, vector<16xi32> -> vector<16xf32>
        %parallel_loop3A_366 = arith.addf %parallel_loop3A_355, %parallel_loop3A_365 : vector<16xf32>
        %parallel_loop3A_367 = arith.constant 2.000000e+00 : f32
        %parallel_loop3A_368 = vector.broadcast %parallel_loop3A_367 : f32 to vector<16xf32>
        %parallel_loop3A_369 = arith.mulf %parallel_loop3A_368, %parallel_loop3A_366 : vector<16xf32>
        %parallel_loop3A_370 = arith.subf %add3A_84, %parallel_loop3A_369 : vector<16xf32>
        %parallel_loop3A_371 = math.exp %parallel_loop3A_370 : vector<16xf32>
        %parallel_loop3A_372 = arith.index_cast %parallel_loop3A_226 : i32 to index
        %parallel_loop3A_373 = arith.constant 128 : index
        %parallel_loop3A_374 = tpu.vector_load %arg17[%parallel_loop3A_372, %parallel_loop3A_373] {strides = array<i32>} : memref<32x256xbf16, #tpu.memory_space<vmem>>, vector<32xbf16>,
        %parallel_loop3A_375 = tpu.unpack_subelements %parallel_loop3A_374, 0 {pack_format = #tpu.pack_format<interleaved>} : vector<32xbf16> -> vector<16xf32>
        %parallel_loop3A_376 = tpu.unpack_subelements %parallel_loop3A_374, 1 {pack_format = #tpu.pack_format<interleaved>} : vector<32xbf16> -> vector<16xf32>
        %parallel_loop3A_377 = arith.mulf %parallel_loop3A_371, %parallel_loop3A_375 : vector<16xf32>
        %parallel_loop3A_378 = arith.index_cast %parallel_loop3A_226 : i32 to index
        %parallel_loop3A_379 = arith.constant 0 : index
        %parallel_loop3A_380 = tpu.vector_load %arg19[%parallel_loop3A_378, %parallel_loop3A_379] {strides = array<i32>} : memref<32x144xf32, #tpu.memory_space<vmem>>, vector<16xf32>,
        tpu.vector_store %arg19[%parallel_loop3A_378, %parallel_loop3A_379], %parallel_loop3A_377 {strides = array<i32>} : memref<32x144xf32, #tpu.memory_space<vmem>>, vector<16xf32>,
        %parallel_loop3A_381 = arith.mulf %parallel_loop3A_371, %parallel_loop3A_376 : vector<16xf32>
        %parallel_loop3A_382 = arith.index_cast %parallel_loop3A_226 : i32 to index
        %parallel_loop3A_383 = arith.constant 16 : index
        %parallel_loop3A_384 = tpu.vector_load %arg19[%parallel_loop3A_382, %parallel_loop3A_383] {strides = array<i32>} : memref<32x144xf32, #tpu.memory_space<vmem>>, vector<16xf32>,
        tpu.vector_store %arg19[%parallel_loop3A_382, %parallel_loop3A_383], %parallel_loop3A_381 {strides = array<i32>} : memref<32x144xf32, #tpu.memory_space<vmem>>, vector<16xf32>,
        %parallel_loop3A_385 = arith.index_cast %parallel_loop3A_226 : i32 to index
        %parallel_loop3A_386 = arith.constant 160 : index
        %parallel_loop3A_387 = tpu.vector_load %arg17[%parallel_loop3A_385, %parallel_loop3A_386] {strides = array<i32>} : memref<32x256xbf16, #tpu.memory_space<vmem>>, vector<32xbf16>,
        %parallel_loop3A_388 = tpu.unpack_subelements %parallel_loop3A_387, 0 {pack_format = #tpu.pack_format<interleaved>} : vector<32xbf16> -> vector<16xf32>
        %parallel_loop3A_389 = tpu.unpack_subelements %parallel_loop3A_387, 1 {pack_format = #tpu.pack_format<interleaved>} : vector<32xbf16> -> vector<16xf32>
        %parallel_loop3A_390 = arith.mulf %parallel_loop3A_371, %parallel_loop3A_388 : vector<16xf32>
        %parallel_loop3A_391 = arith.index_cast %parallel_loop3A_226 : i32 to index
        %parallel_loop3A_392 = arith.constant 32 : index
        %parallel_loop3A_393 = tpu.vector_load %arg19[%parallel_loop3A_391, %parallel_loop3A_392] {strides = array<i32>} : memref<32x144xf32, #tpu.memory_space<vmem>>, vector<16xf32>,
        tpu.vector_store %arg19[%parallel_loop3A_391, %parallel_loop3A_392], %parallel_loop3A_390 {strides = array<i32>} : memref<32x144xf32, #tpu.memory_space<vmem>>, vector<16xf32>,
        %parallel_loop3A_394 = arith.mulf %parallel_loop3A_371, %parallel_loop3A_389 : vector<16xf32>
        %parallel_loop3A_395 = arith.index_cast %parallel_loop3A_226 : i32 to index
        %parallel_loop3A_396 = arith.constant 48 : index
        %parallel_loop3A_397 = tpu.vector_load %arg19[%parallel_loop3A_395, %parallel_loop3A_396] {strides = array<i32>} : memref<32x144xf32, #tpu.memory_space<vmem>>, vector<16xf32>,
        tpu.vector_store %arg19[%parallel_loop3A_395, %parallel_loop3A_396], %parallel_loop3A_394 {strides = array<i32>} : memref<32x144xf32, #tpu.memory_space<vmem>>, vector<16xf32>,
        %parallel_loop3A_398 = arith.index_cast %parallel_loop3A_226 : i32 to index
        %parallel_loop3A_399 = arith.constant 192 : index
        %parallel_loop3A_400 = tpu.vector_load %arg17[%parallel_loop3A_398, %parallel_loop3A_399] {strides = array<i32>} : memref<32x256xbf16, #tpu.memory_space<vmem>>, vector<32xbf16>,
        %parallel_loop3A_401 = tpu.unpack_subelements %parallel_loop3A_400, 0 {pack_format = #tpu.pack_format<interleaved>} : vector<32xbf16> -> vector<16xf32>
        %parallel_loop3A_402 = tpu.unpack_subelements %parallel_loop3A_400, 1 {pack_format = #tpu.pack_format<interleaved>} : vector<32xbf16> -> vector<16xf32>
        %parallel_loop3A_403 = arith.mulf %parallel_loop3A_371, %parallel_loop3A_401 : vector<16xf32>
        %parallel_loop3A_404 = arith.index_cast %parallel_loop3A_226 : i32 to index
        %parallel_loop3A_405 = arith.constant 64 : index
        %parallel_loop3A_406 = tpu.vector_load %arg19[%parallel_loop3A_404, %parallel_loop3A_405] {strides = array<i32>} : memref<32x144xf32, #tpu.memory_space<vmem>>, vector<16xf32>,
        tpu.vector_store %arg19[%parallel_loop3A_404, %parallel_loop3A_405], %parallel_loop3A_403 {strides = array<i32>} : memref<32x144xf32, #tpu.memory_space<vmem>>, vector<16xf32>,
        %parallel_loop3A_407 = arith.mulf %parallel_loop3A_371, %parallel_loop3A_402 : vector<16xf32>
        %parallel_loop3A_408 = arith.index_cast %parallel_loop3A_226 : i32 to index
        %parallel_loop3A_409 = arith.constant 80 : index
        %parallel_loop3A_410 = tpu.vector_load %arg19[%parallel_loop3A_408, %parallel_loop3A_409] {strides = array<i32>} : memref<32x144xf32, #tpu.memory_space<vmem>>, vector<16xf32>,
        tpu.vector_store %arg19[%parallel_loop3A_408, %parallel_loop3A_409], %parallel_loop3A_407 {strides = array<i32>} : memref<32x144xf32, #tpu.memory_space<vmem>>, vector<16xf32>,
        %parallel_loop3A_411 = arith.index_cast %parallel_loop3A_226 : i32 to index
        %parallel_loop3A_412 = arith.constant 224 : index
        %parallel_loop3A_413 = tpu.vector_load %arg17[%parallel_loop3A_411, %parallel_loop3A_412] {strides = array<i32>} : memref<32x256xbf16, #tpu.memory_space<vmem>>, vector<32xbf16>,
        %parallel_loop3A_414 = tpu.unpack_subelements %parallel_loop3A_413, 0 {pack_format = #tpu.pack_format<interleaved>} : vector<32xbf16> -> vector<16xf32>
        %parallel_loop3A_415 = tpu.unpack_subelements %parallel_loop3A_413, 1 {pack_format = #tpu.pack_format<interleaved>} : vector<32xbf16> -> vector<16xf32>
        %parallel_loop3A_416 = arith.mulf %parallel_loop3A_371, %parallel_loop3A_414 : vector<16xf32>
        %parallel_loop3A_417 = arith.index_cast %parallel_loop3A_226 : i32 to index
        %parallel_loop3A_418 = arith.constant 96 : index
        %parallel_loop3A_419 = tpu.vector_load %arg19[%parallel_loop3A_417, %parallel_loop3A_418] {strides = array<i32>} : memref<32x144xf32, #tpu.memory_space<vmem>>, vector<16xf32>,
        tpu.vector_store %arg19[%parallel_loop3A_417, %parallel_loop3A_418], %parallel_loop3A_416 {strides = array<i32>} : memref<32x144xf32, #tpu.memory_space<vmem>>, vector<16xf32>,
        %parallel_loop3A_420 = arith.mulf %parallel_loop3A_371, %parallel_loop3A_415 : vector<16xf32>
        %parallel_loop3A_421 = arith.index_cast %parallel_loop3A_226 : i32 to index
        %parallel_loop3A_422 = arith.constant 112 : index
        %parallel_loop3A_423 = tpu.vector_load %arg19[%parallel_loop3A_421, %parallel_loop3A_422] {strides = array<i32>} : memref<32x144xf32, #tpu.memory_space<vmem>>, vector<16xf32>,
        tpu.vector_store %arg19[%parallel_loop3A_421, %parallel_loop3A_422], %parallel_loop3A_420 {strides = array<i32>} : memref<32x144xf32, #tpu.memory_space<vmem>>, vector<16xf32>,
        %parallel_loop3A_424 = arith.mulf %parallel_loop3A_371, %select_n3A : vector<16xf32>
        %parallel_loop3A_425 = arith.index_cast %parallel_loop3A_226 : i32 to index
        %parallel_loop3A_426 = arith.constant 128 : index
        %parallel_loop3A_427 = tpu.vector_load %arg19[%parallel_loop3A_425, %parallel_loop3A_426] {strides = array<i32>} : memref<32x144xf32, #tpu.memory_space<vmem>>, vector<16xf32>,
        tpu.vector_store %arg19[%parallel_loop3A_425, %parallel_loop3A_426], %parallel_loop3A_424 {strides = array<i32>} : memref<32x144xf32, #tpu.memory_space<vmem>>, vector<16xf32>,
      } {sc.loop_unroll_factor = 2 : i64, sc.parallel_access}
      %get3A_172 = arith.constant 0 : index
      %get3A_173 = tpu.vector_load %arg11[%get3A_172] {strides = array<i32>} : memref<32xi32, #tpu.memory_space<vmem>>, vector<16xi32>,
      %swap3A_174 = arith.constant 0 : index
      %swap3A_175 = tpu.vector_load %arg13[%swap3A_174] {strides = array<i32>} : memref<32xi32, #tpu.memory_space<vmem>>, vector<16xi32>,
      tpu.vector_store %arg13[%swap3A_174], %get3A_173 {strides = array<i32>} : memref<32xi32, #tpu.memory_space<vmem>>, vector<16xi32>,
      %get3A_176 = arith.constant 16 : index
      %get3A_177 = tpu.vector_load %arg11[%get3A_176] {strides = array<i32>} : memref<32xi32, #tpu.memory_space<vmem>>, vector<16xi32>,
      %swap3A_178 = arith.constant 16 : index
      %swap3A_179 = tpu.vector_load %arg13[%swap3A_178] {strides = array<i32>} : memref<32xi32, #tpu.memory_space<vmem>>, vector<16xi32>,
      tpu.vector_store %arg13[%swap3A_178], %get3A_177 {strides = array<i32>} : memref<32xi32, #tpu.memory_space<vmem>>, vector<16xi32>,
      %dma_start3A_180 = arith.constant 0 : i32
      %dma_start3A_181 = arith.constant 0 : i32
      %dma_start3A_182 = tpu.memref_slice %arg22[%dma_start3A_180, %dma_start3A_181] : memref<10240x144xf32, #tpu.memory_space<vmem_shared>> -> memref<10240x144xf32, #tpu.memory_space<vmem_shared>>
      tpu.enqueue_indirect_dma source(%arg19 : memref<32x144xf32, #tpu.memory_space<vmem>>) target(%dma_start3A_182 : memref<10240x144xf32, #tpu.memory_space<vmem_shared>>) offsets(%arg13 : memref<32xi32, #tpu.memory_space<vmem>>) semaphore(%arg27 : memref<!tpu.dma_semaphore, #tpu.memory_space<semaphore_mem>>) {add = true}
      %mul3A_183 = arith.constant 2 : i32
      %mul3A_184 = arith.muli %scan3A_143, %mul3A_183 : i32
      %add3A_185 = arith.constant 1 : i32
      %add3A_186 = arith.addi %mul3A_184, %add3A_185 : i32
      %add3A_187 = arith.constant 1 : i32
      %add3A_188 = arith.addi %add3A_186, %add3A_187 : i32
      %lt3A_189 = arith.constant 320 : i32
      %lt3A_190 = arith.cmpi slt, %add3A_188, %lt3A_189 : i32
      %convert_element_type3A_191 = arith.extui %lt3A_190 : i1 to i32
      %cond3A_192 = arith.constant 0 : i32
      %cond3A_193 = arith.cmpi ne, %convert_element_type3A_191, %cond3A_192 : i32
      scf.if %cond3A_193 {
        %add3A_226 = arith.constant 1 : i32
        %add3A_227 = arith.addi %add3A_186, %add3A_226 : i32
        %mul3A_228 = arith.constant 32 : i32
        %mul3A_229 = arith.muli %add3A_227, %mul3A_228 : i32
        %add3A_230 = arith.addi %mul3A_97, %mul3A_229 : i32
        %dma_wait3A_231 = tpu.memref_slice %arg5[%add3A_230] : memref<327680xi32, #tpu.memory_space<hbm>> -> memref<32xi32, #tpu.memory_space<hbm>>
        %dma_wait3A_232 = tpu.memref_slice %arg5[%add3A_230] : memref<327680xi32, #tpu.memory_space<hbm>> -> memref<32xi32, #tpu.memory_space<hbm>>
        tpu.wait_dma2 semaphore(%arg29 : memref<!tpu.dma_semaphore, #tpu.memory_space<semaphore_mem>>) src(%dma_wait3A_232 : memref<32xi32, #tpu.memory_space<hbm>>) dst(%arg7 : memref<32xi32, #tpu.memory_space<vmem>>)
        %get3A_233 = arith.constant 0 : index
        %get3A_234 = tpu.vector_load %arg7[%get3A_233] {strides = array<i32>} : memref<32xi32, #tpu.memory_space<vmem>>, vector<16xi32>,
        %and3A_235 = arith.constant 65535 : i32
        %and3A_236 = vector.broadcast %and3A_235 : i32 to vector<16xi32>
        %and3A_237 = arith.andi %get3A_234, %and3A_236 : vector<16xi32>
        %swap3A_238 = arith.constant 0 : index
        %swap3A_239 = tpu.vector_load %arg9[%swap3A_238] {strides = array<i32>} : memref<32xi32, #tpu.memory_space<vmem>>, vector<16xi32>,
        tpu.vector_store %arg9[%swap3A_238], %and3A_237 {strides = array<i32>} : memref<32xi32, #tpu.memory_space<vmem>>, vector<16xi32>,
        %shift_right_logical3A_240 = arith.constant 16 : i32
        %shift_right_logical3A_241 = vector.broadcast %shift_right_logical3A_240 : i32 to vector<16xi32>
        %shift_right_logical3A_242 = arith.shrui %get3A_234, %shift_right_logical3A_241 : vector<16xi32>
        %swap3A_243 = arith.constant 0 : index
        %swap3A_244 = tpu.vector_load %arg11[%swap3A_243] {strides = array<i32>} : memref<32xi32, #tpu.memory_space<vmem>>, vector<16xi32>,
        tpu.vector_store %arg11[%swap3A_243], %shift_right_logical3A_242 {strides = array<i32>} : memref<32xi32, #tpu.memory_space<vmem>>, vector<16xi32>,
        %get3A_245 = arith.constant 16 : index
        %get3A_246 = tpu.vector_load %arg7[%get3A_245] {strides = array<i32>} : memref<32xi32, #tpu.memory_space<vmem>>, vector<16xi32>,
        %and3A_247 = arith.constant 65535 : i32
        %and3A_248 = vector.broadcast %and3A_247 : i32 to vector<16xi32>
        %and3A_249 = arith.andi %get3A_246, %and3A_248 : vector<16xi32>
        %swap3A_250 = arith.constant 16 : index
        %swap3A_251 = tpu.vector_load %arg9[%swap3A_250] {strides = array<i32>} : memref<32xi32, #tpu.memory_space<vmem>>, vector<16xi32>,
        tpu.vector_store %arg9[%swap3A_250], %and3A_249 {strides = array<i32>} : memref<32xi32, #tpu.memory_space<vmem>>, vector<16xi32>,
        %shift_right_logical3A_252 = arith.constant 16 : i32
        %shift_right_logical3A_253 = vector.broadcast %shift_right_logical3A_252 : i32 to vector<16xi32>
        %shift_right_logical3A_254 = arith.shrui %get3A_246, %shift_right_logical3A_253 : vector<16xi32>
        %swap3A_255 = arith.constant 16 : index
        %swap3A_256 = tpu.vector_load %arg11[%swap3A_255] {strides = array<i32>} : memref<32xi32, #tpu.memory_space<vmem>>, vector<16xi32>,
        tpu.vector_store %arg11[%swap3A_255], %shift_right_logical3A_254 {strides = array<i32>} : memref<32xi32, #tpu.memory_space<vmem>>, vector<16xi32>,
        %dma_start3A_257 = arith.constant 0 : i32
        %dma_start3A_258 = arith.constant 0 : i32
        %dma_start3A_259 = tpu.memref_slice %arg2[%dma_start3A_257, %dma_start3A_258] : memref<10240x128xbf16, #tpu.memory_space<hbm>> -> memref<10240x128xbf16, #tpu.memory_space<hbm>>
        tpu.enqueue_indirect_dma source(%dma_start3A_259 : memref<10240x128xbf16, #tpu.memory_space<hbm>>) target(%arg15 : memref<32x128xbf16, #tpu.memory_space<vmem>>) offsets(%arg11 : memref<32xi32, #tpu.memory_space<vmem>>) semaphore(%arg23 : memref<!tpu.dma_semaphore, #tpu.memory_space<semaphore_mem>>)
        %dma_start3A_260 = arith.constant 0 : i32
        %dma_start3A_261 = arith.constant 0 : i32
        %dma_start3A_262 = tpu.memref_slice %arg3[%dma_start3A_260, %dma_start3A_261] : memref<10240x256xbf16, #tpu.memory_space<hbm>> -> memref<10240x256xbf16, #tpu.memory_space<hbm>>
        tpu.enqueue_indirect_dma source(%dma_start3A_262 : memref<10240x256xbf16, #tpu.memory_space<hbm>>) target(%arg17 : memref<32x256xbf16, #tpu.memory_space<vmem>>) offsets(%arg9 : memref<32xi32, #tpu.memory_space<vmem>>) semaphore(%arg25 : memref<!tpu.dma_semaphore, #tpu.memory_space<semaphore_mem>>)
      } else {
      }
      %add3A_194 = arith.constant 2 : i32
      %add3A_195 = arith.addi %add3A_186, %add3A_194 : i32
      %lt3A_196 = arith.constant 320 : i32
      %lt3A_197 = arith.cmpi slt, %add3A_195, %lt3A_196 : i32
      %convert_element_type3A_198 = arith.extui %lt3A_197 : i1 to i32
      %cond3A_199 = arith.constant 0 : i32
      %cond3A_200 = arith.cmpi ne, %convert_element_type3A_198, %cond3A_199 : i32
      scf.if %cond3A_200 {
        %add3A_226 = arith.constant 2 : i32
        %add3A_227 = arith.addi %add3A_186, %add3A_226 : i32
        %mul3A_228 = arith.constant 32 : i32
        %mul3A_229 = arith.muli %add3A_227, %mul3A_228 : i32
        %add3A_230 = arith.addi %mul3A_97, %mul3A_229 : i32
        %dma_start3A_231 = tpu.memref_slice %arg5[%add3A_230] : memref<327680xi32, #tpu.memory_space<hbm>> -> memref<32xi32, #tpu.memory_space<hbm>>
        %dma_start3A_232 = tpu.memref_slice %arg5[%add3A_230] : memref<327680xi32, #tpu.memory_space<hbm>> -> memref<32xi32, #tpu.memory_space<hbm>>
        tpu.enqueue_dma source(%dma_start3A_232 : memref<32xi32, #tpu.memory_space<hbm>>) target(%arg8 : memref<32xi32, #tpu.memory_space<vmem>>) target_semaphore(%arg30 : memref<!tpu.dma_semaphore, #tpu.memory_space<semaphore_mem>>)
      } else {
      }
      %dma_wait3A_201 = arith.constant 0 : i32
      %dma_wait3A_202 = arith.constant 0 : i32
      %dma_wait3A_203 = tpu.memref_slice %arg2[%dma_wait3A_201, %dma_wait3A_202] : memref<10240x128xbf16, #tpu.memory_space<hbm>> -> memref<10240x128xbf16, #tpu.memory_space<hbm>>
      tpu.wait_indirect_dma semaphore(%arg24 : memref<!tpu.dma_semaphore, #tpu.memory_space<semaphore_mem>>) src(%dma_wait3A_203 : memref<10240x128xbf16, #tpu.memory_space<hbm>>) dst(%arg16 : memref<32x128xbf16, #tpu.memory_space<vmem>>)
      %dma_wait3A_204 = arith.constant 0 : i32
      %dma_wait3A_205 = arith.constant 0 : i32
      %dma_wait3A_206 = tpu.memref_slice %arg3[%dma_wait3A_204, %dma_wait3A_205] : memref<10240x256xbf16, #tpu.memory_space<hbm>> -> memref<10240x256xbf16, #tpu.memory_space<hbm>>
      tpu.wait_indirect_dma semaphore(%arg26 : memref<!tpu.dma_semaphore, #tpu.memory_space<semaphore_mem>>) src(%dma_wait3A_206 : memref<10240x256xbf16, #tpu.memory_space<hbm>>) dst(%arg18 : memref<32x256xbf16, #tpu.memory_space<vmem>>)
      %ge3A_207 = arith.constant 2 : i32
      %ge3A_208 = arith.cmpi sge, %add3A_186, %ge3A_207 : i32
      %convert_element_type3A_209 = arith.extui %ge3A_208 : i1 to i32
      %cond3A_210 = arith.constant 0 : i32
      %cond3A_211 = arith.cmpi ne, %convert_element_type3A_209, %cond3A_210 : i32
      scf.if %cond3A_211 {
        %dma_wait3A_226 = arith.constant 0 : i32
        %dma_wait3A_227 = arith.constant 0 : i32
        %dma_wait3A_228 = tpu.memref_slice %arg22[%dma_wait3A_226, %dma_wait3A_227] : memref<10240x144xf32, #tpu.memory_space<vmem_shared>> -> memref<10240x144xf32, #tpu.memory_space<vmem_shared>>
        tpu.wait_indirect_dma semaphore(%arg28 : memref<!tpu.dma_semaphore, #tpu.memory_space<semaphore_mem>>) src(%arg20 : memref<32x144xf32, #tpu.memory_space<vmem>>) dst(%dma_wait3A_228 : memref<10240x144xf32, #tpu.memory_space<vmem_shared>>)
      } else {
      }
      %parallel_loop3A_212 = arith.constant 0 : i32
      %parallel_loop3A_213 = arith.constant 32 : i32
      %parallel_loop3A_214 = arith.constant 1 : i32
      scf.for %parallel_loop3A_226 = %parallel_loop3A_212 to %parallel_loop3A_213 step %parallel_loop3A_214  : i32 {
        %parallel_loop3A_227 = arith.index_cast %parallel_loop3A_226 : i32 to index
        %parallel_loop3A_228 = arith.constant 0 : index
        %parallel_loop3A_229 = tpu.vector_load %arg16[%parallel_loop3A_227, %parallel_loop3A_228] {strides = array<i32>} : memref<32x128xbf16, #tpu.memory_space<vmem>>, vector<32xbf16>,
        %parallel_loop3A_230 = tpu.unpack_subelements %parallel_loop3A_229, 0 {pack_format = #tpu.pack_format<interleaved>} : vector<32xbf16> -> vector<16xf32>
        %parallel_loop3A_231 = tpu.unpack_subelements %parallel_loop3A_229, 1 {pack_format = #tpu.pack_format<interleaved>} : vector<32xbf16> -> vector<16xf32>
        %parallel_loop3A_232 = arith.index_cast %parallel_loop3A_226 : i32 to index
        %parallel_loop3A_233 = arith.constant 0 : index
        %parallel_loop3A_234 = tpu.vector_load %arg18[%parallel_loop3A_232, %parallel_loop3A_233] {strides = array<i32>} : memref<32x256xbf16, #tpu.memory_space<vmem>>, vector<32xbf16>,
        %parallel_loop3A_235 = tpu.unpack_subelements %parallel_loop3A_234, 0 {pack_format = #tpu.pack_format<interleaved>} : vector<32xbf16> -> vector<16xf32>
        %parallel_loop3A_236 = tpu.unpack_subelements %parallel_loop3A_234, 1 {pack_format = #tpu.pack_format<interleaved>} : vector<32xbf16> -> vector<16xf32>
        %parallel_loop3A_237 = arith.addf %parallel_loop3A_230, %parallel_loop3A_235 : vector<16xf32>
        %parallel_loop3A_238 = math.exp %parallel_loop3A_237 : vector<16xf32>
        %parallel_loop3A_239 = arith.constant 1.000000e+00 : f32
        %parallel_loop3A_240 = vector.broadcast %parallel_loop3A_239 : f32 to vector<16xf32>
        %parallel_loop3A_241 = arith.addf %parallel_loop3A_238, %parallel_loop3A_240 : vector<16xf32>
        %parallel_loop3A_242 = arith.divf %get3A_21, %parallel_loop3A_241 : vector<16xf32>
        %parallel_loop3A_243 = arith.addf %broadcast_in_dim3A_0, %parallel_loop3A_242 : vector<16xf32>
        %parallel_loop3A_244 = arith.addf %parallel_loop3A_231, %parallel_loop3A_236 : vector<16xf32>
        %parallel_loop3A_245 = math.exp %parallel_loop3A_244 : vector<16xf32>
        %parallel_loop3A_246 = arith.constant 1.000000e+00 : f32
        %parallel_loop3A_247 = vector.broadcast %parallel_loop3A_246 : f32 to vector<16xf32>
        %parallel_loop3A_248 = arith.addf %parallel_loop3A_245, %parallel_loop3A_247 : vector<16xf32>
        %parallel_loop3A_249 = arith.divf %get3A_23, %parallel_loop3A_248 : vector<16xf32>
        %parallel_loop3A_250 = arith.addf %parallel_loop3A_243, %parallel_loop3A_249 : vector<16xf32>
        %parallel_loop3A_251 = arith.index_cast %parallel_loop3A_226 : i32 to index
        %parallel_loop3A_252 = arith.constant 32 : index
        %parallel_loop3A_253 = tpu.vector_load %arg16[%parallel_loop3A_251, %parallel_loop3A_252] {strides = array<i32>} : memref<32x128xbf16, #tpu.memory_space<vmem>>, vector<32xbf16>,
        %parallel_loop3A_254 = tpu.unpack_subelements %parallel_loop3A_253, 0 {pack_format = #tpu.pack_format<interleaved>} : vector<32xbf16> -> vector<16xf32>
        %parallel_loop3A_255 = tpu.unpack_subelements %parallel_loop3A_253, 1 {pack_format = #tpu.pack_format<interleaved>} : vector<32xbf16> -> vector<16xf32>
        %parallel_loop3A_256 = arith.index_cast %parallel_loop3A_226 : i32 to index
        %parallel_loop3A_257 = arith.constant 32 : index
        %parallel_loop3A_258 = tpu.vector_load %arg18[%parallel_loop3A_256, %parallel_loop3A_257] {strides = array<i32>} : memref<32x256xbf16, #tpu.memory_space<vmem>>, vector<32xbf16>,
        %parallel_loop3A_259 = tpu.unpack_subelements %parallel_loop3A_258, 0 {pack_format = #tpu.pack_format<interleaved>} : vector<32xbf16> -> vector<16xf32>
        %parallel_loop3A_260 = tpu.unpack_subelements %parallel_loop3A_258, 1 {pack_format = #tpu.pack_format<interleaved>} : vector<32xbf16> -> vector<16xf32>
        %parallel_loop3A_261 = arith.addf %parallel_loop3A_254, %parallel_loop3A_259 : vector<16xf32>
        %parallel_loop3A_262 = math.exp %parallel_loop3A_261 : vector<16xf32>
        %parallel_loop3A_263 = arith.constant 1.000000e+00 : f32
        %parallel_loop3A_264 = vector.broadcast %parallel_loop3A_263 : f32 to vector<16xf32>
        %parallel_loop3A_265 = arith.addf %parallel_loop3A_262, %parallel_loop3A_264 : vector<16xf32>
        %parallel_loop3A_266 = arith.divf %get3A_25, %parallel_loop3A_265 : vector<16xf32>
        %parallel_loop3A_267 = arith.addf %parallel_loop3A_250, %parallel_loop3A_266 : vector<16xf32>
        %parallel_loop3A_268 = arith.addf %parallel_loop3A_255, %parallel_loop3A_260 : vector<16xf32>
        %parallel_loop3A_269 = math.exp %parallel_loop3A_268 : vector<16xf32>
        %parallel_loop3A_270 = arith.constant 1.000000e+00 : f32
        %parallel_loop3A_271 = vector.broadcast %parallel_loop3A_270 : f32 to vector<16xf32>
        %parallel_loop3A_272 = arith.addf %parallel_loop3A_269, %parallel_loop3A_271 : vector<16xf32>
        %parallel_loop3A_273 = arith.divf %get3A_27, %parallel_loop3A_272 : vector<16xf32>
        %parallel_loop3A_274 = arith.addf %parallel_loop3A_267, %parallel_loop3A_273 : vector<16xf32>
        %parallel_loop3A_275 = arith.index_cast %parallel_loop3A_226 : i32 to index
        %parallel_loop3A_276 = arith.constant 64 : index
        %parallel_loop3A_277 = tpu.vector_load %arg16[%parallel_loop3A_275, %parallel_loop3A_276] {strides = array<i32>} : memref<32x128xbf16, #tpu.memory_space<vmem>>, vector<32xbf16>,
        %parallel_loop3A_278 = tpu.unpack_subelements %parallel_loop3A_277, 0 {pack_format = #tpu.pack_format<interleaved>} : vector<32xbf16> -> vector<16xf32>
        %parallel_loop3A_279 = tpu.unpack_subelements %parallel_loop3A_277, 1 {pack_format = #tpu.pack_format<interleaved>} : vector<32xbf16> -> vector<16xf32>
        %parallel_loop3A_280 = arith.index_cast %parallel_loop3A_226 : i32 to index
        %parallel_loop3A_281 = arith.constant 64 : index
        %parallel_loop3A_282 = tpu.vector_load %arg18[%parallel_loop3A_280, %parallel_loop3A_281] {strides = array<i32>} : memref<32x256xbf16, #tpu.memory_space<vmem>>, vector<32xbf16>,
        %parallel_loop3A_283 = tpu.unpack_subelements %parallel_loop3A_282, 0 {pack_format = #tpu.pack_format<interleaved>} : vector<32xbf16> -> vector<16xf32>
        %parallel_loop3A_284 = tpu.unpack_subelements %parallel_loop3A_282, 1 {pack_format = #tpu.pack_format<interleaved>} : vector<32xbf16> -> vector<16xf32>
        %parallel_loop3A_285 = arith.addf %parallel_loop3A_278, %parallel_loop3A_283 : vector<16xf32>
        %parallel_loop3A_286 = math.exp %parallel_loop3A_285 : vector<16xf32>
        %parallel_loop3A_287 = arith.constant 1.000000e+00 : f32
        %parallel_loop3A_288 = vector.broadcast %parallel_loop3A_287 : f32 to vector<16xf32>
        %parallel_loop3A_289 = arith.addf %parallel_loop3A_286, %parallel_loop3A_288 : vector<16xf32>
        %parallel_loop3A_290 = arith.divf %get3A_29, %parallel_loop3A_289 : vector<16xf32>
        %parallel_loop3A_291 = arith.addf %parallel_loop3A_274, %parallel_loop3A_290 : vector<16xf32>
        %parallel_loop3A_292 = arith.addf %parallel_loop3A_279, %parallel_loop3A_284 : vector<16xf32>
        %parallel_loop3A_293 = math.exp %parallel_loop3A_292 : vector<16xf32>
        %parallel_loop3A_294 = arith.constant 1.000000e+00 : f32
        %parallel_loop3A_295 = vector.broadcast %parallel_loop3A_294 : f32 to vector<16xf32>
        %parallel_loop3A_296 = arith.addf %parallel_loop3A_293, %parallel_loop3A_295 : vector<16xf32>
        %parallel_loop3A_297 = arith.divf %get3A_31, %parallel_loop3A_296 : vector<16xf32>
        %parallel_loop3A_298 = arith.addf %parallel_loop3A_291, %parallel_loop3A_297 : vector<16xf32>
        %parallel_loop3A_299 = arith.index_cast %parallel_loop3A_226 : i32 to index
        %parallel_loop3A_300 = arith.constant 96 : index
        %parallel_loop3A_301 = tpu.vector_load %arg16[%parallel_loop3A_299, %parallel_loop3A_300] {strides = array<i32>} : memref<32x128xbf16, #tpu.memory_space<vmem>>, vector<32xbf16>,
        %parallel_loop3A_302 = tpu.unpack_subelements %parallel_loop3A_301, 0 {pack_format = #tpu.pack_format<interleaved>} : vector<32xbf16> -> vector<16xf32>
        %parallel_loop3A_303 = tpu.unpack_subelements %parallel_loop3A_301, 1 {pack_format = #tpu.pack_format<interleaved>} : vector<32xbf16> -> vector<16xf32>
        %parallel_loop3A_304 = arith.index_cast %parallel_loop3A_226 : i32 to index
        %parallel_loop3A_305 = arith.constant 96 : index
        %parallel_loop3A_306 = tpu.vector_load %arg18[%parallel_loop3A_304, %parallel_loop3A_305] {strides = array<i32>} : memref<32x256xbf16, #tpu.memory_space<vmem>>, vector<32xbf16>,
        %parallel_loop3A_307 = tpu.unpack_subelements %parallel_loop3A_306, 0 {pack_format = #tpu.pack_format<interleaved>} : vector<32xbf16> -> vector<16xf32>
        %parallel_loop3A_308 = tpu.unpack_subelements %parallel_loop3A_306, 1 {pack_format = #tpu.pack_format<interleaved>} : vector<32xbf16> -> vector<16xf32>
        %parallel_loop3A_309 = arith.addf %parallel_loop3A_302, %parallel_loop3A_307 : vector<16xf32>
        %parallel_loop3A_310 = math.exp %parallel_loop3A_309 : vector<16xf32>
        %parallel_loop3A_311 = arith.constant 1.000000e+00 : f32
        %parallel_loop3A_312 = vector.broadcast %parallel_loop3A_311 : f32 to vector<16xf32>
        %parallel_loop3A_313 = arith.addf %parallel_loop3A_310, %parallel_loop3A_312 : vector<16xf32>
        %parallel_loop3A_314 = arith.divf %get3A_33, %parallel_loop3A_313 : vector<16xf32>
        %parallel_loop3A_315 = arith.addf %parallel_loop3A_298, %parallel_loop3A_314 : vector<16xf32>
        %parallel_loop3A_316 = arith.addf %parallel_loop3A_303, %parallel_loop3A_308 : vector<16xf32>
        %parallel_loop3A_317 = math.exp %parallel_loop3A_316 : vector<16xf32>
        %parallel_loop3A_318 = arith.constant 1.000000e+00 : f32
        %parallel_loop3A_319 = vector.broadcast %parallel_loop3A_318 : f32 to vector<16xf32>
        %parallel_loop3A_320 = arith.addf %parallel_loop3A_317, %parallel_loop3A_319 : vector<16xf32>
        %parallel_loop3A_321 = arith.divf %get3A_35, %parallel_loop3A_320 : vector<16xf32>
        %parallel_loop3A_322 = arith.addf %parallel_loop3A_315, %parallel_loop3A_321 : vector<16xf32>
        %parallel_loop3A_323 = arith.constant 0 : i32
        %parallel_loop3A_324 = vector.broadcast %parallel_loop3A_323 : i32 to vector<16xi32>
        %parallel_loop3A_325 = arith.cmpi slt, %xor3A_8, %parallel_loop3A_324 : vector<16xi32>
        %parallel_loop3A_326 = arith.constant 16 : i32
        %parallel_loop3A_327 = vector.broadcast %parallel_loop3A_326 : i32 to vector<16xi32>
        %parallel_loop3A_328 = arith.addi %xor3A_8, %parallel_loop3A_327 : vector<16xi32>
        %parallel_loop3A_329 = arith.select %parallel_loop3A_325, %parallel_loop3A_328, %xor3A_8 : vector<16xi1>, vector<16xi32>
        %parallel_loop3A_330 = vector.shape_cast %parallel_loop3A_329 : vector<16xi32> to vector<16x1xi32>
        %parallel_loop3A_331 = vector.shape_cast %parallel_loop3A_330 : vector<16x1xi32> to vector<16xi32>
        %parallel_loop3A_332 = tpu.dynamic_gather %parallel_loop3A_322[%parallel_loop3A_331] in [0] : vector<16xf32>, vector<16xi32> -> vector<16xf32>
        %parallel_loop3A_333 = arith.addf %parallel_loop3A_322, %parallel_loop3A_332 : vector<16xf32>
        %parallel_loop3A_334 = arith.constant 0 : i32
        %parallel_loop3A_335 = vector.broadcast %parallel_loop3A_334 : i32 to vector<16xi32>
        %parallel_loop3A_336 = arith.cmpi slt, %xor3A_12, %parallel_loop3A_335 : vector<16xi32>
        %parallel_loop3A_337 = arith.constant 16 : i32
        %parallel_loop3A_338 = vector.broadcast %parallel_loop3A_337 : i32 to vector<16xi32>
        %parallel_loop3A_339 = arith.addi %xor3A_12, %parallel_loop3A_338 : vector<16xi32>
        %parallel_loop3A_340 = arith.select %parallel_loop3A_336, %parallel_loop3A_339, %xor3A_12 : vector<16xi1>, vector<16xi32>
        %parallel_loop3A_341 = vector.shape_cast %parallel_loop3A_340 : vector<16xi32> to vector<16x1xi32>
        %parallel_loop3A_342 = vector.shape_cast %parallel_loop3A_341 : vector<16x1xi32> to vector<16xi32>
        %parallel_loop3A_343 = tpu.dynamic_gather %parallel_loop3A_333[%parallel_loop3A_342] in [0] : vector<16xf32>, vector<16xi32> -> vector<16xf32>
        %parallel_loop3A_344 = arith.addf %parallel_loop3A_333, %parallel_loop3A_343 : vector<16xf32>
        %parallel_loop3A_345 = arith.constant 0 : i32
        %parallel_loop3A_346 = vector.broadcast %parallel_loop3A_345 : i32 to vector<16xi32>
        %parallel_loop3A_347 = arith.cmpi slt, %xor3A_16, %parallel_loop3A_346 : vector<16xi32>
        %parallel_loop3A_348 = arith.constant 16 : i32
        %parallel_loop3A_349 = vector.broadcast %parallel_loop3A_348 : i32 to vector<16xi32>
        %parallel_loop3A_350 = arith.addi %xor3A_16, %parallel_loop3A_349 : vector<16xi32>
        %parallel_loop3A_351 = arith.select %parallel_loop3A_347, %parallel_loop3A_350, %xor3A_16 : vector<16xi1>, vector<16xi32>
        %parallel_loop3A_352 = vector.shape_cast %parallel_loop3A_351 : vector<16xi32> to vector<16x1xi32>
        %parallel_loop3A_353 = vector.shape_cast %parallel_loop3A_352 : vector<16x1xi32> to vector<16xi32>
        %parallel_loop3A_354 = tpu.dynamic_gather %parallel_loop3A_344[%parallel_loop3A_353] in [0] : vector<16xf32>, vector<16xi32> -> vector<16xf32>
        %parallel_loop3A_355 = arith.addf %parallel_loop3A_344, %parallel_loop3A_354 : vector<16xf32>
        %parallel_loop3A_356 = arith.constant 0 : i32
        %parallel_loop3A_357 = vector.broadcast %parallel_loop3A_356 : i32 to vector<16xi32>
        %parallel_loop3A_358 = arith.cmpi slt, %xor3A_20, %parallel_loop3A_357 : vector<16xi32>
        %parallel_loop3A_359 = arith.constant 16 : i32
        %parallel_loop3A_360 = vector.broadcast %parallel_loop3A_359 : i32 to vector<16xi32>
        %parallel_loop3A_361 = arith.addi %xor3A_20, %parallel_loop3A_360 : vector<16xi32>
        %parallel_loop3A_362 = arith.select %parallel_loop3A_358, %parallel_loop3A_361, %xor3A_20 : vector<16xi1>, vector<16xi32>
        %parallel_loop3A_363 = vector.shape_cast %parallel_loop3A_362 : vector<16xi32> to vector<16x1xi32>
        %parallel_loop3A_364 = vector.shape_cast %parallel_loop3A_363 : vector<16x1xi32> to vector<16xi32>
        %parallel_loop3A_365 = tpu.dynamic_gather %parallel_loop3A_355[%parallel_loop3A_364] in [0] : vector<16xf32>, vector<16xi32> -> vector<16xf32>
        %parallel_loop3A_366 = arith.addf %parallel_loop3A_355, %parallel_loop3A_365 : vector<16xf32>
        %parallel_loop3A_367 = arith.constant 2.000000e+00 : f32
        %parallel_loop3A_368 = vector.broadcast %parallel_loop3A_367 : f32 to vector<16xf32>
        %parallel_loop3A_369 = arith.mulf %parallel_loop3A_368, %parallel_loop3A_366 : vector<16xf32>
        %parallel_loop3A_370 = arith.subf %add3A_84, %parallel_loop3A_369 : vector<16xf32>
        %parallel_loop3A_371 = math.exp %parallel_loop3A_370 : vector<16xf32>
        %parallel_loop3A_372 = arith.index_cast %parallel_loop3A_226 : i32 to index
        %parallel_loop3A_373 = arith.constant 128 : index
        %parallel_loop3A_374 = tpu.vector_load %arg18[%parallel_loop3A_372, %parallel_loop3A_373] {strides = array<i32>} : memref<32x256xbf16, #tpu.memory_space<vmem>>, vector<32xbf16>,
        %parallel_loop3A_375 = tpu.unpack_subelements %parallel_loop3A_374, 0 {pack_format = #tpu.pack_format<interleaved>} : vector<32xbf16> -> vector<16xf32>
        %parallel_loop3A_376 = tpu.unpack_subelements %parallel_loop3A_374, 1 {pack_format = #tpu.pack_format<interleaved>} : vector<32xbf16> -> vector<16xf32>
        %parallel_loop3A_377 = arith.mulf %parallel_loop3A_371, %parallel_loop3A_375 : vector<16xf32>
        %parallel_loop3A_378 = arith.index_cast %parallel_loop3A_226 : i32 to index
        %parallel_loop3A_379 = arith.constant 0 : index
        %parallel_loop3A_380 = tpu.vector_load %arg20[%parallel_loop3A_378, %parallel_loop3A_379] {strides = array<i32>} : memref<32x144xf32, #tpu.memory_space<vmem>>, vector<16xf32>,
        tpu.vector_store %arg20[%parallel_loop3A_378, %parallel_loop3A_379], %parallel_loop3A_377 {strides = array<i32>} : memref<32x144xf32, #tpu.memory_space<vmem>>, vector<16xf32>,
        %parallel_loop3A_381 = arith.mulf %parallel_loop3A_371, %parallel_loop3A_376 : vector<16xf32>
        %parallel_loop3A_382 = arith.index_cast %parallel_loop3A_226 : i32 to index
        %parallel_loop3A_383 = arith.constant 16 : index
        %parallel_loop3A_384 = tpu.vector_load %arg20[%parallel_loop3A_382, %parallel_loop3A_383] {strides = array<i32>} : memref<32x144xf32, #tpu.memory_space<vmem>>, vector<16xf32>,
        tpu.vector_store %arg20[%parallel_loop3A_382, %parallel_loop3A_383], %parallel_loop3A_381 {strides = array<i32>} : memref<32x144xf32, #tpu.memory_space<vmem>>, vector<16xf32>,
        %parallel_loop3A_385 = arith.index_cast %parallel_loop3A_226 : i32 to index
        %parallel_loop3A_386 = arith.constant 160 : index
        %parallel_loop3A_387 = tpu.vector_load %arg18[%parallel_loop3A_385, %parallel_loop3A_386] {strides = array<i32>} : memref<32x256xbf16, #tpu.memory_space<vmem>>, vector<32xbf16>,
        %parallel_loop3A_388 = tpu.unpack_subelements %parallel_loop3A_387, 0 {pack_format = #tpu.pack_format<interleaved>} : vector<32xbf16> -> vector<16xf32>
        %parallel_loop3A_389 = tpu.unpack_subelements %parallel_loop3A_387, 1 {pack_format = #tpu.pack_format<interleaved>} : vector<32xbf16> -> vector<16xf32>
        %parallel_loop3A_390 = arith.mulf %parallel_loop3A_371, %parallel_loop3A_388 : vector<16xf32>
        %parallel_loop3A_391 = arith.index_cast %parallel_loop3A_226 : i32 to index
        %parallel_loop3A_392 = arith.constant 32 : index
        %parallel_loop3A_393 = tpu.vector_load %arg20[%parallel_loop3A_391, %parallel_loop3A_392] {strides = array<i32>} : memref<32x144xf32, #tpu.memory_space<vmem>>, vector<16xf32>,
        tpu.vector_store %arg20[%parallel_loop3A_391, %parallel_loop3A_392], %parallel_loop3A_390 {strides = array<i32>} : memref<32x144xf32, #tpu.memory_space<vmem>>, vector<16xf32>,
        %parallel_loop3A_394 = arith.mulf %parallel_loop3A_371, %parallel_loop3A_389 : vector<16xf32>
        %parallel_loop3A_395 = arith.index_cast %parallel_loop3A_226 : i32 to index
        %parallel_loop3A_396 = arith.constant 48 : index
        %parallel_loop3A_397 = tpu.vector_load %arg20[%parallel_loop3A_395, %parallel_loop3A_396] {strides = array<i32>} : memref<32x144xf32, #tpu.memory_space<vmem>>, vector<16xf32>,
        tpu.vector_store %arg20[%parallel_loop3A_395, %parallel_loop3A_396], %parallel_loop3A_394 {strides = array<i32>} : memref<32x144xf32, #tpu.memory_space<vmem>>, vector<16xf32>,
        %parallel_loop3A_398 = arith.index_cast %parallel_loop3A_226 : i32 to index
        %parallel_loop3A_399 = arith.constant 192 : index
        %parallel_loop3A_400 = tpu.vector_load %arg18[%parallel_loop3A_398, %parallel_loop3A_399] {strides = array<i32>} : memref<32x256xbf16, #tpu.memory_space<vmem>>, vector<32xbf16>,
        %parallel_loop3A_401 = tpu.unpack_subelements %parallel_loop3A_400, 0 {pack_format = #tpu.pack_format<interleaved>} : vector<32xbf16> -> vector<16xf32>
        %parallel_loop3A_402 = tpu.unpack_subelements %parallel_loop3A_400, 1 {pack_format = #tpu.pack_format<interleaved>} : vector<32xbf16> -> vector<16xf32>
        %parallel_loop3A_403 = arith.mulf %parallel_loop3A_371, %parallel_loop3A_401 : vector<16xf32>
        %parallel_loop3A_404 = arith.index_cast %parallel_loop3A_226 : i32 to index
        %parallel_loop3A_405 = arith.constant 64 : index
        %parallel_loop3A_406 = tpu.vector_load %arg20[%parallel_loop3A_404, %parallel_loop3A_405] {strides = array<i32>} : memref<32x144xf32, #tpu.memory_space<vmem>>, vector<16xf32>,
        tpu.vector_store %arg20[%parallel_loop3A_404, %parallel_loop3A_405], %parallel_loop3A_403 {strides = array<i32>} : memref<32x144xf32, #tpu.memory_space<vmem>>, vector<16xf32>,
        %parallel_loop3A_407 = arith.mulf %parallel_loop3A_371, %parallel_loop3A_402 : vector<16xf32>
        %parallel_loop3A_408 = arith.index_cast %parallel_loop3A_226 : i32 to index
        %parallel_loop3A_409 = arith.constant 80 : index
        %parallel_loop3A_410 = tpu.vector_load %arg20[%parallel_loop3A_408, %parallel_loop3A_409] {strides = array<i32>} : memref<32x144xf32, #tpu.memory_space<vmem>>, vector<16xf32>,
        tpu.vector_store %arg20[%parallel_loop3A_408, %parallel_loop3A_409], %parallel_loop3A_407 {strides = array<i32>} : memref<32x144xf32, #tpu.memory_space<vmem>>, vector<16xf32>,
        %parallel_loop3A_411 = arith.index_cast %parallel_loop3A_226 : i32 to index
        %parallel_loop3A_412 = arith.constant 224 : index
        %parallel_loop3A_413 = tpu.vector_load %arg18[%parallel_loop3A_411, %parallel_loop3A_412] {strides = array<i32>} : memref<32x256xbf16, #tpu.memory_space<vmem>>, vector<32xbf16>,
        %parallel_loop3A_414 = tpu.unpack_subelements %parallel_loop3A_413, 0 {pack_format = #tpu.pack_format<interleaved>} : vector<32xbf16> -> vector<16xf32>
        %parallel_loop3A_415 = tpu.unpack_subelements %parallel_loop3A_413, 1 {pack_format = #tpu.pack_format<interleaved>} : vector<32xbf16> -> vector<16xf32>
        %parallel_loop3A_416 = arith.mulf %parallel_loop3A_371, %parallel_loop3A_414 : vector<16xf32>
        %parallel_loop3A_417 = arith.index_cast %parallel_loop3A_226 : i32 to index
        %parallel_loop3A_418 = arith.constant 96 : index
        %parallel_loop3A_419 = tpu.vector_load %arg20[%parallel_loop3A_417, %parallel_loop3A_418] {strides = array<i32>} : memref<32x144xf32, #tpu.memory_space<vmem>>, vector<16xf32>,
        tpu.vector_store %arg20[%parallel_loop3A_417, %parallel_loop3A_418], %parallel_loop3A_416 {strides = array<i32>} : memref<32x144xf32, #tpu.memory_space<vmem>>, vector<16xf32>,
        %parallel_loop3A_420 = arith.mulf %parallel_loop3A_371, %parallel_loop3A_415 : vector<16xf32>
        %parallel_loop3A_421 = arith.index_cast %parallel_loop3A_226 : i32 to index
        %parallel_loop3A_422 = arith.constant 112 : index
        %parallel_loop3A_423 = tpu.vector_load %arg20[%parallel_loop3A_421, %parallel_loop3A_422] {strides = array<i32>} : memref<32x144xf32, #tpu.memory_space<vmem>>, vector<16xf32>,
        tpu.vector_store %arg20[%parallel_loop3A_421, %parallel_loop3A_422], %parallel_loop3A_420 {strides = array<i32>} : memref<32x144xf32, #tpu.memory_space<vmem>>, vector<16xf32>,
        %parallel_loop3A_424 = arith.mulf %parallel_loop3A_371, %select_n3A : vector<16xf32>
        %parallel_loop3A_425 = arith.index_cast %parallel_loop3A_226 : i32 to index
        %parallel_loop3A_426 = arith.constant 128 : index
        %parallel_loop3A_427 = tpu.vector_load %arg20[%parallel_loop3A_425, %parallel_loop3A_426] {strides = array<i32>} : memref<32x144xf32, #tpu.memory_space<vmem>>, vector<16xf32>,
        tpu.vector_store %arg20[%parallel_loop3A_425, %parallel_loop3A_426], %parallel_loop3A_424 {strides = array<i32>} : memref<32x144xf32, #tpu.memory_space<vmem>>, vector<16xf32>,
      } {sc.loop_unroll_factor = 2 : i64, sc.parallel_access}
      %get3A_215 = arith.constant 0 : index
      %get3A_216 = tpu.vector_load %arg12[%get3A_215] {strides = array<i32>} : memref<32xi32, #tpu.memory_space<vmem>>, vector<16xi32>,
      %swap3A_217 = arith.constant 0 : index
      %swap3A_218 = tpu.vector_load %arg14[%swap3A_217] {strides = array<i32>} : memref<32xi32, #tpu.memory_space<vmem>>, vector<16xi32>,
      tpu.vector_store %arg14[%swap3A_217], %get3A_216 {strides = array<i32>} : memref<32xi32, #tpu.memory_space<vmem>>, vector<16xi32>,
      %get3A_219 = arith.constant 16 : index
      %get3A_220 = tpu.vector_load %arg12[%get3A_219] {strides = array<i32>} : memref<32xi32, #tpu.memory_space<vmem>>, vector<16xi32>,
      %swap3A_221 = arith.constant 16 : index
      %swap3A_222 = tpu.vector_load %arg14[%swap3A_221] {strides = array<i32>} : memref<32xi32, #tpu.memory_space<vmem>>, vector<16xi32>,
      tpu.vector_store %arg14[%swap3A_221], %get3A_220 {strides = array<i32>} : memref<32xi32, #tpu.memory_space<vmem>>, vector<16xi32>,
      %dma_start3A_223 = arith.constant 0 : i32
      %dma_start3A_224 = arith.constant 0 : i32
      %dma_start3A_225 = tpu.memref_slice %arg22[%dma_start3A_223, %dma_start3A_224] : memref<10240x144xf32, #tpu.memory_space<vmem_shared>> -> memref<10240x144xf32, #tpu.memory_space<vmem_shared>>
      tpu.enqueue_indirect_dma source(%arg20 : memref<32x144xf32, #tpu.memory_space<vmem>>) target(%dma_start3A_225 : memref<10240x144xf32, #tpu.memory_space<vmem_shared>>) offsets(%arg14 : memref<32xi32, #tpu.memory_space<vmem>>) semaphore(%arg28 : memref<!tpu.dma_semaphore, #tpu.memory_space<semaphore_mem>>) {add = true}
    }
    %scan3A_132 = arith.constant 160 : i32
    %dma_wait3A = arith.constant 0 : i32
    %dma_wait3A_133 = arith.constant 0 : i32
    %dma_wait3A_134 = tpu.memref_slice %arg22[%dma_wait3A, %dma_wait3A_133] : memref<10240x144xf32, #tpu.memory_space<vmem_shared>> -> memref<10240x144xf32, #tpu.memory_space<vmem_shared>>
    tpu.wait_indirect_dma semaphore(%arg27 : memref<!tpu.dma_semaphore, #tpu.memory_space<semaphore_mem>>) src(%arg19 : memref<32x144xf32, #tpu.memory_space<vmem>>) dst(%dma_wait3A_134 : memref<10240x144xf32, #tpu.memory_space<vmem_shared>>)
    %dma_wait3A_135 = arith.constant 0 : i32
    %dma_wait3A_136 = arith.constant 0 : i32
    %dma_wait3A_137 = tpu.memref_slice %arg22[%dma_wait3A_135, %dma_wait3A_136] : memref<10240x144xf32, #tpu.memory_space<vmem_shared>> -> memref<10240x144xf32, #tpu.memory_space<vmem_shared>>
    tpu.wait_indirect_dma semaphore(%arg28 : memref<!tpu.dma_semaphore, #tpu.memory_space<semaphore_mem>>) src(%arg20 : memref<32x144xf32, #tpu.memory_space<vmem>>) dst(%dma_wait3A_137 : memref<10240x144xf32, #tpu.memory_space<vmem_shared>>)
    %barrier3A_138 = arith.constant 0 : index
    tpu.barrier barrier_id(%barrier3A_138)
    %mul3A_139 = arith.constant 640 : i32
    %mul3A_140 = arith.muli %arg1, %mul3A_139 : i32
    %mul3A_141 = arith.constant 640 : i32
    %mul3A_142 = arith.muli %arg1, %mul3A_141 : i32
    "tpu.region"() ({
      %run_scoped3A = tpu.sem_alloc : memref<!tpu.dma_semaphore, #tpu.memory_space<semaphore_mem>>
      %dma_start3A_143 = arith.constant 0 : i32
      %dma_start3A_144 = arith.constant 0 : i32
      %dma_start3A_145 = tpu.memref_slice %arg6[%arg0, %dma_start3A_143, %dma_start3A_144] : memref<2x10240x144xf32, #tpu.memory_space<hbm>> -> memref<1x10240x144xf32, #tpu.memory_space<hbm>>
      %dma_start3A_146 = tpu.memref_squeeze %dma_start3A_145 : memref<1x10240x144xf32, #tpu.memory_space<hbm>> -> memref<10240x144xf32, #tpu.memory_space<hbm>>
      %dma_start3A_147 = arith.constant 0 : i32
      %dma_start3A_148 = tpu.memref_slice %dma_start3A_146[%mul3A_142, %dma_start3A_147] : memref<10240x144xf32, #tpu.memory_space<hbm>> -> memref<640x144xf32, #tpu.memory_space<hbm>>
      %dma_start3A_149 = arith.constant 0 : i32
      %dma_start3A_150 = tpu.memref_slice %arg22[%mul3A_140, %dma_start3A_149] : memref<10240x144xf32, #tpu.memory_space<vmem_shared>> -> memref<640x144xf32, #tpu.memory_space<vmem_shared>>
      tpu.enqueue_dma source(%dma_start3A_150 : memref<640x144xf32, #tpu.memory_space<vmem_shared>>) target(%dma_start3A_148 : memref<640x144xf32, #tpu.memory_space<hbm>>) target_semaphore(%run_scoped3A : memref<!tpu.dma_semaphore, #tpu.memory_space<semaphore_mem>>)
      %dma_wait3A_151 = arith.constant 0 : i32
      %dma_wait3A_152 = arith.constant 0 : i32
      %dma_wait3A_153 = tpu.memref_slice %arg6[%arg0, %dma_wait3A_151, %dma_wait3A_152] : memref<2x10240x144xf32, #tpu.memory_space<hbm>> -> memref<1x10240x144xf32, #tpu.memory_space<hbm>>
      %dma_wait3A_154 = tpu.memref_squeeze %dma_wait3A_153 : memref<1x10240x144xf32, #tpu.memory_space<hbm>> -> memref<10240x144xf32, #tpu.memory_space<hbm>>
      %dma_wait3A_155 = arith.constant 0 : i32
      %dma_wait3A_156 = tpu.memref_slice %dma_wait3A_154[%mul3A_142, %dma_wait3A_155] : memref<10240x144xf32, #tpu.memory_space<hbm>> -> memref<640x144xf32, #tpu.memory_space<hbm>>
      %dma_wait3A_157 = arith.constant 0 : i32
      %dma_wait3A_158 = tpu.memref_slice %arg22[%mul3A_140, %dma_wait3A_157] : memref<10240x144xf32, #tpu.memory_space<vmem_shared>> -> memref<640x144xf32, #tpu.memory_space<vmem_shared>>
      tpu.wait_dma2 semaphore(%run_scoped3A : memref<!tpu.dma_semaphore, #tpu.memory_space<semaphore_mem>>) src(%dma_wait3A_158 : memref<640x144xf32, #tpu.memory_space<vmem_shared>>) dst(%dma_wait3A_156 : memref<640x144xf32, #tpu.memory_space<hbm>>)
      tpu.yield
    }) : () -> ()
    return
  }
}

module attributes {stable_mosaic.version = 14 : i64} {
  func.func @body(%arg0: i32, %arg1: memref<1024x128xf32, #tpu.memory_space<vmem>>, %arg2: memref<256x128xf32, #tpu.memory_space<vmem>>, %arg3: memref<1x128xf32, #tpu.memory_space<vmem>>, %arg4: memref<1024x128xbf16, #tpu.memory_space<vmem>>, %arg5: memref<1024x256xbf16, #tpu.memory_space<vmem>>) attributes {dimension_semantics = [#tpu.dimension_semantics<arbitrary>], iteration_bounds = array<i64: 10>, scalar_prefetch = 0 : i64, scratch_operands = 0 : i64, tpu.core_type = #tpu.core_type<tc>, window_params = [{transform_indices = @transform_0, window_bounds = array<i64: 1024, 128>}, {pipeline_mode = #tpu.pipeline_mode<synchronous>, transform_indices = @transform_1, window_bounds = array<i64: 256, 128>}, {pipeline_mode = #tpu.pipeline_mode<synchronous>, transform_indices = @transform_2, window_bounds = array<i64: 1, 128>}, {transform_indices = @transform_3, window_bounds = array<i64: 1024, 128>}, {transform_indices = @transform_4, window_bounds = array<i64: 1024, 256>}]} {
    %get3A = arith.constant 0 : index
    %get3A_0 = arith.constant 0 : index
    %get3A_1 = vector.load %arg1[%get3A, %get3A_0] : memref<1024x128xf32, #tpu.memory_space<vmem>>, vector<1024x128xf32>
    %get3A_2 = arith.constant 0 : index
    %get3A_3 = arith.constant 0 : index
    %get3A_4 = vector.load %arg2[%get3A_2, %get3A_3] : memref<256x128xf32, #tpu.memory_space<vmem>>, vector<256x128xf32>
    %slice3A = vector.extract_strided_slice %get3A_4 {offsets = [0, 0], sizes = [128, 128], strides = [1, 1]} : vector<256x128xf32> to vector<128x128xf32>
    %dot_general3A = arith.constant dense<0.000000e+00> : vector<1024x128xf32>
    %dot_general3A_5 = tpu.matmul %get3A_1, %slice3A, %dot_general3A {dimension_numbers = #tpu.dot_dimension_numbers<[1], [0], [0], [1], [0, 0, 1, 1], [], []>, transpose_lhs_hint = false} : vector<1024x128xf32>, vector<128x128xf32>, vector<1024x128xf32> -> vector<1024x128xf32>
    %get3A_6 = arith.constant 0 : index
    %get3A_7 = arith.constant 0 : index
    %get3A_8 = vector.load %arg3[%get3A_6, %get3A_7] : memref<1x128xf32, #tpu.memory_space<vmem>>, vector<1x128xf32>
    %add3A = vector.broadcast %get3A_8 : vector<1x128xf32> to vector<1024x128xf32>
    %add3A_9 = arith.addf %dot_general3A_5, %add3A : vector<1024x128xf32>
    %mul3A = arith.constant 2.000000e+00 : f32
    %mul3A_10 = vector.broadcast %mul3A : f32 to vector<1024x128xf32>
    %mul3A_11 = arith.mulf %mul3A_10, %add3A_9 : vector<1024x128xf32>
    %convert_element_type3A = arith.truncf %mul3A_11 : vector<1024x128xf32> to vector<1024x128xbf16>
    %swap3A = arith.constant 0 : index
    %swap3A_12 = arith.constant 0 : index
    %swap3A_13 = vector.load %arg4[%swap3A, %swap3A_12] : memref<1024x128xbf16, #tpu.memory_space<vmem>>, vector<1024x128xbf16>
    tpu.vector_store %arg4[%swap3A, %swap3A_12], %convert_element_type3A {strides = array<i32>} : memref<1024x128xbf16, #tpu.memory_space<vmem>>, vector<1024x128xbf16>,
    %slice3A_14 = vector.extract_strided_slice %get3A_4 {offsets = [128, 0], sizes = [128, 128], strides = [1, 1]} : vector<256x128xf32> to vector<128x128xf32>
    %dot_general3A_15 = arith.constant dense<0.000000e+00> : vector<1024x128xf32>
    %dot_general3A_16 = tpu.matmul %get3A_1, %slice3A_14, %dot_general3A_15 {dimension_numbers = #tpu.dot_dimension_numbers<[1], [0], [0], [1], [0, 0, 1, 1], [], []>, transpose_lhs_hint = false} : vector<1024x128xf32>, vector<128x128xf32>, vector<1024x128xf32> -> vector<1024x128xf32>
    %mul3A_17 = arith.constant 2.000000e+00 : f32
    %mul3A_18 = vector.broadcast %mul3A_17 : f32 to vector<1024x128xf32>
    %mul3A_19 = arith.mulf %mul3A_18, %dot_general3A_16 : vector<1024x128xf32>
    %convert_element_type3A_20 = arith.truncf %mul3A_19 : vector<1024x128xf32> to vector<1024x128xbf16>
    %swap3A_21 = arith.constant 0 : index
    %swap3A_22 = arith.constant 0 : index
    %swap3A_23 = vector.load %arg5[%swap3A_21, %swap3A_22] : memref<1024x256xbf16, #tpu.memory_space<vmem>>, vector<1024x128xbf16>
    tpu.vector_store %arg5[%swap3A_21, %swap3A_22], %convert_element_type3A_20 {strides = array<i32>} : memref<1024x256xbf16, #tpu.memory_space<vmem>>, vector<1024x128xbf16>,
    %convert_element_type3A_24 = arith.truncf %get3A_1 : vector<1024x128xf32> to vector<1024x128xbf16>
    %swap3A_25 = arith.constant 0 : index
    %swap3A_26 = arith.constant 128 : index
    %swap3A_27 = vector.load %arg5[%swap3A_25, %swap3A_26] : memref<1024x256xbf16, #tpu.memory_space<vmem>>, vector<1024x128xbf16>
    tpu.vector_store %arg5[%swap3A_25, %swap3A_26], %convert_element_type3A_24 {strides = array<i32>} : memref<1024x256xbf16, #tpu.memory_space<vmem>>, vector<1024x128xbf16>,
    return
  }
  func.func @transform_0(%arg0: i32) -> (i32, i32) {
    %c0_i32 = arith.constant 0 : i32
    %c0_i32_0 = arith.constant 0 : i32
    return %arg0, %c0_i32 : i32, i32
  }
  func.func @transform_1(%arg0: i32) -> (i32, i32) {
    %c0_i32 = arith.constant 0 : i32
    %c0_i32_0 = arith.constant 0 : i32
    %c0_i32_1 = arith.constant 0 : i32
    return %c0_i32, %c0_i32_0 : i32, i32
  }
  func.func @transform_2(%arg0: i32) -> (i32, i32) {
    %c0_i32 = arith.constant 0 : i32
    %c0_i32_0 = arith.constant 0 : i32
    %c0_i32_1 = arith.constant 0 : i32
    return %c0_i32, %c0_i32_0 : i32, i32
  }
  func.func @transform_3(%arg0: i32) -> (i32, i32) {
    %c0_i32 = arith.constant 0 : i32
    %c0_i32_0 = arith.constant 0 : i32
    return %arg0, %c0_i32 : i32, i32
  }
  func.func @transform_4(%arg0: i32) -> (i32, i32) {
    %c0_i32 = arith.constant 0 : i32
    %c0_i32_0 = arith.constant 0 : i32
    return %arg0, %c0_i32 : i32, i32
  }
}

module attributes {stable_mosaic.version = 14 : i64} {
  func.func @body(%arg0: i32, %arg1: memref<1000x128xf32, #tpu.memory_space<vmem>>, %arg2: memref<2x1000x144xf32, #tpu.memory_space<vmem>>, %arg3: memref<256x128xf32, #tpu.memory_space<vmem>>, %arg4: memref<1x128xf32, #tpu.memory_space<vmem>>, %arg5: memref<1000x128xf32, #tpu.memory_space<vmem>>) attributes {dimension_semantics = [#tpu.dimension_semantics<arbitrary>], iteration_bounds = array<i64: 10>, scalar_prefetch = 0 : i64, scratch_operands = 0 : i64, tpu.core_type = #tpu.core_type<tc>, window_params = [{transform_indices = @transform_0, window_bounds = array<i64: 1000, 128>}, {transform_indices = @transform_1, window_bounds = array<i64: 2, 1000, 144>}, {pipeline_mode = #tpu.pipeline_mode<synchronous>, transform_indices = @transform_2, window_bounds = array<i64: 256, 128>}, {pipeline_mode = #tpu.pipeline_mode<synchronous>, transform_indices = @transform_3, window_bounds = array<i64: 1, 128>}, {transform_indices = @transform_4, window_bounds = array<i64: 1000, 128>}]} {
    %get3A = arith.constant 0 : index
    %get3A_0 = arith.constant 0 : index
    %get3A_1 = arith.constant 0 : index
    %get3A_2 = vector.load %arg2[%get3A, %get3A_0, %get3A_1] : memref<2x1000x144xf32, #tpu.memory_space<vmem>>, vector<1x1000x144xf32>
    %get3A_3 = vector.shape_cast %get3A_2 : vector<1x1000x144xf32> to vector<1000x144xf32>
    %get3A_4 = arith.constant 1 : index
    %get3A_5 = arith.constant 0 : index
    %get3A_6 = arith.constant 0 : index
    %get3A_7 = vector.load %arg2[%get3A_4, %get3A_5, %get3A_6] : memref<2x1000x144xf32, #tpu.memory_space<vmem>>, vector<1x1000x144xf32>
    %get3A_8 = vector.shape_cast %get3A_7 : vector<1x1000x144xf32> to vector<1000x144xf32>
    %add3A = arith.addf %get3A_3, %get3A_8 : vector<1000x144xf32>
    %slice3A = vector.extract_strided_slice %add3A {offsets = [0, 128], sizes = [1000, 1], strides = [1, 1]} : vector<1000x144xf32> to vector<1000x1xf32>
    %gt3A = arith.constant 0.000000e+00 : f32
    %gt3A_9 = vector.broadcast %gt3A : f32 to vector<1000x1xf32>
    %gt3A_10 = arith.cmpf ogt, %slice3A, %gt3A_9 : vector<1000x1xf32>
    %slice3A_11 = vector.extract_strided_slice %add3A {offsets = [0, 0], sizes = [1000, 128], strides = [1, 1]} : vector<1000x144xf32> to vector<1000x128xf32>
    %div3A = vector.broadcast %slice3A : vector<1000x1xf32> to vector<1000x128xf32>
    %div3A_12 = arith.divf %slice3A_11, %div3A : vector<1000x128xf32>
    %jit3A = arith.constant 0.000000e+00 : f32
    %broadcast_in_dim3A = vector.shape_cast %gt3A_10 : vector<1000x1xi1> to vector<1000x1xi1>
    %broadcast_in_dim3A_13 = vector.broadcast %broadcast_in_dim3A : vector<1000x1xi1> to vector<1000x128xi1>
    %broadcast_in_dim3A_14 = vector.broadcast %jit3A : f32 to vector<1000x128xf32>
    %select_n3A = arith.select %broadcast_in_dim3A_13, %div3A_12, %broadcast_in_dim3A_14 : vector<1000x128xi1>, vector<1000x128xf32>
    %get3A_15 = arith.constant 0 : index
    %get3A_16 = arith.constant 0 : index
    %get3A_17 = vector.load %arg3[%get3A_15, %get3A_16] : memref<256x128xf32, #tpu.memory_space<vmem>>, vector<256x128xf32>
    %get3A_18 = arith.constant 0 : index
    %get3A_19 = arith.constant 0 : index
    %get3A_20 = vector.load %arg1[%get3A_18, %get3A_19] : memref<1000x128xf32, #tpu.memory_space<vmem>>, vector<1000x128xf32>
    %slice3A_21 = vector.extract_strided_slice %get3A_17 {offsets = [0, 0], sizes = [128, 128], strides = [1, 1]} : vector<256x128xf32> to vector<128x128xf32>
    %dot_general3A = arith.constant dense<0.000000e+00> : vector<1000x128xf32>
    %dot_general3A_22 = tpu.matmul %get3A_20, %slice3A_21, %dot_general3A {dimension_numbers = #tpu.dot_dimension_numbers<[1], [0], [0], [1], [0, 0, 1, 1], [], []>, transpose_lhs_hint = false} : vector<1000x128xf32>, vector<128x128xf32>, vector<1000x128xf32> -> vector<1000x128xf32>
    %slice3A_23 = vector.extract_strided_slice %get3A_17 {offsets = [128, 0], sizes = [128, 128], strides = [1, 1]} : vector<256x128xf32> to vector<128x128xf32>
    %dot_general3A_24 = arith.constant dense<0.000000e+00> : vector<1000x128xf32>
    %dot_general3A_25 = tpu.matmul %select_n3A, %slice3A_23, %dot_general3A_24 {dimension_numbers = #tpu.dot_dimension_numbers<[1], [0], [0], [1], [0, 0, 1, 1], [], []>, transpose_lhs_hint = false} : vector<1000x128xf32>, vector<128x128xf32>, vector<1000x128xf32> -> vector<1000x128xf32>
    %add3A_26 = arith.addf %dot_general3A_22, %dot_general3A_25 : vector<1000x128xf32>
    %get3A_27 = arith.constant 0 : index
    %get3A_28 = arith.constant 0 : index
    %get3A_29 = vector.load %arg4[%get3A_27, %get3A_28] : memref<1x128xf32, #tpu.memory_space<vmem>>, vector<1x128xf32>
    %add3A_30 = vector.broadcast %get3A_29 : vector<1x128xf32> to vector<1000x128xf32>
    %add3A_31 = arith.addf %add3A_26, %add3A_30 : vector<1000x128xf32>
    %max3A = arith.constant 0.000000e+00 : f32
    %max3A_32 = vector.broadcast %max3A : f32 to vector<1000x128xf32>
    %max3A_33 = arith.maximumf %add3A_31, %max3A_32 : vector<1000x128xf32>
    %swap3A = arith.constant 0 : index
    %swap3A_34 = arith.constant 0 : index
    %swap3A_35 = vector.load %arg5[%swap3A, %swap3A_34] : memref<1000x128xf32, #tpu.memory_space<vmem>>, vector<1000x128xf32>
    tpu.vector_store %arg5[%swap3A, %swap3A_34], %max3A_33 {strides = array<i32>} : memref<1000x128xf32, #tpu.memory_space<vmem>>, vector<1000x128xf32>,
    return
  }
  func.func @transform_0(%arg0: i32) -> (i32, i32) {
    %c0_i32 = arith.constant 0 : i32
    %c0_i32_0 = arith.constant 0 : i32
    return %arg0, %c0_i32 : i32, i32
  }
  func.func @transform_1(%arg0: i32) -> (i32, i32, i32) {
    %c0_i32 = arith.constant 0 : i32
    %c0_i32_0 = arith.constant 0 : i32
    %c0_i32_1 = arith.constant 0 : i32
    return %c0_i32, %arg0, %c0_i32_0 : i32, i32, i32
  }
  func.func @transform_2(%arg0: i32) -> (i32, i32) {
    %c0_i32 = arith.constant 0 : i32
    %c0_i32_0 = arith.constant 0 : i32
    %c0_i32_1 = arith.constant 0 : i32
    return %c0_i32, %c0_i32_0 : i32, i32
  }
  func.func @transform_3(%arg0: i32) -> (i32, i32) {
    %c0_i32 = arith.constant 0 : i32
    %c0_i32_0 = arith.constant 0 : i32
    %c0_i32_1 = arith.constant 0 : i32
    return %c0_i32, %c0_i32_0 : i32, i32
  }
  func.func @transform_4(%arg0: i32) -> (i32, i32) {
    %c0_i32 = arith.constant 0 : i32
    %c0_i32_0 = arith.constant 0 : i32
    return %arg0, %c0_i32 : i32, i32
  }
}

</mosaic_0001>

<sc_bundles>
// kernel: kernel.5.cloned.1.call-start
scs
__scs_entry_jumppad:
0x0: {  	(pc) =	sbr.rel $0x88, $3  }
0x1: {  	(tag) =	ssettag $0x0;
	lr =	simm.s32 $0x1  }
0x2: {  	[smem:$0x3F9A] =	sst lr;
	_ =	strace $0xD0000000  }
0x3: {  	_ = 	snop  }
0x4: {  	_ = 	snop  }
0x5: {  	_ = 	snop  }
0x6: {  	_ = 	snop  }
0x7: {  	_ = 	snop  }
__scs_overlays_trampoline_lowered:
0x8: {  	[smem:$0x3FA9] =	sst s0  }
0x9: {  	[smem:$0x3FAA] =	sst s1  }
0xa: {  	[smem:$0x3FAB] =	sst s2  }
0xb: {  	[smem:$0x3FAC] =	sst s3  }
0xc: {  	[smem:$0x3FAD] =	sst s4  }
0xd: {  	[smem:$0x3FAE] =	sst s5  }
0xe: {  	[smem:$0x3FAF] =	sst s6  }
0xf: {  	[smem:$0x3FB0] =	sst s7  }
0x10: {  	[smem:$0x3FB1] =	sst s8  }
0x11: {  	[smem:$0x3FB2] =	sst s9;
	s0 =	simm.s32 @!p0 $0x0  }
0x12: {  	s1 =	sld [smem:$0x3F98];
	s0 =	simm.s32 @p0 $0x1  }
0x13: {  	[smem:$0x3FB3] =	sst s0;
	s0 =	simm.s32 @!p1 $0x0  }
0x14: {  	s2 =	sld [smem:$0x3F97];
	s0 =	simm.s32 @p1 $0x1  }
0x15: {  	[smem:$0x3FB4] =	sst s0;
	s0 =	simm.s32 @!p2 $0x0  }
0x16: {  	s3 =	sld [smem:$0x3FDB];
	s0 =	simm.s32 @p2 $0x1  }
0x17: {  	s4 =	simm.s32 $0x1BF5;
	[smem:$0x3FB6] =	sst s0  }
0x18: {  	s0 =	sld [smem:$0x3F99];
	_ =	swait.ge [sflag:s4], $0x0  }
0x19: {  	s7 =	sld [smem:$0x3F9A]  }
0x1a: {  	s8 =	sadd.s32 $0xFFFFE003, lr  }
0x1b: {  	s9 =	sadd.s32 $0xFFFFFEF7, lr;
	s5 =	simm.s32 $0xFFFFFFFF;
	p2 =	slt.u32 s8, $0xFFFFF086  }
0x1c: {  	p1 =	slt.u32 s9, $0xF7A;
	s5 =	simm.s32 @!p2 $0x0  }
0x1d: {  	s5 =	simm.s32 @p1 $0x1;
	p0 =	seq.s32 s7, s2  }
0x1e: {  	s7 =	smul.u32 @!p0 $0xF7A, s2;
	p2 =	seq.s32 @!p0 s5, $0x0  }
0x1f: {  	s9 =	smul.u32 $0xF7A, s1;
	s8 =	simm.s32 @!p0 $0x1BF5;
	p2 =	por !p2, p0  }
0x20: {  	[sflag:s8] =	ssyncset.s32 @!p0 $0xFFFFF086;
	s6 =	sadd.s32 @!p0 s3, s7;
	s7 =	simm.s32 @!p0 $0x108  }
0x21: {  	s3 =	sadd.s32 s3, s9;
	s6 =	sadd.s32 @!p0 $0x88, s6;
	s7 =	simm.s32 @p2 $0x1082  }
0x22: {  	[simem:s7], [sflag:s8] =	dma.local @!p0 [hbm:s6], $0xF7A  }
0x23: {  	s9 =	sor.u32 $0xD0000000, s2;
	s6 =	simm.s32 $0x108;
	_ =	swait.ge @!p0 [sflag:s8], $0x0  }
0x24: {  	s3 =	sadd.s32 $0x88, s3;
	s6 =	simm.s32 @!p1 $0x1082;
	[sflag:s4] =	ssyncset.s32 $0xFFFFF086  }
0x25: {  	[simem:s6], [sflag:s4] =	dma.local [hbm:s3], $0xF7A  }
0x26: {  	[smem:$0x3F9A] =	sst s1;
	(tag) =	ssettag s2;
	_ =	strace s9  }
0x27: {  	s1 =	sld [smem:$0x3FAA]  }
0x28: {  	s2 =	sld [smem:$0x3FAB]  }
0x29: {  	s4 =	sld [smem:$0x3FAD]  }
0x2a: {  	p0 =	seq.s32 s5, $0x0;
	s5 =	sld [smem:$0x3FAE]  }
0x2b: {  	s6 =	sld [smem:$0x3FAF]  }
0x2c: {  	s7 =	sld [smem:$0x3FB0]  }
0x2d: {  	s3 =	simm.s32 $0x108;
	s8 =	sld [smem:$0x3FB1]  }
0x2e: {  	s3 =	simm.s32 @!p0 $0x1082;
	s9 =	sld [smem:$0x3FB2]  }
0x2f: {  	lr =	sadd.s32 s0, s3;
	s0 =	sld [smem:$0x3FA9]  }
0x30: {  	s3 =	sld [smem:$0x3FAC]  }
0x31: {  	[smem:$0x3FB5] =	sst s10  }
0x32: {  	s10 =	sld [smem:$0x3FB3];
	_ =	sdelay $0x3  }
0x33: {  	p0 =	seq.s32 s10, $0x1;
	s10 =	sld [smem:$0x3FB5];
	_ =	sdelay $0x3  }
0x34: {  	[smem:$0x3FB5] =	sst s10  }
0x35: {  	s10 =	sld [smem:$0x3FB4];
	_ =	sdelay $0x3  }
0x36: {  	p1 =	seq.s32 s10, $0x1;
	s10 =	sld [smem:$0x3FB5];
	_ =	sdelay $0x3  }
0x37: {  	[smem:$0x3FB5] =	sst s10  }
0x38: {  	s10 =	sld [smem:$0x3FB6]  }
0x39: {  	_ = 	snop;
	(pc) =	sbr.ind lr, $3  }
0x3a: {  	_ = 	snop  }
0x3b: {  	_ = 	snop  }
0x3c: {  	p2 =	seq.s32 s10, $0x1;
	s10 =	sld [smem:$0x3FB5]  }
0x3d: {  	_ =	shalt  }
0x3e: {  	_ =	shalt  }
0x3f: {  	_ =	shalt  }
0x40: {  	_ =	shalt  }
0x41: {  	_ =	shalt  }
0x42: {  	_ =	shalt  }
0x43: {  	_ =	shalt  }
0x44: {  	_ =	shalt  }
0x45: {  	_ =	shalt  }
0x46: {  	_ =	shalt  }
0x47: {  	_ =	shalt  }
0x48: {  	_ =	shalt  }
0x49: {  	_ =	shalt  }
0x4a: {  	_ =	shalt  }
0x4b: {  	_ =	shalt  }
0x4c: {  	_ =	shalt  }
0x4d: {  	_ =	shalt  }
0x4e: {  	_ =	shalt  }
0x4f: {  	_ =	shalt  }
0x50: {  	_ =	shalt  }
0x51: {  	_ =	shalt  }
0x52: {  	_ =	shalt  }
0x53: {  	_ =	shalt  }
0x54: {  	_ =	shalt  }
0x55: {  	_ =	shalt  }
0x56: {  	_ =	shalt  }
0x57: {  	_ =	shalt  }
0x58: {  	_ =	shalt  }
0x59: {  	_ =	shalt  }
0x5a: {  	_ =	shalt  }
0x5b: {  	_ =	shalt  }
0x5c: {  	_ =	shalt  }
0x5d: {  	_ =	shalt  }
0x5e: {  	_ =	shalt  }
0x5f: {  	_ =	shalt  }
0x60: {  	_ =	shalt  }
0x61: {  	_ =	shalt  }
0x62: {  	_ =	shalt  }
0x63: {  	_ =	shalt  }
0x64: {  	_ =	shalt  }
0x65: {  	_ =	shalt  }
0x66: {  	_ =	shalt  }
0x67: {  	_ =	shalt  }
0x68: {  	_ =	shalt  }
0x69: {  	_ =	shalt  }
0x6a: {  	_ =	shalt  }
0x6b: {  	_ =	shalt  }
0x6c: {  	_ =	shalt  }
0x6d: {  	_ =	shalt  }
0x6e: {  	_ =	shalt  }
0x6f: {  	_ =	shalt  }
0x70: {  	_ =	shalt  }
0x71: {  	_ =	shalt  }
0x72: {  	_ =	shalt  }
0x73: {  	_ =	shalt  }
0x74: {  	_ =	shalt  }
0x75: {  	_ =	shalt  }
0x76: {  	_ =	shalt  }
0x77: {  	_ =	shalt  }
0x78: {  	_ =	shalt  }
0x79: {  	_ =	shalt  }
0x7a: {  	_ =	shalt  }
0x7b: {  	_ =	shalt  }
0x7c: {  	_ =	shalt  }
0x7d: {  	_ =	shalt  }
0x7e: {  	_ =	shalt  }
0x7f: {  	_ =	shalt  }
0x80: {  	_ =	shalt  }
0x81: {  	_ =	shalt  }
0x82: {  	_ =	shalt  }
0x83: {  	_ =	shalt  }
0x84: {  	_ =	shalt  }
0x85: {  	_ =	shalt  }
0x86: {  	_ =	shalt  }
0x87: {  	_ =	shalt  }
.Lfunc_end0:
.L_simem_size_0:
called_computation_lowered:
.L_overlay_start_0:
0x88: {  	s2 =	sld [smem:$0x3FD9]  }
0x89: {  	s3 =	sld [smem:$0x3FFE];
	_ =	sdelay $0x1  }
0x8a: {  	s1 =	srdreg.scid  }
0x8b: {  	s0 =	sand.u32 $0x1, s1  }
0x8c: {  	s17 =	sshll.u32 s0, $0xA;
	s2 =	sadd.s32 s3, s2  }
0x8d: {  	s2 =	sadd.s32 s2, s17  }
0x8e: {  	[smem:$0x3FC1] =	sst s2  }
0x8f: {  	_ = 	snop  }
0x90: {  	s2 =	sld [smem:$0x3FD0];
	(tm) =	ssettm $0x1  }
0x91: {  	s18 =	sld [smem:$0x3FFB];
	_ =	sdelay $0x3  }
0x92: {  	_ =	strace s18  }
0x93: {  	s3 =	sld [smem:$0x3FFC];
	_ =	sdelay $0x3  }
0x94: {  	_ =	strace s3  }
0x95: {  	s3 =	sld [smem:$0x3FFD];
	_ =	sdelay $0x3  }
0x96: {  	_ =	strace s3  }
0x97: {  	_ =	strace $0x8FFFFFFF  }
0x98: {  	s19 =	sld [smem:$0x3FDB];
	_ =	sdelay $0x1  }
0x99: {  	s4 =	simm.s32 $_scs_section_size  }
0x9a: {  	s5 =	simm.s32 $_size__tile_overlayer_lowered;
	s6 =	simm.s32 $_tile_overlayer_lowered  }
0x9b: {  	s22 =	simm.s32 $0x1BFF;
	s21 =	sshll.u32 s6, $0x1;
	s3 =	sadd.s32 s4, s19  }
0x9c: {  	s7 =	simm.s32 $0x0;
	s20 =	sshll.u32 s5, $0x1;
	s5 =	sadd.s32 s21, s3  }
0x9d: {  	[timem:s7], [sflag:s22] =	dma.local [hbm:s5], s20  }
0x9e: {  	_ =	swait.ge [sflag:s22], s20  }
0x9f: {  	s4 =	ssub.s32 $0x0, s20;
	[sflag:s22] =	ssyncset.done $0x0  }
0xa0: {  	[sflag:s22] =	ssyncadd.s32 s4;
	_ =	sdelay $0x1  }
0xa1: {  	s23 =	simm.s32 $0x1B8B  }
0xa2: {  	_ =	swait.ge [sflag:s23], $0x1  }
0xa3: {  	[sflag:s23] =	ssyncset.done $0x0  }
0xa4: {  	s25 =	simm.s32 $0x1B8E;
	s24 =	sld [smem:$0x3FFE];
	[sflag:s23] =	ssyncadd.s32 $0xFFFFFFFF  }
0xa5: {  	s26 =	simm.s32 $execute0_lowered;
	[smem:$0x3FD2] =	sst s25  }
0xa6: {  	s5 =	sshll.u32 s26, $0x1;
	_ =	strace $0x80000046;
	[dreg:$0x1] =	wrdreg $0xFFFFFFFF  }
0xa7: {  	s28 =	simm.s32 $_size_execute0_lowered;
	s3 =	sadd.s32 s3, s5;
	[dreg:$0x0] =	wrdreg $0x0  }
0xa8: {  	s5 =	sshll.u32 s28, $0x1;
	[dreg:$0x2] =	wrdreg s3  }
0xa9: {  	[dreg:$0x3] =	wrdreg s5  }
0xaa: {  	[dreg:$0x4] =	wrdreg $0xC0  }
0xab: {  	_ =	task [dreg:s7], $0x5FFFF  }
0xac: {  	[dreg:$0x1] =	wrdreg $0xFFFFFFFF  }
0xad: {  	[dreg:$0x0] =	wrdreg $0x60  }
0xae: {  	[dreg:$0x2] =	wrdreg s2  }
0xaf: {  	[dreg:$0x3] =	wrdreg s24  }
0xb0: {  	[dreg:$0x4] =	wrdreg $0x55800  }
0xb1: {  	[dreg:$0x5] =	wrdreg $0x9  }
0xb2: {  	_ =	task.clear_ibuf [dreg:s7], $0x6FFFF;
	_ =	strace $0x90000046  }
0xb3: {  	s29 =	simm.s32 $0x9;
	_ =	strace $0x80000048  }
0xb4: {  	_ =	swait.ge [sflag:s29], $0x1  }
0xb5: {  	[sflag:s29] =	ssyncadd.s32 $0xFFFFFFFF  }
0xb6: {  	_ =	strace $0x90000048  }
0xb7: {  	_ =	sfence  }
0xb8: {  	s30 =	sld [smem:$0x0];
	_ =	sdelay $0x2  }
0xb9: {  	s31 =	sshll.u32 s1, $0xD;
	s1 =	sshrl.u32 s1, $0x2  }
0xba: {  	s3 =	sand.u32 $0x4000, s31;
	s1 =	sadd.s32 s1, s30  }
0xbb: {  	s0 =	sor.u32 s3, s0;
	s1 =	sshll.u32 s1, $0x11  }
0xbc: {  	s0 =	sor.u32 s1, s0  }
0xbd: {  	s0 =	sadd.s32 $0x8F2B, s0  }
0xbe: {  	[sflag:s0] =	ssyncadd.remote.s32 $0x1  }
0xbf: {  	_ =	sfence.sel $0xFFFF  }
0xc0: {  	[dreg:$0x0] =	wrdreg $0xFFFFFFFF;
	(pc) =	sbr.abs _section_cstart, $3  }
0xc1: {  	[dreg:$0x1] =	wrdreg $0xFFFFFFFF  }
0xc2: {  	_ =	task.clear_ibuf [dreg:s7], $0x2FFFF;
	_ =	strace $0x9FFFFFFF  }
0xc3: {  	(tm) =	ssettm $0x7FFFFFFF  }
tec
execute0_lowered:
.L_overlay_start_1:
0x0: {  	(tag) =	ssettag $0x1  }
0x1: {  	s1 =	rddreg [dreg:$0x0]  }
0x2: {  	s0 =	rddreg [dreg:$0x1]  }
0x3: {  	s2 =	rddreg [dreg:$0x2];
	s3 =	srdreg.scid;
	s5 =	simm.s32 $0x0  }
0x4: {  	s9 =	stileid.u32;
	s15 =	simm.s32 $0x9;
	s16 =	simm.s32 $0x3100  }
0x5: {  	s17 =	simm.s32 $0x20;
	s22 =	simm.s32 $0x8;
	s30 =	simm.s32 $0x1  }
0x6: {  	v0 =	vimm.s32 $0xEFCDAB89;
	v1 =	vimm.s32 $0x67452301;
	v2 =	vimm.s32 $0xDCFE98BA;
	s31 =	simm.s32 $0x3;
	s14 =	simm.s32 $0x2;
	s18 =	simm.s32 $0x4  }
0x7: {  	v3 =	vimm.s32 $0x54761032;
	v4 =	vimm.s32 $0xBA98FEDC;
	s19 =	simm.s32 $0xE0;
	s20 =	simm.s32 $0x4300;
	s3 =	sand.u32 $0x1, s3  }
0x8: {  	v5 =	vimm.s32 $0xFEDCBA98;
	[smem:$0x7FF] =	sst s5;
	s5 =	sadd.s32 $0x1C00, s0;
	s24 =	smul.u32 $0x16800, s9  }
0x9: {  	v6 =	vimm.s32 $0x32107654;
	v7 =	vimm.s32 $0x76543210;
	s7 =	sadd.s32 $0x29C00, s0;
	s26 =	smul.u32 $0x5A000, s9;
	s4 =	sshll.u32 s3, $0x4  }
0xa: {  	vm0 =	vcmask $0x300;
	s6 =	smul.u32 $0x2D000, s3;
	_ =	strace $0x80000047;
	[dreg:$0x4] =	wrdreg s7  }
0xb: {  	v0 =	vunpack.c.l.s4.s8 v0;
	v1 =	vunpack.c.l.s4.s8 v1;
	v2 =	vunpack.c.l.s4.s8 v2;
	s7 =	sadd.s32 $0x29E00, s0;
	s3 =	ssub.s32 $0x2, s3;
	s4 =	sor.u32 s9, s4  }
0xc: {  	v3 =	vunpack.c.l.s4.s8 v3;
	v5 =	vunpack.c.l.s4.s8 v5;
	v4 =	vunpack.c.l.s4.s8 v4;
	s8 =	sshrl.u32 s3, $0x1;
	s28 =	sshrl.u32 s24, $0x3;
	s4 =	smul.u32 $0x2800, s4  }
0xd: {  	v6 =	vunpack.c.l.s4.s8 v6;
	v7 =	vunpack.c.l.s4.s8 v7;
	v0 =	vunpack.c.0.s8.s32 v0;
	s0 =	sadd.s32 s6, s0;
	s3 =	ssub.s32 s3, s8;
	s6 =	sadd.s32 s24, s2  }
0xe: {  	v1 =	vunpack.c.0.s8.s32 v1;
	v2 =	vunpack.c.0.s8.s32 v2;
	v3 =	vunpack.c.0.s8.s32 v3;
	s8 =	sshrl.u32 s26, $0x2;
	s0 =	sadd.s32 $0x33E00, s0;
	s3 =	smax.u32 s3, $0x1  }
0xf: {  	v5 =	vunpack.c.0.s8.s32 v5;
	v4 =	vunpack.c.0.s8.s32 v4;
	v6 =	vunpack.c.0.s8.s32 v6;
	s13 =	sadd.s32 s8, s2;
	s29 =	sshrl.u32 s6, $0x3;
	[dreg:$0x7] =	wrdreg s3  }
0x10: {  	v7 =	vunpack.c.0.s8.s32 v7;
	v0 =	vcombine.low v1, v0;
	v1 =	vcombine.low v3, v2;
	s23 =	sshrl.u32 s4, $0x3;
	s0 =	sadd.s32 s28, s0;
	[dreg:$0x9] =	wrdreg s29  }
0x11: {  	v3 =	vand.u32 $0xF, v5;
	v2 =	vcombine.low v6, v4;
	v4 =	vimm.f32 $0.0e+00;
	s11 =	sor.u32 $0x60, s4;
	s10 =	sadd.s32 s7, s23;
	[dreg:$0x8] =	wrdreg s0  }
0x12: {  	v3 =	vcombine.low v3, v7;
	v8 =	vsel vm0, $0x3F800000, v4;
	s0 =	simm.s32 $0xC0;
	[dreg:$0x5] =	wrdreg s10;
	s25 =	sadd.s32 $0x4, s10  }
0x13: {  	v5 =	vand.u32 $0xF, v0;
	v6 =	vand.u32 $0xF, v1;
	v7 =	vand.u32 $0xF, v2;
	s10 =	sor.u32 $0x40, s4;
	s4 =	simm.s32 $0x0;
	[dreg:$0x6] =	wrdreg s25  }
.LBB2_1:
0x14: {  	[dreg:$0xa] =	wrdreg s4  }
0x15: {  	s3 =	simm.s32 $0x0;
	s29 =	rddreg [dreg:$0x4];
	s6 =	simm.s32 $0x5500  }
0x16: {  	[tilespmem:s6], [sflag:$0x9] =	stream.linear.gather [hbm4b:s29+s3], $0x80, $0x38;
	[tilespmem:$0x1BD80] =	vst v63  }
0x17: {  	_ =	swait.ge [sflag:s15], $0x80  }
0x18: {  	[sflag:s15] =	ssyncset.done $0x0  }
0x19: {  	[sflag:s15] =	ssyncadd.s32 $0xFFFFFF80  }
0x1a: {  	v9 =	vld [tilespmem:$0x5500];
	_ =	sdelay $0x1  }
0x1b: {  	v10 =	vld [tilespmem:$0x5510];
	_ =	sdelay $0x1  }
0x1c: {  	v11 =	vld [tilespmem:$0x5520]  }
0x1d: {  	v13 =	vadd.f32 $0.0e+00, v9  }
0x1e: {  	v12 =	vld [tilespmem:$0x5530]  }
0x1f: {  	v14 =	vadd.f32 v10, v13  }
0x20: {  	v13 =	vld [tilespmem:$0x5540]  }
0x21: {  	v15 =	vadd.f32 v11, v14  }
0x22: {  	v14 =	vld [tilespmem:$0x5550]  }
0x23: {  	v16 =	vadd.f32 v12, v15  }
0x24: {  	v15 =	vld [tilespmem:$0x5560]  }
0x25: {  	v17 =	vadd.f32 v13, v16  }
0x26: {  	v16 =	vld [tilespmem:$0x5570]  }
0x27: {  	v17 =	vadd.f32 v14, v17;
	_ =	sdelay $0x1  }
0x28: {  	v17 =	vadd.f32 v15, v17;
	_ =	sdelay $0x1  }
0x29: {  	v17 =	vadd.f32 v16, v17;
	_ =	sdelay $0x1  }
0x2a: {  	v18 =	vperm.xlane v17, v0;
	_ =	sdelay $0x1  }
0x2b: {  	v17 =	vadd.f32 v18, v17;
	_ =	sdelay $0x1  }
0x2c: {  	v18 =	vperm.xlane v17, v1;
	_ =	sdelay $0x1  }
0x2d: {  	v17 =	vadd.f32 v18, v17;
	_ =	sdelay $0x1  }
0x2e: {  	v18 =	vperm.xlane v17, v2;
	_ =	sdelay $0x1  }
0x2f: {  	v17 =	vadd.f32 v18, v17;
	_ =	sdelay $0x1  }
0x30: {  	s4 =	simm.s32 $0x240;
	s3 =	simm.s32 $0x0;
	v18 =	vperm.xlane v17, v3  }
.LBB2_2:
0x31: {  	p0 =	sne.s32 s4, $0x45C0;
	[tilespmem:s3+$0x3180] =	vst v4  }
0x32: {  	[tilespmem:s3+$0x3100] =	vst v4  }
0x33: {  	[tilespmem:s3+$0x3110] =	vst v4  }
0x34: {  	[tilespmem:s3+$0x3120] =	vst v4  }
.Ltmp0:
0x35: {  	[tilespmem:s3+$0x3130] =	vst v4;
	(pc) =	sbr.rel @p0 .LBB2_2-.Ltmp0, $4  }
0x36: {  	[tilespmem:s3+$0x3140] =	vst v4  }
0x37: {  	[tilespmem:s3+$0x3150] =	vst v4  }
0x38: {  	[tilespmem:s3+$0x3160] =	vst v4  }
0x39: {  	[tilespmem:s3+$0x3170] =	vst v4;
	s3 =	sshra.s32 s4, $0x2;
	s4 =	sadd.s32 $0x240, s4  }
0x3a: {  	[tilespmem:s3+$0x3180] =	vst v4  }
0x3b: {  	[tilespmem:s3+$0x3100] =	vst v4  }
0x3c: {  	[tilespmem:s3+$0x3110] =	vst v4  }
0x3d: {  	[tilespmem:s3+$0x3120] =	vst v4  }
0x3e: {  	[tilespmem:s3+$0x3130] =	vst v4  }
0x3f: {  	[tilespmem:s3+$0x3140] =	vst v4  }
0x40: {  	[tilespmem:s3+$0x3150] =	vst v4  }
0x41: {  	[tilespmem:s3+$0x3160] =	vst v4  }
0x42: {  	[tilespmem:s3+$0x3170] =	vst v4;
	s29 =	sadd.s32 $0x0, s13  }
0x43: {  	[spmem:s29] =	stream.linear.scatter [tilespmem:s16], [sflag:$0x9], $0x1200, $0x38;
	[tilespmem:$0x1BD80] =	vst v63  }
0x44: {  	s3 =	simm.s32 $0x4800;
	_ =	swait.ge [sflag:s15], $0x1200  }
.LBB2_4:
0x45: {  	s4 =	sshra.s32 s3, $0x2;
	[sflag:s15] =	ssyncset.done $0x0;
	p0 =	sne.s32 s3, $0x55800  }
.Ltmp1:
0x46: {  	s4 =	sadd.s32 s4, s13;
	[sflag:s15] =	ssyncadd.s32 $0xFFFFEE00;
	(pc) =	sbr.rel @p0 .LBB2_4-.Ltmp1, $3  }
0x47: {  	[spmem:s4] =	stream.linear.scatter [tilespmem:s16], [sflag:$0x9], $0x1200, $0x38;
	[tilespmem:$0x1BD80] =	vst v63  }
0x48: {  	s3 =	sadd.s32 $0x4800, s3;
	_ =	sdelay $0x1  }
0x49: {  	_ =	swait.ge [sflag:s15], $0x1200  }
0x4a: {  	[sflag:s15] =	ssyncset.done $0x0  }
0x4b: {  	[sflag:s15] =	ssyncadd.s32 $0xFFFFEE00  }
0x4c: {  	[bflag:$0x0] =	sbarrier.arrive $0xFFFF  }
0x4d: {  	s6 =	simm.s32 $0x0;
	s3 =	rddreg [dreg:$0x5]  }
0x4e: {  	[tilespmem:s6], [sflag:$0x9] =	stream.linear.gather [hbm4b:s3+s6], $0x20, $0x38;
	[tilespmem:$0x1BD80] =	vst v63  }
0x4f: {  	_ =	swait.ge [sflag:s15], $0x20  }
0x50: {  	[sflag:s15] =	ssyncset.done $0x0  }
0x51: {  	[sflag:s15] =	ssyncadd.s32 $0xFFFFFFE0  }
0x52: {  	v19 =	vld [tilespmem:$0x0];
	_ =	sdelay $0x1  }
0x53: {  	v20 =	vld [tilespmem:$0x10];
	_ =	sdelay $0x2  }
0x54: {  	v21 =	vand.u32 $0xFFFF, v19  }
0x55: {  	v19 =	vshrl.u32 v19, $0x10;
	[tilespmem:$0x40] =	vst v21  }
0x56: {  	[tilespmem:$0x80] =	vst v19;
	v19 =	vand.u32 $0xFFFF, v20  }
0x57: {  	[tilespmem:$0x50] =	vst v19;
	v19 =	vshrl.u32 v20, $0x10  }
0x58: {  	s25 =	simm.s32 $0x80;
	s4 =	simm.s32 $0x100;
	[tilespmem:$0x90] =	vst v19  }
0x59: {  	[tilespmem:s4], [sflag:$0x1] =	stream.indirect.gather [hbm4b:s1+s17], $0x40, s25, s17, $0xb8;
	[tilespmem:$0x1BD80] =	vst v63  }
0x5a: {  	s26 =	simm.s32 $0x40;
	s28 =	simm.s32 $0x1100  }
0x5b: {  	[tilespmem:s28], [sflag:$0x3] =	stream.indirect.gather [hbm4b:s5+s17], $0x80, s26, s17, $0xb8;
	[tilespmem:$0x1BD80] =	vst v63  }
0x5c: {  	s29 =	rddreg [dreg:$0x6]  }
0x5d: {  	v17 =	vadd.f32 v18, v17;
	[tilespmem:s17], [sflag:$0x8] =	stream.linear.gather [hbm4b:s29+s6], $0x20, $0x38;
	[tilespmem:$0x1BD80] =	vst v63  }
.LBB2_6:
0x5e: {  	_ =	swait.ge [sflag:s22], $0x20  }
0x5f: {  	[sflag:s22] =	ssyncset.done $0x0  }
0x60: {  	[sflag:s22] =	ssyncadd.s32 $0xFFFFFFE0  }
0x61: {  	v18 =	vld [tilespmem:$0x20];
	_ =	sdelay $0x4  }
0x62: {  	v19 =	vand.u32 $0xFFFF, v18  }
0x63: {  	[tilespmem:$0x60] =	vst v19  }
0x64: {  	v19 =	vld [tilespmem:$0x30];
	_ =	sdelay $0x3  }
0x65: {  	v18 =	vshrl.u32 v18, $0x10  }
0x66: {  	[tilespmem:$0xA0] =	vst v18;
	v18 =	vand.u32 $0xFFFF, v19  }
0x67: {  	p0 =	seq.s32 s6, $0x9F;
	[tilespmem:$0x70] =	vst v18;
	v18 =	vshrl.u32 v19, $0x10  }
0x68: {  	s3 =	simm.s32 $0xA0;
	s4 =	simm.s32 $0x900;
	s9 =	sshll.u32 @!p0 s6, $0x6;
	[tilespmem:$0xB0] =	vst v18  }
0x69: {  	[tilespmem:s4], [sflag:$0x2] =	stream.indirect.gather [hbm4b:s1+s17], $0x40, s3, s17, $0xb8;
	[tilespmem:$0x1BD80] =	vst v63  }
0x6a: {  	s3 =	sadd.s32 @!p0 s9, s10  }
0x6b: {  	s21 =	simm.s32 $0x60;
	s23 =	simm.s32 $0x2100;
	s3 =	sshrl.u32 @!p0 s3, $0x3  }
0x6c: {  	[tilespmem:s23], [sflag:$0x4] =	stream.indirect.gather [hbm4b:s5+s17], $0x80, s21, s17, $0xb8;
	[tilespmem:$0x1BD80] =	vst v63  }
0x6d: {  	s4 =	simm.s32 @!p0 $0x0;
	s3 =	sadd.s32 @!p0 s7, s3  }
0x6e: {  	[tilespmem:s4], [sflag:$0x7] =	stream.linear.gather @!p0 [hbm4b:s3+s4], $0x20, $0x38;
	[tilespmem:$0x1BD80] =	vst v63  }
0x6f: {  	_ =	swait.ge [sflag:s30], $0x800  }
0x70: {  	[sflag:s30] =	ssyncset.done $0x0  }
0x71: {  	[sflag:s30] =	ssyncadd.s32 $0xFFFFF800  }
0x72: {  	_ =	swait.ge [sflag:s31], $0x1000  }
0x73: {  	p1 =	seq.s32 s6, $0x0;
	[sflag:s31] =	ssyncset.done $0x0  }
0x74: {  	s3 =	simm.s32 @!p1 $0x5;
	[sflag:s31] =	ssyncadd.s32 $0xFFFFF000  }
0x75: {  	_ =	swait.ge @!p1 [sflag:s3], $0x1200  }
0x76: {  	[sflag:s3] =	ssyncset.done @!p1 $0x0  }
0x77: {  	s24 =	simm.s32 $0x140;
	[sflag:s3] =	ssyncadd.s32 @!p1 $0xFFFFEE00  }
0x78: {  	s21 =	simm.s32 $0x1180;
	v18 =	vld [tilespmem:s24+$0x0]  }
0x79: {  	v19 =	vld [tilespmem:s21+$0x0];
	_ =	sdelay $0x1  }
0x7a: {  	v21 =	vld [tilespmem:s21+$0x10]  }
0x7b: {  	v20 =	vld [tilespmem:s24+$0x10];
	_ =	sdelay $0x1  }
0x7c: {  	v23 =	vunpack.i.l.bf16.f32 v18;
	v24 =	vunpack.i.l.bf16.f32 v19  }
0x7d: {  	v25 =	vld [tilespmem:s21+$0x30];
	v18 =	vunpack.i.u.bf16.f32 v18;
	v19 =	vunpack.i.u.bf16.f32 v19;
	v23 =	vadd.f32 v24, v23  }
0x7e: {  	v26 =	vld [tilespmem:s21+$0x20];
	v27 =	vunpack.i.l.bf16.f32 v21;
	v18 =	vadd.f32 v19, v18  }
0x7f: {  	v19 =	vld [tilespmem:s24+$0x20];
	v24 =	vunpack.i.u.bf16.f32 v20;
	v20 =	vunpack.i.l.bf16.f32 v20;
	v23 =	vmul.f32 $1.442695020e+00, v23  }
0x80: {  	v22 =	vld [tilespmem:s24+$0x30];
	v20 =	vadd.f32 v27, v20;
	v18 =	vmul.f32 $1.442695020e+00, v18  }
0x81: {  	(erf) = vpow2.f32 v23  }
0x82: {  	v21 =	vunpack.i.u.bf16.f32 v21;
	(erf) = vpow2.f32 v18;
	v18 =	vmul.f32 $1.442695020e+00, v20  }
0x83: {  	v28 =	vld [tilespmem:s24+$0xFFFFFFC0];
	v27 =	vunpack.i.u.bf16.f32 v25;
	v21 =	vadd.f32 v21, v24;
	v24 =	vunpack.i.l.bf16.f32 v26  }
0x84: {  	v20 =	vunpack.i.u.bf16.f32 v19;
	v19 =	vunpack.i.l.bf16.f32 v19;
	(erf) = vpow2.f32 v18;
	v18 =	vld [tilespmem:s21+$0xFFFFFF80]  }
0x85: {  	v21 =	vmul.f32 $1.442695020e+00, v21;
	v23 =	vunpack.i.u.bf16.f32 v22;
	v19 =	vadd.f32 v24, v19  }
0x86: {  	v22 =	vunpack.i.l.bf16.f32 v22;
	v23 =	vadd.f32 v27, v23;
	v24 =	vunpack.i.l.bf16.f32 v25  }
0x87: {  	v25 =	vunpack.i.u.bf16.f32 v26;
	v19 =	vmul.f32 $1.442695020e+00, v19;
	(erf) = vpow2.f32 v21  }
0x88: {  	v20 =	vadd.f32 v25, v20;
	v21 =	vadd.f32 v24, v22;
	v22 =	vmul.f32 $1.442695020e+00, v23  }
0x89: {  	(erf) = vpow2.f32 v19;
	v19 =	vunpack.i.l.bf16.f32 v28;
	v24 =	vunpack.i.l.bf16.f32 v18  }
0x8a: {  	v20 =	vmul.f32 $1.442695020e+00, v20;
	v23 =	vpop (erf);
	(erf) = vpow2.f32 v22;
	v22 =	vld [tilespmem:s24+$0xFFFFFFD0];
	v19 =	vadd.f32 v24, v19  }
0x8b: {  	v21 =	vmul.f32 $1.442695020e+00, v21  }
0x8c: {  	v23 =	vadd.f32 $1.000000000e+00, v23;
	(erf) = vpow2.f32 v20;
	v20 =	vld [tilespmem:s21+$0xFFFFFF90];
	v24 =	vpop (erf);
	v19 =	vmul.f32 $1.442695020e+00, v19  }
0x8d: {  	(erf) = vpow2.f32 v21;
	v21 =	vadd.f32 $1.000000000e+00, v24  }
0x8e: {  	v18 =	vunpack.i.u.bf16.f32 v18;
	(erf) = vrcp.f32 v23;
	v23 =	vunpack.i.u.bf16.f32 v28  }
0x8f: {  	v24 =	vpop (erf);
	v18 =	vadd.f32 v18, v23;
	(erf) = vrcp.f32 v21;
	v23 =	vunpack.i.l.bf16.f32 v22  }
0x90: {  	v21 =	vadd.f32 $1.000000000e+00, v24;
	(erf) = vpow2.f32 v19;
	v19 =	vpop (erf)  }
0x91: {  	v24 =	vunpack.i.l.bf16.f32 v20;
	v19 =	vadd.f32 $1.000000000e+00, v19  }
0x92: {  	v18 =	vmul.f32 $1.442695020e+00, v18;
	(erf) = vrcp.f32 v21;
	v21 =	vadd.f32 v24, v23;
	v23 =	vpop (erf)  }
0x93: {  	v23 =	vadd.f32 $1.000000000e+00, v23;
	_ =	sdelay $0x1  }
0x94: {  	(erf) = vrcp.f32 v19;
	v21 =	vmul.f32 $1.442695020e+00, v21;
	v19 =	vpop (erf)  }
0x95: {  	(erf) = vpow2.f32 v18;
	v18 =	vpop (erf)  }
0x96: {  	(erf) = vrcp.f32 v23;
	v23 =	vpop (erf)  }
0x97: {  	v23 =	vadd.f32 $1.000000000e+00, v23  }
0x98: {  	v18 =	vadd.f32 $1.000000000e+00, v18;
	(erf) = vpow2.f32 v21;
	v21 =	vpop (erf)  }
0x99: {  	v21 =	vmul.f32 v21, v9  }
0x9a: {  	(erf) = vrcp.f32 v18;
	v18 =	vadd.f32 $1.000000000e+00, v19;
	v19 =	vpop (erf)  }
0x9b: {  	v19 =	vmul.f32 v19, v10;
	(erf) = vrcp.f32 v23;
	v21 =	vadd.f32 $0.0e+00, v21;
	v23 =	vpop (erf)  }
0x9c: {  	v24 =	vpop (erf)  }
0x9d: {  	v19 =	vadd.f32 v21, v19;
	v21 =	vmul.f32 v24, v11;
	_ =	sdelay $0x1  }
0x9e: {  	(erf) = vrcp.f32 v18  }
0x9f: {  	v18 =	vpop (erf)  }
0xa0: {  	v18 =	vmul.f32 v18, v12;
	v19 =	vadd.f32 v21, v19;
	v21 =	vpop (erf)  }
0xa1: {  	v24 =	vpop (erf)  }
0xa2: {  	v18 =	vadd.f32 v19, v18;
	v19 =	vmul.f32 v24, v13;
	v24 =	vpop (erf)  }
0xa3: {  	v26 =	vpop (erf)  }
0xa4: {  	v27 =	vld [tilespmem:s21+$0xFFFFFFA0];
	v18 =	vadd.f32 v19, v18;
	v19 =	vmul.f32 v26, v14  }
0xa5: {  	v25 =	vld [tilespmem:s24+$0xFFFFFFE0];
	v26 =	vpop (erf)  }
0xa6: {  	v18 =	vadd.f32 v18, v19;
	v19 =	vmul.f32 v26, v15  }
0xa7: {  	v22 =	vunpack.i.u.bf16.f32 v22;
	v26 =	vpop (erf)  }
0xa8: {  	v28 =	vld [tilespmem:s24+$0xFFFFFFF0];
	v20 =	vunpack.i.u.bf16.f32 v20;
	v18 =	vadd.f32 v19, v18;
	v19 =	vmul.f32 v26, v16  }
0xa9: {  	v20 =	vadd.f32 v20, v22;
	v26 =	vld [tilespmem:s21+$0xFFFFFFB0]  }
0xaa: {  	v29 =	vunpack.i.l.bf16.f32 v27;
	v22 =	vunpack.i.l.bf16.f32 v25;
	v18 =	vadd.f32 v18, v19  }
0xab: {  	v22 =	vadd.f32 v29, v22;
	v19 =	vmul.f32 $1.442695020e+00, v20  }
0xac: {  	v20 =	vunpack.i.u.bf16.f32 v25;
	v25 =	vunpack.i.u.bf16.f32 v27;
	v27 =	vperm.xlane v18, v5  }
0xad: {  	v22 =	vmul.f32 $1.442695020e+00, v22;
	(erf) = vpow2.f32 v19;
	v19 =	vadd.f32 v25, v20  }
0xae: {  	v20 =	vunpack.i.l.bf16.f32 v28;
	v25 =	vunpack.i.l.bf16.f32 v26;
	v18 =	vadd.f32 v18, v27  }
0xaf: {  	(erf) = vpow2.f32 v22;
	v19 =	vmul.f32 $1.442695020e+00, v19;
	v20 =	vadd.f32 v25, v20  }
0xb0: {  	v22 =	vadd.f32 $1.000000000e+00, v23;
	v25 =	vunpack.i.u.bf16.f32 v26;
	v26 =	vperm.xlane v18, v6  }
0xb1: {  	v23 =	vunpack.i.u.bf16.f32 v28;
	v20 =	vmul.f32 $1.442695020e+00, v20;
	(erf) = vpow2.f32 v19  }
0xb2: {  	v19 =	vadd.f32 v25, v23;
	(erf) = vrcp.f32 v22  }
0xb3: {  	v21 =	vadd.f32 $1.000000000e+00, v21;
	v18 =	vadd.f32 v18, v26;
	(erf) = vpow2.f32 v20  }
0xb4: {  	v19 =	vmul.f32 $1.442695020e+00, v19  }
0xb5: {  	(erf) = vrcp.f32 v21;
	v20 =	vperm.xlane v18, v7  }
0xb6: {  	(erf) = vpow2.f32 v19  }
0xb7: {  	v18 =	vadd.f32 v18, v20  }
0xb8: {  	v21 =	vadd.f32 $1.000000000e+00, v24;
	v19 =	vpop (erf)  }
0xb9: {  	s12 =	simm.s32 $0x1280;
	v22 =	vpop (erf);
	v19 =	vadd.f32 $1.000000000e+00, v19;
	v20 =	vperm.xlane v18, v3  }
0xba: {  	s25 =	simm.s32 $0x1C0;
	v25 =	vld [tilespmem:s12+$0x0];
	(erf) = vrcp.f32 v21;
	v24 =	vadd.f32 $1.000000000e+00, v22;
	v23 =	vpop (erf)  }
0xbb: {  	(erf) = vrcp.f32 v19;
	v18 =	vadd.f32 v18, v20;
	v20 =	vld [tilespmem:s25+$0x0];
	v22 =	vpop (erf);
	v19 =	vadd.f32 $1.000000000e+00, v23  }
0xbc: {  	v21 =	vpop (erf)  }
0xbd: {  	(erf) = vrcp.f32 v24;
	v18 =	vadd.f32 v18, v18;
	v23 =	vadd.f32 $1.000000000e+00, v21  }
0xbe: {  	v24 =	vld [tilespmem:s25+$0x10];
	v21 =	vpop (erf);
	(erf) = vrcp.f32 v19  }
0xbf: {  	v19 =	vpop (erf);
	v18 =	vsub.f32 v17, v18;
	(erf) = vrcp.f32 v23;
	v23 =	vld [tilespmem:s12+$0x10]  }
0xc0: {  	v28 =	vunpack.i.l.bf16.f32 v25;
	v19 =	vadd.f32 $1.000000000e+00, v19;
	v27 =	vunpack.i.l.bf16.f32 v20  }
0xc1: {  	v29 =	vld [tilespmem:s12+$0x30];
	v18 =	vmul.f32 $1.442695020e+00, v18;
	v27 =	vadd.f32 v28, v27  }
0xc2: {  	v26 =	vld [tilespmem:s25+$0x30];
	v25 =	vunpack.i.u.bf16.f32 v25;
	v20 =	vunpack.i.u.bf16.f32 v20;
	(erf) = vrcp.f32 v19  }
0xc3: {  	v19 =	vadd.f32 v25, v20;
	(erf) = vpow2.f32 v18;
	v18 =	vmul.f32 $1.442695020e+00, v27;
	v27 =	vld [tilespmem:s12+$0x20]  }
0xc4: {  	v20 =	vld [tilespmem:s25+$0x20];
	v25 =	vunpack.i.u.bf16.f32 v24;
	v24 =	vunpack.i.l.bf16.f32 v24;
	v28 =	vunpack.i.l.bf16.f32 v23  }
0xc5: {  	v24 =	vadd.f32 v28, v24  }
0xc6: {  	v19 =	vmul.f32 $1.442695020e+00, v19;
	v23 =	vunpack.i.u.bf16.f32 v23  }
0xc7: {  	(erf) = vpow2.f32 v18;
	v18 =	vunpack.i.u.bf16.f32 v26;
	v23 =	vadd.f32 v23, v25  }
0xc8: {  	v34 =	vld [tilespmem:s12+$0xFFFFFF80];
	v25 =	vpop (erf);
	(erf) = vpow2.f32 v19;
	v19 =	vmul.f32 $1.442695020e+00, v24;
	v31 =	vunpack.i.l.bf16.f32 v27  }
0xc9: {  	v33 =	vld [tilespmem:s25+$0xFFFFFFC0];
	v28 =	vunpack.i.u.bf16.f32 v29;
	v30 =	vunpack.i.u.bf16.f32 v20;
	v20 =	vunpack.i.l.bf16.f32 v20;
	v24 =	vpop (erf)  }
0xca: {  	v26 =	vunpack.i.l.bf16.f32 v26;
	v23 =	vmul.f32 $1.442695020e+00, v23;
	v20 =	vadd.f32 v31, v20;
	v32 =	vpop (erf)  }
0xcb: {  	v29 =	vunpack.i.l.bf16.f32 v29;
	v18 =	vadd.f32 v28, v18;
	(erf) = vpow2.f32 v19;
	v31 =	vpop (erf)  }
0xcc: {  	v27 =	vunpack.i.u.bf16.f32 v27;
	v28 =	vmul.f32 $1.442695020e+00, v20;
	v19 =	vpop (erf);
	(erf) = vpow2.f32 v23  }
0xcd: {  	v35 =	vunpack.i.l.bf16.f32 v34;
	v26 =	vadd.f32 v29, v26;
	v27 =	vadd.f32 v27, v30  }
0xce: {  	v29 =	vmul.f32 $1.442695020e+00, v18;
	v20 =	vpop (erf);
	(erf) = vpow2.f32 v28;
	v28 =	vunpack.i.l.bf16.f32 v33  }
0xcf: {  	v27 =	vmul.f32 $1.442695020e+00, v27;
	v18 =	vpop (erf);
	v28 =	vadd.f32 v35, v28  }
0xd0: {  	v26 =	vmul.f32 $1.442695020e+00, v26;
	(erf) = vpow2.f32 v29;
	v30 =	vpop (erf)  }
0xd1: {  	v23 =	vld [tilespmem:s21+$0x40];
	(erf) = vpow2.f32 v27;
	v30 =	vadd.f32 $1.000000000e+00, v30;
	v41 =	vpop (erf);
	v28 =	vmul.f32 $1.442695020e+00, v28  }
0xd2: {  	(erf) = vpow2.f32 v26;
	v35 =	vadd.f32 $1.000000000e+00, v41  }
0xd3: {  	(erf) = vrcp.f32 v30  }
0xd4: {  	v34 =	vunpack.i.u.bf16.f32 v34;
	v29 =	vld [tilespmem:s25+$0xFFFFFFD0];
	v30 =	vunpack.i.u.bf16.f32 v33;
	v42 =	vpop (erf);
	(erf) = vrcp.f32 v35  }
0xd5: {  	v27 =	vld [tilespmem:s12+$0xFFFFFF90];
	v30 =	vadd.f32 v34, v30;
	(erf) = vpow2.f32 v28;
	v28 =	vpop (erf)  }
0xd6: {  	v26 =	vunpack.i.u.bf16.f32 v23;
	v28 =	vadd.f32 $1.000000000e+00, v28  }
0xd7: {  	v23 =	vunpack.i.l.bf16.f32 v23;
	v33 =	vadd.f32 $1.000000000e+00, v42;
	v30 =	vmul.f32 $1.442695020e+00, v30  }
0xd8: {  	v23 =	vmul.f32 v18, v23  }
0xd9: {  	v26 =	vmul.f32 v18, v26;
	(erf) = vrcp.f32 v33;
	v46 =	vpop (erf)  }
0xda: {  	v43 =	vunpack.i.l.bf16.f32 v29;
	v44 =	vunpack.i.l.bf16.f32 v27;
	(erf) = vrcp.f32 v28;
	v28 =	vpop (erf)  }
0xdb: {  	s23 =	simm.s32 $0x3190;
	v45 =	vadd.f32 v44, v43;
	(erf) = vpow2.f32 v30;
	v30 =	vpop (erf)  }
0xdc: {  	[tilespmem:s23+$0x0] =	vst v23;
	v34 =	vadd.f32 $1.000000000e+00, v46;
	v23 =	vadd.f32 $1.000000000e+00, v30;
	v30 =	vpop (erf)  }
0xdd: {  	v33 =	vmul.f32 $1.442695020e+00, v45;
	v30 =	vadd.f32 $1.000000000e+00, v30  }
0xde: {  	[tilespmem:s23+$0x10] =	vst v26;
	(erf) = vrcp.f32 v34;
	v26 =	vpop (erf)  }
0xdf: {  	(erf) = vpow2.f32 v33;
	v26 =	vmul.f32 v26, v9  }
0xe0: {  	(erf) = vrcp.f32 v23;
	v23 =	vadd.f32 $1.000000000e+00, v28;
	v28 =	vpop (erf)  }
0xe1: {  	v47 =	vld [tilespmem:s21+$0x50];
	v28 =	vmul.f32 v28, v10;
	(erf) = vrcp.f32 v30;
	v26 =	vadd.f32 $0.0e+00, v26;
	v30 =	vpop (erf)  }
0xe2: {  	v22 =	vmul.f32 v22, v9;
	v48 =	vpop (erf)  }
0xe3: {  	v26 =	vadd.f32 v26, v28;
	v28 =	vmul.f32 v48, v11  }
0xe4: {  	v36 =	vld [tilespmem:s25+$0xFFFFFFE0];
	v22 =	vadd.f32 $0.0e+00, v22;
	v21 =	vmul.f32 v21, v10;
	v49 =	vpop (erf)  }
0xe5: {  	(erf) = vrcp.f32 v23;
	v26 =	vadd.f32 v28, v26;
	v28 =	vmul.f32 v49, v12  }
0xe6: {  	v23 =	vunpack.i.l.bf16.f32 v47  }
0xe7: {  	v21 =	vadd.f32 v22, v21;
	v22 =	vmul.f32 v25, v11;
	v25 =	vld [tilespmem:s12+$0xFFFFFFA0];
	v23 =	vmul.f32 v18, v23;
	v50 =	vpop (erf)  }
0xe8: {  	v51 =	vpop (erf)  }
0xe9: {  	v55 =	vunpack.i.l.bf16.f32 v36;
	[tilespmem:s23+$0x20] =	vst v23;
	v23 =	vadd.f32 v26, v28;
	v26 =	vmul.f32 v51, v13;
	v28 =	vpop (erf)  }
0xea: {  	v57 =	vunpack.i.u.bf16.f32 v36;
	v21 =	vadd.f32 v22, v21;
	v24 =	vmul.f32 v24, v12;
	v52 =	vpop (erf)  }
0xeb: {  	v29 =	vunpack.i.u.bf16.f32 v29;
	v23 =	vadd.f32 v26, v23;
	v26 =	vmul.f32 v52, v14  }
0xec: {  	v56 =	vunpack.i.l.bf16.f32 v25;
	v25 =	vunpack.i.u.bf16.f32 v25;
	v27 =	vunpack.i.u.bf16.f32 v27;
	v54 =	vpop (erf)  }
0xed: {  	v33 =	vunpack.i.u.bf16.f32 v47;
	v23 =	vadd.f32 v23, v26;
	v26 =	vmul.f32 v54, v15  }
0xee: {  	v21 =	vadd.f32 v21, v24;
	v27 =	vadd.f32 v27, v29;
	v33 =	vmul.f32 v18, v33;
	v29 =	vpop (erf)  }
0xef: {  	v24 =	vmul.f32 v31, v14;
	v31 =	vld [tilespmem:s25+$0xFFFFFFF0];
	v23 =	vadd.f32 v26, v23;
	v26 =	vmul.f32 v29, v16  }
0xf0: {  	v22 =	vmul.f32 v32, v13;
	v32 =	vadd.f32 v56, v55;
	v25 =	vadd.f32 v25, v57;
	[tilespmem:s23+$0x30] =	vst v33;
	v29 =	vld [tilespmem:s12+$0xFFFFFFB0]  }
0xf1: {  	v19 =	vmul.f32 v19, v15;
	v27 =	vmul.f32 $1.442695020e+00, v27;
	v53 =	vld [tilespmem:s21+$0x60];
	v23 =	vadd.f32 v23, v26  }
0xf2: {  	v32 =	vmul.f32 $1.442695020e+00, v32;
	v25 =	vmul.f32 $1.442695020e+00, v25  }
0xf3: {  	v21 =	vadd.f32 v22, v21;
	(erf) = vpow2.f32 v27;
	v58 =	vperm.xlane v23, v5  }
0xf4: {  	v30 =	vadd.f32 $1.000000000e+00, v30;
	v27 =	vunpack.i.l.bf16.f32 v31;
	(erf) = vpow2.f32 v32  }
0xf5: {  	(erf) = vpow2.f32 v25;
	v59 =	vunpack.i.l.bf16.f32 v29;
	v23 =	vadd.f32 v23, v58  }
0xf6: {  	(erf) = vrcp.f32 v30;
	v37 =	vunpack.i.l.bf16.f32 v53;
	v27 =	vadd.f32 v59, v27  }
0xf7: {  	v35 =	vunpack.i.u.bf16.f32 v53;
	v26 =	vmul.f32 v37, v18;
	v60 =	vperm.xlane v23, v6  }
0xf8: {  	v39 =	vld [tilespmem:s12+$0x40];
	v31 =	vunpack.i.u.bf16.f32 v31;
	v35 =	vmul.f32 v35, v18;
	v27 =	vmul.f32 $1.442695020e+00, v27  }
0xf9: {  	s25 =	simm.s32 $0x1380;
	[tilespmem:s23+$0x40] =	vst v26;
	v26 =	vadd.f32 $1.000000000e+00, v50;
	v29 =	vunpack.i.u.bf16.f32 v29;
	v23 =	vadd.f32 v23, v60  }
0xfa: {  	v24 =	vadd.f32 v21, v24;
	v44 =	vld [tilespmem:s25+$0xFFFFFF80];
	v25 =	vadd.f32 v29, v31;
	(erf) = vpow2.f32 v27  }
0xfb: {  	[tilespmem:s23+$0x50] =	vst v35;
	v29 =	vld [tilespmem:s21+$0xFFFFFFC0];
	(erf) = vrcp.f32 v26;
	v26 =	vperm.xlane v23, v7  }
0xfc: {  	s26 =	simm.s32 $0x240;
	v20 =	vmul.f32 v20, v16;
	v19 =	vadd.f32 v19, v24;
	v22 =	vmul.f32 $1.442695020e+00, v25;
	v25 =	vld [tilespmem:s21+$0x70]  }
0xfd: {  	v55 =	vunpack.i.u.bf16.f32 v39;
	v47 =	vld [tilespmem:s26+$0x10];
	v23 =	vadd.f32 v23, v26  }
0xfe: {  	v57 =	vunpack.i.l.bf16.f32 v39;
	v19 =	vadd.f32 v19, v20;
	v52 =	vld [tilespmem:s25+$0x20];
	(erf) = vpow2.f32 v22  }
0xff: {  	v45 =	vunpack.i.l.bf16.f32 v44;
	v27 =	vadd.f32 $1.000000000e+00, v28;
	v26 =	vpop (erf);
	v28 =	vperm.xlane v23, v3  }
0x100: {  	v44 =	vunpack.i.u.bf16.f32 v44;
	v50 =	vld [tilespmem:s25+$0x30];
	v21 =	vunpack.i.u.bf16.f32 v29;
	v26 =	vadd.f32 $1.000000000e+00, v26  }
0x101: {  	v22 =	vunpack.i.l.bf16.f32 v29;
	v29 =	vunpack.i.u.bf16.f32 v25;
	v30 =	vpop (erf);
	v23 =	vadd.f32 v23, v28;
	v28 =	vld [tilespmem:s26+$0x0]  }
0x102: {  	v33 =	vunpack.i.l.bf16.f32 v47;
	v20 =	vmul.f32 v29, v18;
	v29 =	vadd.f32 $1.000000000e+00, v30;
	v30 =	vld [tilespmem:s25+$0x0]  }
0x103: {  	v41 =	vunpack.i.l.bf16.f32 v52;
	v31 =	vperm.xlane v19, v5;
	(erf) = vrcp.f32 v27;
	v27 =	vpop (erf)  }
0x104: {  	(erf) = vrcp.f32 v26;
	v27 =	vadd.f32 $1.000000000e+00, v27;
	v62 =	vadd.f32 v23, v23;
	v26 =	vpop (erf)  }
0x105: {  	v31 =	vadd.f32 v19, v31;
	v53 =	vunpack.i.u.bf16.f32 v50;
	(erf) = vrcp.f32 v29;
	v61 =	vpop (erf)  }
0x106: {  	(erf) = vrcp.f32 v27;
	v27 =	vsub.f32 v17, v62;
	v34 =	vmul.f32 v26, v9;
	v63 =	vpop (erf)  }
0x107: {  	v26 =	vld [tilespmem:s25+$0x10];
	v29 =	vadd.f32 $1.000000000e+00, v61;
	v48 =	vunpack.i.l.bf16.f32 v28;
	v49 =	vunpack.i.l.bf16.f32 v30;
	v19 =	vpop (erf)  }
0x108: {  	v28 =	vunpack.i.u.bf16.f32 v28;
	v30 =	vunpack.i.u.bf16.f32 v30;
	v19 =	vadd.f32 $1.000000000e+00, v19  }
0x109: {  	v27 =	vmul.f32 $1.442695020e+00, v27;
	v35 =	vadd.f32 v49, v48;
	(erf) = vrcp.f32 v29  }
0x10a: {  	v51 =	vperm.xlane v31, v6;
	(erf) = vrcp.f32 v19;
	v19 =	vadd.f32 v30, v28;
	v28 =	vld [tilespmem:s26+$0x20]  }
0x10b: {  	v29 =	vld [tilespmem:s26+$0x30];
	v30 =	vunpack.i.u.bf16.f32 v47;
	(erf) = vpow2.f32 v27;
	v27 =	vmul.f32 $1.442695020e+00, v35  }
0x10c: {  	v25 =	vunpack.i.l.bf16.f32 v25;
	v38 =	vunpack.i.l.bf16.f32 v26;
	v19 =	vmul.f32 $1.442695020e+00, v19  }
0x10d: {  	v26 =	vunpack.i.u.bf16.f32 v26;
	v33 =	vadd.f32 v38, v33;
	(erf) = vpow2.f32 v27  }
0x10e: {  	v25 =	vmul.f32 v25, v18;
	v26 =	vadd.f32 v26, v30;
	v30 =	vpop (erf);
	(erf) = vpow2.f32 v19  }
0x10f: {  	v43 =	vld [tilespmem:s26+$0xFFFFFFC0];
	v19 =	vmul.f32 $1.442695020e+00, v33;
	v54 =	vpop (erf);
	v40 =	vunpack.i.u.bf16.f32 v28;
	v28 =	vunpack.i.l.bf16.f32 v28  }
0x110: {  	v27 =	vunpack.i.u.bf16.f32 v29;
	v26 =	vmul.f32 $1.442695020e+00, v26;
	v42 =	vpop (erf);
	v28 =	vadd.f32 v41, v28  }
0x111: {  	v35 =	vunpack.i.u.bf16.f32 v52;
	v27 =	vadd.f32 v53, v27;
	(erf) = vpow2.f32 v19;
	v41 =	vpop (erf)  }
0x112: {  	v19 =	vunpack.i.l.bf16.f32 v50;
	v37 =	vpop (erf);
	(erf) = vpow2.f32 v26;
	v28 =	vmul.f32 $1.442695020e+00, v28  }
0x113: {  	v29 =	vunpack.i.l.bf16.f32 v29;
	v35 =	vadd.f32 v35, v40;
	v27 =	vmul.f32 $1.442695020e+00, v27  }
0x114: {  	v29 =	vadd.f32 v19, v29;
	v26 =	vpop (erf);
	(erf) = vpow2.f32 v28;
	v28 =	vunpack.i.l.bf16.f32 v43  }
0x115: {  	v32 =	vmul.f32 v63, v10;
	v35 =	vmul.f32 $1.442695020e+00, v35;
	v19 =	vpop (erf);
	v28 =	vadd.f32 v45, v28  }
0x116: {  	v39 =	vld [tilespmem:s25+$0xFFFFFF90];
	v31 =	vadd.f32 v31, v51;
	v29 =	vmul.f32 $1.442695020e+00, v29;
	(erf) = vpow2.f32 v27;
	v56 =	vpop (erf)  }
0x117: {  	v27 =	vld [tilespmem:s26+$0xFFFFFFD0];
	(erf) = vpow2.f32 v35;
	v40 =	vadd.f32 $1.000000000e+00, v56;
	v58 =	vpop (erf);
	v28 =	vmul.f32 $1.442695020e+00, v28  }
0x118: {  	v48 =	vperm.xlane v31, v7;
	(erf) = vpow2.f32 v29;
	v59 =	vadd.f32 $1.000000000e+00, v58  }
0x119: {  	v24 =	vld [tilespmem:s12+$0xFFFFFFC0];
	v34 =	vadd.f32 $0.0e+00, v34;
	v29 =	vmul.f32 v19, v57;
	(erf) = vrcp.f32 v40  }
0x11a: {  	s8 =	simm.s32 $0x32B0;
	v60 =	vunpack.i.u.bf16.f32 v43;
	v38 =	vmul.f32 v19, v55;
	v61 =	vpop (erf);
	(erf) = vrcp.f32 v59  }
0x11b: {  	v32 =	vadd.f32 v34, v32;
	[tilespmem:s8+$0x0] =	vst v29;
	v29 =	vunpack.i.l.bf16.f32 v39;
	(erf) = vpow2.f32 v28;
	v28 =	vpop (erf)  }
0x11c: {  	[tilespmem:s8+$0x10] =	vst v38;
	v62 =	vadd.f32 $1.000000000e+00, v61;
	v63 =	vunpack.i.l.bf16.f32 v27;
	v28 =	vadd.f32 $1.000000000e+00, v28  }
0x11d: {  	v30 =	vmul.f32 v30, v11;
	v40 =	vadd.f32 v44, v60;
	v38 =	vld [tilespmem:s12+$0x50];
	v29 =	vadd.f32 v29, v63  }
0x11e: {  	v23 =	vunpack.i.u.bf16.f32 v24;
	v33 =	vmul.f32 v54, v12;
	(erf) = vrcp.f32 v62  }
0x11f: {  	v30 =	vadd.f32 v30, v32;
	v45 =	vmul.f32 $1.442695020e+00, v40;
	v46 =	vpop (erf);
	v29 =	vmul.f32 $1.442695020e+00, v29  }
0x120: {  	v31 =	vadd.f32 v31, v48;
	v36 =	vadd.f32 $1.000000000e+00, v46;
	(erf) = vrcp.f32 v28;
	v28 =	vpop (erf)  }
0x121: {  	v30 =	vadd.f32 v30, v33;
	v39 =	vunpack.i.u.bf16.f32 v39;
	(erf) = vpow2.f32 v45;
	v47 =	vpop (erf)  }
0x122: {  	v51 =	vunpack.i.l.bf16.f32 v38;
	(erf) = vrcp.f32 v36;
	v35 =	vadd.f32 $1.000000000e+00, v47;
	v49 =	vpop (erf)  }
0x123: {  	v53 =	vunpack.i.u.bf16.f32 v38;
	v32 =	vmul.f32 v19, v51;
	(erf) = vpow2.f32 v29;
	v29 =	vpop (erf)  }
0x124: {  	v50 =	vadd.f32 $1.000000000e+00, v49;
	v29 =	vmul.f32 v29, v9;
	(erf) = vrcp.f32 v35  }
0x125: {  	v27 =	vunpack.i.u.bf16.f32 v27;
	v56 =	vmul.f32 v19, v53;
	v28 =	vadd.f32 $1.000000000e+00, v28;
	v52 =	vpop (erf)  }
0x126: {  	v59 =	vld [tilespmem:s26+$0xFFFFFFE0];
	[tilespmem:s8+$0x20] =	vst v32;
	v35 =	vmul.f32 v52, v10;
	(erf) = vrcp.f32 v50;
	v34 =	vpop (erf);
	v29 =	vadd.f32 $0.0e+00, v29  }
0x127: {  	v26 =	vmul.f32 v26, v16;
	v58 =	vperm.xlane v31, v3;
	v27 =	vadd.f32 v39, v27;
	[tilespmem:s8+$0x30] =	vst v56;
	v54 =	vpop (erf)  }
0x128: {  	v63 =	vld [tilespmem:s12+$0x60];
	(erf) = vrcp.f32 v28;
	v55 =	vmul.f32 v54, v11;
	v29 =	vadd.f32 v29, v35  }
0x129: {  	v61 =	vmul.f32 v41, v14;
	v31 =	vadd.f32 v31, v58;
	v27 =	vmul.f32 $1.442695020e+00, v27;
	v57 =	vpop (erf)  }
0x12a: {  	v28 =	vmul.f32 v42, v13;
	v60 =	vmul.f32 v57, v12;
	v35 =	vpop (erf);
	v29 =	vadd.f32 v55, v29  }
0x12b: {  	v47 =	vmul.f32 v37, v15;
	v50 =	vunpack.i.l.bf16.f32 v59;
	v52 =	vld [tilespmem:s26+$0xFFFFFFF0];
	v34 =	vadd.f32 $1.000000000e+00, v34;
	v62 =	vpop (erf)  }
0x12c: {  	v28 =	vadd.f32 v28, v30;
	v30 =	vld [tilespmem:s25+$0xFFFFFFA0];
	v45 =	vmul.f32 v62, v13;
	v46 =	vpop (erf);
	v29 =	vadd.f32 v29, v60  }
0x12d: {  	(erf) = vpow2.f32 v27;
	v27 =	vunpack.i.u.bf16.f32 v59;
	v56 =	vunpack.i.l.bf16.f32 v63;
	v48 =	vpop (erf)  }
0x12e: {  	v38 =	vunpack.i.u.bf16.f32 v63;
	v29 =	vadd.f32 v45, v29;
	v49 =	vmul.f32 v48, v14  }
0x12f: {  	v43 =	vmul.f32 v56, v19;
	v59 =	vmul.f32 v38, v19;
	v28 =	vadd.f32 v28, v61;
	v55 =	vld [tilespmem:s25+$0xFFFFFFB0];
	v51 =	vpop (erf)  }
0x130: {  	v35 =	vadd.f32 $1.000000000e+00, v35;
	v54 =	vmul.f32 v51, v15;
	v29 =	vadd.f32 v29, v49  }
0x131: {  	v62 =	vunpack.i.u.bf16.f32 v52;
	v53 =	vunpack.i.l.bf16.f32 v30;
	v30 =	vunpack.i.u.bf16.f32 v30;
	v57 =	vpop (erf)  }
0x132: {  	v37 =	vadd.f32 v53, v50;
	v58 =	vmul.f32 v57, v16;
	v29 =	vadd.f32 v54, v29  }
0x133: {  	v28 =	vadd.f32 v47, v28;
	v27 =	vadd.f32 v30, v27;
	v30 =	vunpack.i.l.bf16.f32 v52  }
0x134: {  	v60 =	vunpack.i.l.bf16.f32 v55;
	v37 =	vmul.f32 $1.442695020e+00, v37;
	v29 =	vadd.f32 v29, v58  }
0x135: {  	v40 =	vadd.f32 v28, v26;
	v27 =	vmul.f32 $1.442695020e+00, v27;
	v30 =	vadd.f32 v60, v30  }
0x136: {  	s4 =	simm.s32 $0x1480;
	v39 =	vunpack.i.u.bf16.f32 v55;
	(erf) = vpow2.f32 v37;
	v61 =	vperm.xlane v29, v5  }
0x137: {  	s24 =	simm.s32 $0x2C0;
	v51 =	vld [tilespmem:s4+$0x0];
	v30 =	vmul.f32 $1.442695020e+00, v30;
	(erf) = vpow2.f32 v27;
	v27 =	vadd.f32 v39, v62  }
0x138: {  	v28 =	vmul.f32 v8, v18;
	v49 =	vld [tilespmem:s24+$0x0];
	(erf) = vrcp.f32 v34;
	v29 =	vadd.f32 v29, v61  }
0x139: {  	v24 =	vunpack.i.l.bf16.f32 v24;
	v56 =	vld [tilespmem:s24+$0x20];
	(erf) = vpow2.f32 v30;
	v27 =	vmul.f32 $1.442695020e+00, v27  }
0x13a: {  	[tilespmem:s8+$0x40] =	vst v43;
	v33 =	vadd.f32 $1.000000000e+00, v46;
	v54 =	vld [tilespmem:s24+$0x30];
	v37 =	vpop (erf);
	(erf) = vrcp.f32 v35;
	v63 =	vperm.xlane v29, v6  }
0x13b: {  	[tilespmem:s8+$0x50] =	vst v59;
	v41 =	vperm.xlane v40, v5;
	v32 =	vadd.f32 $1.000000000e+00, v37;
	(erf) = vpow2.f32 v27  }
0x13c: {  	v36 =	vunpack.i.u.bf16.f32 v51;
	v30 =	vld [tilespmem:s12+$0x70];
	(erf) = vrcp.f32 v33;
	v29 =	vadd.f32 v29, v63  }
0x13d: {  	v53 =	vld [tilespmem:s25+$0x40];
	v37 =	vunpack.i.u.bf16.f32 v49;
	(erf) = vrcp.f32 v32;
	v32 =	vadd.f32 v40, v41  }
0x13e: {  	v55 =	vadd.f32 v36, v37;
	v27 =	vadd.f32 v31, v31;
	v31 =	vld [tilespmem:s25+$0xFFFFFFC0];
	v39 =	vperm.xlane v29, v7  }
0x13f: {  	v36 =	vunpack.i.l.bf16.f32 v56;
	v57 =	vunpack.i.u.bf16.f32 v54;
	v47 =	vperm.xlane v32, v6  }
0x140: {  	v61 =	vunpack.i.l.bf16.f32 v51;
	v26 =	vsub.f32 v17, v27;
	v18 =	vadd.f32 v29, v39  }
0x141: {  	v62 =	vld [tilespmem:s4+$0x30];
	v41 =	vunpack.i.l.bf16.f32 v54;
	v27 =	vunpack.i.u.bf16.f32 v30;
	v38 =	vpop (erf);
	v32 =	vadd.f32 v32, v47  }
0x142: {  	v42 =	vmul.f32 $1.442695020e+00, v26;
	v34 =	vadd.f32 $1.000000000e+00, v38;
	v33 =	vperm.xlane v18, v3  }
0x143: {  	v26 =	vunpack.i.u.bf16.f32 v31;
	v63 =	vunpack.i.u.bf16.f32 v53;
	v40 =	vperm.xlane v32, v7  }
0x144: {  	v60 =	vld [tilespmem:s24+$0x10];
	(erf) = vrcp.f32 v34;
	v29 =	vmul.f32 v27, v19;
	v27 =	vpop (erf);
	v18 =	vadd.f32 v18, v33  }
0x145: {  	(erf) = vpow2.f32 v42;
	v43 =	vpop (erf);
	v27 =	vadd.f32 $1.000000000e+00, v27;
	v32 =	vadd.f32 v32, v40  }
0x146: {  	v35 =	vmul.f32 v43, v9;
	v44 =	vpop (erf);
	v43 =	vunpack.i.l.bf16.f32 v62;
	v18 =	vadd.f32 v18, v18  }
0x147: {  	v45 =	vadd.f32 $1.000000000e+00, v44;
	v46 =	vpop (erf);
	(erf) = vrcp.f32 v27;
	v41 =	vadd.f32 v43, v41  }
0x148: {  	v47 =	vld [tilespmem:s4+$0x20];
	v27 =	vadd.f32 $0.0e+00, v35;
	v48 =	vpop (erf);
	v34 =	vmul.f32 v46, v10;
	v18 =	vsub.f32 v17, v18  }
0x149: {  	v46 =	vunpack.i.u.bf16.f32 v60;
	(erf) = vrcp.f32 v45;
	v35 =	vadd.f32 $1.000000000e+00, v48  }
0x14a: {  	v41 =	vmul.f32 $1.442695020e+00, v41;
	v34 =	vadd.f32 v27, v34;
	v18 =	vmul.f32 $1.442695020e+00, v18  }
0x14b: {  	v50 =	vpop (erf);
	v27 =	vunpack.i.l.bf16.f32 v31;
	v31 =	vunpack.i.l.bf16.f32 v30;
	v30 =	vld [tilespmem:s4+$0x10];
	(erf) = vrcp.f32 v35  }
0x14c: {  	v33 =	vmul.f32 v50, v11;
	v52 =	vpop (erf);
	(erf) = vpow2.f32 v18;
	v18 =	vunpack.i.l.bf16.f32 v49  }
0x14d: {  	v50 =	vunpack.i.l.bf16.f32 v47;
	v47 =	vunpack.i.u.bf16.f32 v47;
	v18 =	vadd.f32 v61, v18  }
0x14e: {  	v38 =	vmul.f32 v52, v12;
	v59 =	vpop (erf);
	v35 =	vunpack.i.l.bf16.f32 v60;
	v36 =	vadd.f32 v50, v36  }
0x14f: {  	v34 =	vadd.f32 v33, v34;
	v42 =	vmul.f32 v59, v13;
	v58 =	vmul.f32 $1.442695020e+00, v18  }
0x150: {  	v33 =	vmul.f32 $1.442695020e+00, v55;
	v59 =	vunpack.i.u.bf16.f32 v62;
	v48 =	vunpack.i.l.bf16.f32 v30  }
0x151: {  	v51 =	vld [tilespmem:s24+$0xFFFFFFC0];
	v30 =	vunpack.i.u.bf16.f32 v30;
	v35 =	vadd.f32 v48, v35;
	v18 =	vpop (erf);
	(erf) = vpow2.f32 v58  }
0x152: {  	v40 =	vld [tilespmem:s4+$0xFFFFFF90];
	v31 =	vmul.f32 v31, v19;
	v37 =	vadd.f32 v59, v57;
	v30 =	vadd.f32 v30, v46;
	v45 =	vpop (erf)  }
0x153: {  	v49 =	vunpack.i.u.bf16.f32 v56;
	v35 =	vmul.f32 $1.442695020e+00, v35;
	v46 =	vpop (erf);
	(erf) = vpow2.f32 v33  }
0x154: {  	v60 =	vld [tilespmem:s4+$0xFFFFFF80];
	v36 =	vmul.f32 $1.442695020e+00, v36;
	v47 =	vadd.f32 v47, v49;
	v52 =	vmul.f32 $1.442695020e+00, v30  }
0x155: {  	v39 =	vunpack.i.l.bf16.f32 v53;
	v37 =	vmul.f32 $1.442695020e+00, v37;
	v33 =	vpop (erf);
	(erf) = vpow2.f32 v35  }
0x156: {  	v62 =	vunpack.i.l.bf16.f32 v51;
	v61 =	vmul.f32 $1.442695020e+00, v47;
	v30 =	vpop (erf);
	(erf) = vpow2.f32 v52  }
0x157: {  	v57 =	vunpack.i.l.bf16.f32 v40;
	v58 =	vperm.xlane v32, v3;
	v22 =	vmul.f32 v18, v22  }
0x158: {  	v34 =	vadd.f32 v34, v38;
	v39 =	vmul.f32 v30, v39;
	(erf) = vpow2.f32 v36  }
0x159: {  	s3 =	simm.s32 $0x33D0;
	v48 =	vunpack.i.l.bf16.f32 v60;
	v44 =	vmul.f32 v30, v63;
	(erf) = vpow2.f32 v37  }
0x15a: {  	v34 =	vadd.f32 v42, v34;
	v21 =	vmul.f32 v18, v21;
	v37 =	vld [tilespmem:s24+$0xFFFFFFD0];
	[tilespmem:s3+$0x0] =	vst v39;
	v63 =	vpop (erf);
	(erf) = vpow2.f32 v61  }
0x15b: {  	v35 =	vunpack.i.u.bf16.f32 v60;
	v52 =	vunpack.i.u.bf16.f32 v51;
	[tilespmem:s3+$0x10] =	vst v44;
	v43 =	vadd.f32 $1.000000000e+00, v63  }
0x15c: {  	v36 =	vadd.f32 v48, v62;
	v35 =	vadd.f32 v35, v52;
	v50 =	vld [tilespmem:s25+$0x50];
	(erf) = vpow2.f32 v41;
	v49 =	vpop (erf)  }
0x15d: {  	v32 =	vadd.f32 v32, v58;
	v39 =	vadd.f32 $1.000000000e+00, v49;
	(erf) = vrcp.f32 v43  }
0x15e: {  	v58 =	vunpack.i.u.bf16.f32 v40;
	v36 =	vmul.f32 $1.442695020e+00, v36;
	v35 =	vmul.f32 $1.442695020e+00, v35;
	v53 =	vpop (erf)  }
0x15f: {  	v55 =	vunpack.i.l.bf16.f32 v37;
	v54 =	vadd.f32 $1.000000000e+00, v53;
	v56 =	vpop (erf);
	(erf) = vrcp.f32 v39  }
0x160: {  	v41 =	vadd.f32 v57, v55;
	(erf) = vpow2.f32 v36;
	v36 =	vadd.f32 $1.000000000e+00, v56  }
0x161: {  	v49 =	vmul.f32 v45, v14;
	v60 =	vunpack.i.l.bf16.f32 v50;
	v59 =	vpop (erf);
	(erf) = vrcp.f32 v54  }
0x162: {  	v41 =	vmul.f32 $1.442695020e+00, v41;
	v43 =	vadd.f32 $1.000000000e+00, v59;
	v61 =	vpop (erf);
	(erf) = vrcp.f32 v36  }
0x163: {  	v38 =	vunpack.i.u.bf16.f32 v50;
	v44 =	vmul.f32 v30, v60;
	(erf) = vpow2.f32 v35;
	v62 =	vpop (erf)  }
0x164: {  	v38 =	vmul.f32 v30, v38;
	v39 =	vld [tilespmem:s24+$0xFFFFFFE0];
	v35 =	vadd.f32 $1.000000000e+00, v62;
	(erf) = vrcp.f32 v43  }
0x165: {  	v52 =	vmul.f32 v46, v15;
	v34 =	vadd.f32 v34, v49;
	[tilespmem:s3+$0x20] =	vst v44;
	v44 =	vld [tilespmem:s4+$0xFFFFFFA0];
	v63 =	vpop (erf);
	(erf) = vpow2.f32 v41  }
0x166: {  	v33 =	vmul.f32 v33, v16;
	[tilespmem:s3+$0x30] =	vst v38;
	v48 =	vadd.f32 $1.000000000e+00, v63;
	v47 =	vpop (erf);
	(erf) = vrcp.f32 v35  }
0x167: {  	v56 =	vunpack.i.u.bf16.f32 v37;
	v34 =	vadd.f32 v52, v34;
	v53 =	vld [tilespmem:s25+$0x60];
	v41 =	vmul.f32 v47, v9  }
0x168: {  	v46 =	vld [tilespmem:s24+$0xFFFFFFF0];
	v36 =	vadd.f32 $1.000000000e+00, v61;
	v43 =	vadd.f32 v32, v32;
	v50 =	vpop (erf);
	(erf) = vrcp.f32 v48  }
0x169: {  	v59 =	vunpack.i.l.bf16.f32 v39;
	v51 =	vmul.f32 v50, v10;
	v41 =	vadd.f32 $0.0e+00, v41;
	v42 =	vpop (erf)  }
0x16a: {  	v39 =	vunpack.i.u.bf16.f32 v39;
	v35 =	vadd.f32 v58, v56;
	v60 =	vunpack.i.l.bf16.f32 v44;
	v54 =	vpop (erf)  }
0x16b: {  	(erf) = vrcp.f32 v36;
	v38 =	vadd.f32 v41, v51;
	v55 =	vmul.f32 v54, v11;
	v57 =	vpop (erf)  }
0x16c: {  	v62 =	vunpack.i.l.bf16.f32 v53;
	v32 =	vunpack.i.u.bf16.f32 v53;
	v37 =	vadd.f32 v60, v59;
	v40 =	vpop (erf)  }
0x16d: {  	v52 =	vld [tilespmem:s4+$0xFFFFFFB0];
	v59 =	vunpack.i.l.bf16.f32 v46;
	v36 =	vmul.f32 v57, v12;
	v38 =	vadd.f32 v55, v38;
	v61 =	vpop (erf)  }
0x16e: {  	v35 =	vmul.f32 $1.442695020e+00, v35;
	v37 =	vmul.f32 $1.442695020e+00, v37;
	v55 =	vunpack.i.u.bf16.f32 v44;
	v45 =	vpop (erf)  }
0x16f: {  	v63 =	vmul.f32 v61, v13;
	v58 =	vadd.f32 v55, v39;
	v36 =	vadd.f32 v38, v36;
	v53 =	vpop (erf)  }
0x170: {  	v46 =	vunpack.i.u.bf16.f32 v46;
	(erf) = vpow2.f32 v35;
	v54 =	vmul.f32 v53, v14  }
0x171: {  	v35 =	vmul.f32 $1.442695020e+00, v58;
	v36 =	vadd.f32 v63, v36;
	v56 =	vpop (erf);
	(erf) = vpow2.f32 v37  }
0x172: {  	v47 =	vmul.f32 v62, v30;
	v32 =	vmul.f32 v32, v30;
	v61 =	vunpack.i.l.bf16.f32 v52  }
0x173: {  	v57 =	vmul.f32 v56, v15;
	(erf) = vpow2.f32 v35;
	v36 =	vadd.f32 v36, v54  }
0x174: {  	v50 =	vsub.f32 v17, v43;
	[tilespmem:s3+$0x40] =	vst v47;
	v47 =	vunpack.i.u.bf16.f32 v52;
	v63 =	vadd.f32 v61, v59;
	v60 =	vpop (erf)  }
0x175: {  	v44 =	vadd.f32 $1.000000000e+00, v42;
	v62 =	vmul.f32 v60, v16;
	v36 =	vadd.f32 v57, v36  }
0x176: {  	[tilespmem:s3+$0x50] =	vst v32;
	v32 =	vmul.f32 v8, v18;
	v48 =	vadd.f32 v47, v46;
	v37 =	vmul.f32 $1.442695020e+00, v63  }
0x177: {  	[tilespmem:s23+$0xFFFFFF70] =	vst v22;
	v40 =	vadd.f32 $1.000000000e+00, v40;
	v38 =	vld [tilespmem:s25+$0x70];
	(erf) = vrcp.f32 v44;
	v36 =	vadd.f32 v36, v62  }
0x178: {  	[tilespmem:s23+$0xFFFFFF80] =	vst v21;
	v52 =	vadd.f32 $1.000000000e+00, v45;
	v35 =	vmul.f32 $1.442695020e+00, v48;
	(erf) = vpow2.f32 v37  }
0x179: {  	v56 =	vadd.f32 v34, v33;
	v57 =	vld [tilespmem:s21+$0xFFFFFFD0];
	(erf) = vrcp.f32 v40;
	v54 =	vpop (erf);
	v49 =	vperm.xlane v36, v5  }
0x17a: {  	v34 =	vmul.f32 v8, v19;
	(erf) = vpow2.f32 v35;
	v22 =	vadd.f32 $1.000000000e+00, v54;
	v19 =	vpop (erf)  }
0x17b: {  	s28 =	simm.s32 $0x340;
	v51 =	vld [tilespmem:s4+$0xFFFFFFC0];
	(erf) = vrcp.f32 v52;
	v36 =	vadd.f32 v36, v49;
	v19 =	vadd.f32 $1.000000000e+00, v19  }
0x17c: {  	v53 =	vunpack.i.u.bf16.f32 v38;
	v54 =	vld [tilespmem:s28+$0x0];
	(erf) = vrcp.f32 v22;
	v22 =	vperm.xlane v56, v5;
	v58 =	vpop (erf)  }
0x17d: {  	v55 =	vperm.xlane v36, v6;
	(erf) = vrcp.f32 v19;
	v19 =	vadd.f32 $1.000000000e+00, v58  }
0x17e: {  	v37 =	vmul.f32 $1.442695020e+00, v50;
	v63 =	vunpack.i.u.bf16.f32 v57;
	v60 =	vadd.f32 v56, v22  }
0x17f: {  	v33 =	vmul.f32 v53, v30;
	v39 =	vmul.f32 v18, v63;
	v35 =	vadd.f32 v36, v55  }
0x180: {  	s26 =	simm.s32 $0x1580;
	v21 =	vunpack.i.u.bf16.f32 v51;
	v56 =	vld [tilespmem:s4+$0x40];
	v22 =	vpop (erf);
	(erf) = vpow2.f32 v37;
	v62 =	vperm.xlane v60, v6  }
0x181: {  	v58 =	vunpack.i.l.bf16.f32 v54;
	(erf) = vrcp.f32 v19;
	v55 =	vld [tilespmem:s26+$0x0];
	v59 =	vperm.xlane v35, v7;
	v19 =	vpop (erf)  }
0x182: {  	v61 =	vmul.f32 v22, v9;
	v40 =	vadd.f32 v60, v62;
	v19 =	vadd.f32 $1.000000000e+00, v19  }
0x183: {  	v46 =	vld [tilespmem:s28+$0x20];
	v44 =	vunpack.i.u.bf16.f32 v54;
	v22 =	vunpack.i.l.bf16.f32 v51;
	v35 =	vadd.f32 v35, v59  }
0x184: {  	v36 =	vunpack.i.l.bf16.f32 v57;
	v37 =	vadd.f32 $0.0e+00, v61;
	v48 =	vpop (erf);
	v51 =	vperm.xlane v40, v7  }
0x185: {  	v54 =	vunpack.i.l.bf16.f32 v56;
	v42 =	vmul.f32 v48, v10;
	v50 =	vpop (erf);
	v49 =	vperm.xlane v35, v3  }
0x186: {  	v48 =	vld [tilespmem:s28+$0x30];
	(erf) = vrcp.f32 v19;
	v52 =	vadd.f32 $1.000000000e+00, v50;
	v45 =	vunpack.i.u.bf16.f32 v55;
	v19 =	vpop (erf)  }
0x187: {  	v57 =	vld [tilespmem:s26+$0x10];
	v50 =	vunpack.i.u.bf16.f32 v56;
	v35 =	vadd.f32 v35, v49;
	v19 =	vmul.f32 v19, v11  }
0x188: {  	v56 =	vunpack.i.l.bf16.f32 v46;
	v46 =	vunpack.i.u.bf16.f32 v46;
	v37 =	vadd.f32 v37, v42  }
0x189: {  	v42 =	vadd.f32 v40, v51;
	v40 =	vmul.f32 v18, v36;
	v53 =	vpop (erf);
	v35 =	vadd.f32 v35, v35  }
0x18a: {  	(erf) = vrcp.f32 v52;
	v43 =	vmul.f32 v53, v12;
	v37 =	vadd.f32 v19, v37  }
0x18b: {  	v63 =	vld [tilespmem:s28+$0x10];
	v61 =	vperm.xlane v42, v3;
	v51 =	vunpack.i.u.bf16.f32 v48;
	v19 =	vpop (erf);
	v59 =	vsub.f32 v17, v35  }
0x18c: {  	v53 =	vunpack.i.l.bf16.f32 v57;
	v43 =	vadd.f32 v37, v43;
	v60 =	vmul.f32 v19, v13;
	v19 =	vpop (erf)  }
0x18d: {  	v36 =	vadd.f32 v42, v61;
	v35 =	vmul.f32 v19, v24;
	v24 =	vpop (erf);
	v62 =	vmul.f32 $1.442695020e+00, v59  }
0x18e: {  	v59 =	vunpack.i.l.bf16.f32 v55;
	v24 =	vmul.f32 v24, v14;
	v43 =	vadd.f32 v60, v43  }
0x18f: {  	v37 =	vunpack.i.l.bf16.f32 v38;
	v38 =	vadd.f32 v59, v58;
	(erf) = vpow2.f32 v62  }
0x190: {  	v61 =	vunpack.i.l.bf16.f32 v63;
	v43 =	vadd.f32 v43, v24;
	v24 =	vadd.f32 v45, v44;
	v44 =	vld [tilespmem:s26+$0x20]  }
0x191: {  	v63 =	vunpack.i.u.bf16.f32 v63;
	v42 =	vunpack.i.u.bf16.f32 v57;
	v45 =	vld [tilespmem:s26+$0x30];
	v38 =	vmul.f32 $1.442695020e+00, v38  }
0x192: {  	v37 =	vmul.f32 v37, v30;
	v62 =	vadd.f32 v53, v61;
	v60 =	vpop (erf);
	v24 =	vmul.f32 $1.442695020e+00, v24  }
0x193: {  	v47 =	vmul.f32 v60, v15;
	(erf) = vpow2.f32 v38;
	v38 =	vadd.f32 v42, v63  }
0x194: {  	v48 =	vunpack.i.l.bf16.f32 v48;
	v41 =	vpop (erf);
	(erf) = vpow2.f32 v24;
	v24 =	vmul.f32 $1.442695020e+00, v62  }
0x195: {  	v36 =	vadd.f32 v36, v36;
	v60 =	vld [tilespmem:s28+$0xFFFFFFC0];
	v41 =	vmul.f32 v41, v16;
	v38 =	vmul.f32 $1.442695020e+00, v38  }
0x196: {  	v57 =	vunpack.i.l.bf16.f32 v44;
	v58 =	vunpack.i.u.bf16.f32 v45;
	v45 =	vunpack.i.l.bf16.f32 v45  }
0x197: {  	v44 =	vunpack.i.u.bf16.f32 v44;
	v59 =	vadd.f32 v57, v56;
	(erf) = vpow2.f32 v24  }
0x198: {  	v53 =	vld [tilespmem:s26+$0xFFFFFF80];
	v51 =	vadd.f32 v58, v51;
	v44 =	vadd.f32 v44, v46;
	(erf) = vpow2.f32 v38;
	v24 =	vpop (erf)  }
0x199: {  	v62 =	vadd.f32 v45, v48;
	v46 =	vld [tilespmem:s28+$0xFFFFFFD0];
	v42 =	vmul.f32 $1.442695020e+00, v59;
	v61 =	vmul.f32 v24, v54  }
0x19a: {  	s24 =	simm.s32 $0x34F0;
	v52 =	vunpack.i.l.bf16.f32 v60;
	v57 =	vld [tilespmem:s26+$0xFFFFFF90];
	v63 =	vmul.f32 $1.442695020e+00, v51;
	v50 =	vmul.f32 v24, v50  }
0x19b: {  	v60 =	vunpack.i.u.bf16.f32 v60;
	v44 =	vmul.f32 $1.442695020e+00, v44;
	(erf) = vpow2.f32 v42;
	[tilespmem:s24+$0x0] =	vst v61  }
0x19c: {  	v38 =	vadd.f32 v47, v43;
	v43 =	vmul.f32 $1.442695020e+00, v62;
	[tilespmem:s24+$0x10] =	vst v50;
	v56 =	vpop (erf);
	(erf) = vpow2.f32 v63  }
0x19d: {  	v54 =	vunpack.i.l.bf16.f32 v53;
	v55 =	vld [tilespmem:s4+$0x50];
	v58 =	vadd.f32 $1.000000000e+00, v56;
	(erf) = vpow2.f32 v44  }
0x19e: {  	v42 =	vadd.f32 v54, v52;
	v63 =	vunpack.i.l.bf16.f32 v46;
	v59 =	vpop (erf);
	(erf) = vpow2.f32 v43  }
0x19f: {  	v54 =	vunpack.i.l.bf16.f32 v57;
	v61 =	vadd.f32 $1.000000000e+00, v59;
	(erf) = vrcp.f32 v58  }
0x1a0: {  	v62 =	vunpack.i.u.bf16.f32 v53;
	v42 =	vmul.f32 $1.442695020e+00, v42;
	v44 =	vadd.f32 v54, v63;
	v52 =	vpop (erf)  }
0x1a1: {  	v43 =	vadd.f32 v62, v60;
	(erf) = vrcp.f32 v61;
	v47 =	vadd.f32 $1.000000000e+00, v52  }
0x1a2: {  	v53 =	vunpack.i.l.bf16.f32 v55;
	v48 =	vunpack.i.u.bf16.f32 v55;
	(erf) = vpow2.f32 v42;
	v55 =	vpop (erf)  }
0x1a3: {  	v46 =	vunpack.i.u.bf16.f32 v46;
	v42 =	vadd.f32 $1.000000000e+00, v55;
	(erf) = vrcp.f32 v47  }
0x1a4: {  	v50 =	vld [tilespmem:s28+$0xFFFFFFE0];
	v45 =	vunpack.i.u.bf16.f32 v57;
	v44 =	vmul.f32 $1.442695020e+00, v44;
	v43 =	vmul.f32 $1.442695020e+00, v43;
	v56 =	vpop (erf)  }
0x1a5: {  	v49 =	vmul.f32 v24, v53;
	v47 =	vld [tilespmem:s26+$0xFFFFFFA0];
	v57 =	vadd.f32 $1.000000000e+00, v56;
	(erf) = vrcp.f32 v42;
	v58 =	vpop (erf)  }
0x1a6: {  	v45 =	vadd.f32 v45, v46;
	v48 =	vmul.f32 v24, v48;
	(erf) = vpow2.f32 v43;
	v59 =	vpop (erf)  }
0x1a7: {  	v51 =	vmul.f32 v19, v23;
	[tilespmem:s24+$0x20] =	vst v49;
	v43 =	vadd.f32 $1.000000000e+00, v59;
	(erf) = vrcp.f32 v57;
	v61 =	vpop (erf)  }
0x1a8: {  	v36 =	vsub.f32 v17, v36;
	v45 =	vmul.f32 $1.442695020e+00, v45;
	[tilespmem:s24+$0x30] =	vst v48;
	(erf) = vpow2.f32 v44;
	v62 =	vpop (erf)  }
0x1a9: {  	v46 =	vld [tilespmem:s4+$0x60];
	v48 =	vadd.f32 $1.000000000e+00, v61;
	v44 =	vmul.f32 v62, v9;
	(erf) = vrcp.f32 v43  }
0x1aa: {  	v60 =	vunpack.i.l.bf16.f32 v50;
	v42 =	vadd.f32 $1.000000000e+00, v58;
	v63 =	vunpack.i.l.bf16.f32 v47;
	v56 =	vpop (erf)  }
0x1ab: {  	(erf) = vrcp.f32 v48;
	v57 =	vmul.f32 v56, v10;
	v44 =	vadd.f32 $0.0e+00, v44;
	v53 =	vpop (erf)  }
0x1ac: {  	v50 =	vunpack.i.u.bf16.f32 v50;
	v61 =	vunpack.i.u.bf16.f32 v47;
	v49 =	vadd.f32 v63, v60;
	v48 =	vld [tilespmem:s28+$0xFFFFFFF0];
	v59 =	vpop (erf)  }
0x1ad: {  	[tilespmem:s23+$0xFFFFFFA0] =	vst v39;
	v39 =	vld [tilespmem:s26+$0xFFFFFFB0];
	(erf) = vrcp.f32 v42;
	v43 =	vadd.f32 v44, v57;
	v60 =	vmul.f32 v59, v11  }
0x1ae: {  	v58 =	vunpack.i.l.bf16.f32 v46;
	v46 =	vunpack.i.u.bf16.f32 v46;
	v62 =	vmul.f32 $1.442695020e+00, v49;
	v63 =	vpop (erf)  }
0x1af: {  	(erf) = vpow2.f32 v45;
	v43 =	vadd.f32 v60, v43;
	v54 =	vmul.f32 v63, v12;
	v45 =	vpop (erf)  }
0x1b0: {  	v42 =	vadd.f32 v61, v50;
	v50 =	vmul.f32 v8, v30;
	v52 =	vmul.f32 v58, v24;
	v56 =	vpop (erf)  }
0x1b1: {  	v55 =	vunpack.i.l.bf16.f32 v48;
	v43 =	vadd.f32 v43, v54;
	v58 =	vmul.f32 v56, v13;
	v47 =	vpop (erf)  }
0x1b2: {  	[tilespmem:s23+$0xFFFFFF90] =	vst v40;
	v40 =	vmul.f32 v46, v24;
	(erf) = vpow2.f32 v62;
	v57 =	vunpack.i.l.bf16.f32 v39;
	v60 =	vpop (erf)  }
0x1b3: {  	v46 =	vld [tilespmem:s21+$0xFFFFFFE0];
	v23 =	vmul.f32 $1.442695020e+00, v42;
	v61 =	vadd.f32 v58, v43;
	v63 =	vmul.f32 v60, v14  }
0x1b4: {  	v39 =	vunpack.i.u.bf16.f32 v39;
	[tilespmem:s24+$0x40] =	vst v52;
	v52 =	vunpack.i.u.bf16.f32 v48;
	v59 =	vadd.f32 v57, v55;
	v55 =	vpop (erf)  }
0x1b5: {  	[tilespmem:s24+$0x50] =	vst v40;
	v54 =	vadd.f32 $1.000000000e+00, v53;
	v30 =	vmul.f32 v55, v15;
	v40 =	vadd.f32 v61, v63  }
0x1b6: {  	v49 =	vld [tilespmem:s4+$0x70];
	(erf) = vpow2.f32 v23;
	v45 =	vadd.f32 $1.000000000e+00, v45;
	v42 =	vmul.f32 $1.442695020e+00, v59;
	v58 =	vpop (erf)  }
0x1b7: {  	(erf) = vrcp.f32 v54;
	v30 =	vadd.f32 v30, v40;
	v40 =	vmul.f32 v58, v16  }
0x1b8: {  	v62 =	vunpack.i.l.bf16.f32 v46;
	v46 =	vunpack.i.u.bf16.f32 v46;
	(erf) = vpow2.f32 v42  }
0x1b9: {  	[tilespmem:s8+$0xFFFFFF70] =	vst v35;
	v39 =	vadd.f32 v39, v52;
	v46 =	vmul.f32 v46, v18;
	v40 =	vadd.f32 v30, v40  }
0x1ba: {  	v36 =	vmul.f32 $1.442695020e+00, v36;
	v38 =	vadd.f32 v38, v41;
	[tilespmem:s8+$0xFFFFFF80] =	vst v51;
	v57 =	vld [tilespmem:s26+$0xFFFFFFC0];
	(erf) = vrcp.f32 v45  }
0x1bb: {  	v59 =	vld [tilespmem:s12+$0xFFFFFFD0];
	v39 =	vmul.f32 $1.442695020e+00, v39;
	v56 =	vunpack.i.u.bf16.f32 v49;
	[tilespmem:s23+$0xFFFFFFC0] =	vst v46;
	v46 =	vperm.xlane v40, v5  }
0x1bc: {  	v47 =	vadd.f32 $1.000000000e+00, v47;
	v43 =	vmul.f32 v62, v18;
	v44 =	vmul.f32 v56, v24;
	v60 =	vpop (erf)  }
0x1bd: {  	[tilespmem:s23+$0x70] =	vst v20;
	(erf) = vpow2.f32 v39;
	v61 =	vadd.f32 $1.000000000e+00, v60;
	v30 =	vpop (erf);
	v20 =	vadd.f32 v40, v46  }
0x1be: {  	[tilespmem:s23+$0x60] =	vst v25;
	(erf) = vrcp.f32 v47;
	v47 =	vperm.xlane v38, v5;
	v62 =	vadd.f32 $1.000000000e+00, v30  }
0x1bf: {  	[tilespmem:s23+$0x80] =	vst v28;
	v35 =	vunpack.i.l.bf16.f32 v57;
	(erf) = vrcp.f32 v61;
	v48 =	vpop (erf);
	v28 =	vperm.xlane v20, v6  }
0x1c0: {  	[tilespmem:s8+$0x70] =	vst v29;
	v51 =	vunpack.i.u.bf16.f32 v59;
	v38 =	vadd.f32 v38, v47;
	v52 =	vpop (erf);
	(erf) = vrcp.f32 v62  }
0x1c1: {  	[tilespmem:s8+$0x60] =	vst v31;
	v53 =	vunpack.i.l.bf16.f32 v59;
	v25 =	vadd.f32 $1.000000000e+00, v48;
	v54 =	vpop (erf);
	(erf) = vpow2.f32 v36  }
0x1c2: {  	[tilespmem:s23+$0xFFFFFFB0] =	vst v43;
	v29 =	vmul.f32 v52, v9;
	v31 =	vadd.f32 $1.000000000e+00, v54;
	v55 =	vperm.xlane v38, v6  }
0x1c3: {  	v63 =	vld [tilespmem:s21+$0xFFFFFFF0];
	v41 =	vmul.f32 v19, v51;
	(erf) = vrcp.f32 v25;
	v20 =	vadd.f32 v20, v28;
	v28 =	vpop (erf)  }
0x1c4: {  	v29 =	vadd.f32 $0.0e+00, v29;
	v36 =	vadd.f32 v38, v55;
	v28 =	vmul.f32 v28, v10  }
0x1c5: {  	[tilespmem:s8+$0x80] =	vst v34;
	v56 =	vmul.f32 v19, v53;
	v30 =	vunpack.i.u.bf16.f32 v57;
	v57 =	vperm.xlane v20, v7  }
0x1c6: {  	[tilespmem:s8+$0xFFFFFFA0] =	vst v41;
	(erf) = vrcp.f32 v31;
	v38 =	vperm.xlane v36, v7;
	v31 =	vpop (erf);
	v28 =	vadd.f32 v29, v28  }
0x1c7: {  	v23 =	vmul.f32 v8, v19;
	[tilespmem:s8+$0xFFFFFF90] =	vst v56;
	v20 =	vadd.f32 v20, v57;
	v29 =	vadd.f32 $1.000000000e+00, v31;
	v31 =	vpop (erf)  }
0x1c8: {  	[tilespmem:s23+$0xFFFFFFF0] =	vst v32;
	v58 =	vunpack.i.l.bf16.f32 v63;
	v60 =	vld [tilespmem:s12+$0xFFFFFFE0];
	v32 =	vadd.f32 v36, v38;
	v31 =	vmul.f32 v31, v11;
	v59 =	vpop (erf)  }
0x1c9: {  	[tilespmem:s3+$0x70] =	vst v33;
	v25 =	vunpack.i.u.bf16.f32 v63;
	v40 =	vperm.xlane v20, v3;
	v61 =	vpop (erf);
	(erf) = vrcp.f32 v29  }
0x1ca: {  	[tilespmem:s3+$0x60] =	vst v37;
	v34 =	vperm.xlane v32, v3;
	v33 =	vmul.f32 v59, v12;
	v31 =	vadd.f32 v31, v28;
	v28 =	vpop (erf)  }
0x1cb: {  	[tilespmem:s3+$0x80] =	vst v50;
	v29 =	vunpack.i.l.bf16.f32 v49;
	v37 =	vmul.f32 v61, v13;
	v27 =	vmul.f32 v28, v27  }
0x1cc: {  	[tilespmem:s24+$0x70] =	vst v44;
	v20 =	vadd.f32 v20, v40;
	v62 =	vmul.f32 v28, v26;
	v31 =	vadd.f32 v31, v33;
	v63 =	vpop (erf)  }
0x1cd: {  	v26 =	vmul.f32 v58, v18;
	v33 =	vunpack.i.l.bf16.f32 v60;
	v36 =	vmul.f32 v63, v14;
	[tilespmem:s3+$0xFFFFFF70] =	vst v27  }
0x1ce: {  	s29 =	simm.s32 $0x3C0;
	s28 =	simm.s32 $0x8;
	s21 =	simm.s32 $0x1580;
	v27 =	vunpack.i.u.bf16.f32 v60;
	v38 =	vadd.f32 v37, v31;
	v37 =	vadd.f32 v20, v20;
	v31 =	vld [tilespmem:s26+$0x40];
	[tilespmem:s3+$0xFFFFFF80] =	vst v62  }
.LBB2_7:
0x1cf: {  	v39 =	vld [tilespmem:s29+$0x0];
	s26 =	sadd.s32 $0x100, s26;
	v20 =	vpop (erf);
	v32 =	vadd.f32 v32, v34;
	v33 =	vmul.f32 v33, v19;
	v27 =	vmul.f32 v27, v19;
	[tilespmem:s23+$0xFFFFFFD0] =	vst v26  }
0x1d0: {  	v34 =	vld [tilespmem:s26+$0x0];
	v38 =	vadd.f32 v38, v36;
	v36 =	vmul.f32 v20, v15;
	v37 =	vsub.f32 v17, v37;
	v20 =	vmovc v35  }
0x1d1: {  	v29 =	vmul.f32 v29, v24;
	v40 =	vmul.f32 v25, v18;
	v35 =	vld [tilespmem:s29+$0x30];
	v32 =	vadd.f32 v32, v32;
	[tilespmem:s8+$0xFFFFFFB0] =	vst v33  }
0x1d2: {  	v33 =	vld [tilespmem:s26+$0x30];
	v25 =	vadd.f32 v36, v38;
	v36 =	vmul.f32 $1.442695020e+00, v37;
	v26 =	vpop (erf);
	v37 =	vmul.f32 v8, v28;
	[tilespmem:s8+$0xFFFFFFC0] =	vst v27  }
0x1d3: {  	s28 =	sadd.s32 $0x2, s28;
	v24 =	vmul.f32 v8, v24;
	v38 =	vld [tilespmem:s29+$0x10];
	v26 =	vmul.f32 v26, v16;
	v27 =	vsub.f32 v17, v32;
	[tilespmem:s23+$0xFFFFFFE0] =	vst v40;
	s23 =	smov.u32 s8;
	s8 =	smov.u32 s3  }
0x1d4: {  	v18 =	vmov v19;
	v19 =	vmov v28;
	p2 =	slt.u32 s28, $0x1E;
	s3 =	smov.u32 s24;
	v32 =	vld [tilespmem:s26+$0x10];
	(erf) = vpow2.f32 v36;
	[tilespmem:s24+$0x60] =	vst v29  }
0x1d5: {  	v40 =	vunpack.i.u.bf16.f32 v31;
	v28 =	vunpack.i.l.bf16.f32 v39;
	v36 =	vld [tilespmem:s26+$0xFFFFFF80];
	v29 =	vunpack.i.l.bf16.f32 v34;
	[tilespmem:s24+$0x80] =	vst v24  }
0x1d6: {  	v24 =	vunpack.i.u.bf16.f32 v39;
	v34 =	vunpack.i.u.bf16.f32 v34;
	v41 =	vld [tilespmem:s29+$0xFFFFFFC0];
	v28 =	vadd.f32 v29, v28  }
0x1d7: {  	v31 =	vunpack.i.l.bf16.f32 v31;
	v24 =	vadd.f32 v34, v24;
	v39 =	vunpack.i.u.bf16.f32 v35;
	v29 =	vld [tilespmem:s29+$0x20]  }
0x1d8: {  	v43 =	vunpack.i.u.bf16.f32 v33;
	v28 =	vmul.f32 $1.442695020e+00, v28;
	v34 =	vunpack.i.u.bf16.f32 v38;
	v42 =	vld [tilespmem:s26+$0x20]  }
0x1d9: {  	v24 =	vmul.f32 $1.442695020e+00, v24;
	v38 =	vunpack.i.l.bf16.f32 v38;
	v44 =	vld [tilespmem:s29+$0xFFFFFFD0];
	v45 =	vunpack.i.l.bf16.f32 v32  }
0x1da: {  	v32 =	vunpack.i.u.bf16.f32 v32;
	v46 =	vld [tilespmem:s26+$0xFFFFFF90];
	v38 =	vadd.f32 v45, v38;
	(erf) = vpow2.f32 v28  }
0x1db: {  	v35 =	vunpack.i.l.bf16.f32 v35;
	v28 =	vadd.f32 v32, v34;
	v45 =	vld [tilespmem:s29+$0xFFFFFFE0];
	(erf) = vpow2.f32 v24  }
0x1dc: {  	v48 =	vunpack.i.l.bf16.f32 v33;
	v34 =	vld [tilespmem:s26+$0xFFFFFFA0];
	v38 =	vmul.f32 $1.442695020e+00, v38;
	v47 =	vunpack.i.u.bf16.f32 v29  }
0x1dd: {  	v28 =	vmul.f32 $1.442695020e+00, v28;
	v29 =	vunpack.i.l.bf16.f32 v29;
	v32 =	vld [tilespmem:s29+$0xFFFFFFF0];
	v49 =	vunpack.i.l.bf16.f32 v42;
	v24 =	vpop (erf)  }
0x1de: {  	v33 =	vld [tilespmem:s26+$0xFFFFFFB0];
	v29 =	vadd.f32 v49, v29;
	(erf) = vpow2.f32 v38;
	v38 =	vmul.f32 v24, v31  }
0x1df: {  	s24 =	sadd.s32 $0x120, s24;
	v39 =	vadd.f32 v43, v39;
	v42 =	vunpack.i.u.bf16.f32 v42;
	v40 =	vmul.f32 v24, v40;
	v31 =	vld [tilespmem:s26+$0xFFFFFFC0]  }
0x1e0: {  	v42 =	vadd.f32 v42, v47;
	v43 =	vmul.f32 $1.442695020e+00, v29;
	(erf) = vpow2.f32 v28;
	[tilespmem:s24+$0x0] =	vst v38;
	v29 =	vld [tilespmem:s25+$0xFFFFFFD0]  }
0x1e1: {  	v35 =	vadd.f32 v48, v35;
	v39 =	vmul.f32 $1.442695020e+00, v39;
	v47 =	vunpack.i.l.bf16.f32 v41;
	[tilespmem:s24+$0x10] =	vst v40;
	v28 =	vld [tilespmem:s12+$0xFFFFFFF0];
	s12 =	smov.u32 s25;
	s25 =	smov.u32 s4;
	s4 =	smov.u32 s21  }
0x1e2: {  	v48 =	vunpack.i.l.bf16.f32 v36;
	v42 =	vmul.f32 $1.442695020e+00, v42;
	s21 =	smov.u32 s26;
	(erf) = vpow2.f32 v43;
	v43 =	vld [tilespmem:s4+$0x50];
	[tilespmem:s23+$0xFFFFFFF0] =	vst v23;
	v23 =	vmovc v37  }
0x1e3: {  	v35 =	vmul.f32 $1.442695020e+00, v35;
	v37 =	vadd.f32 v48, v47;
	v38 =	vpop (erf);
	(erf) = vpow2.f32 v39  }
0x1e4: {  	v39 =	vunpack.i.u.bf16.f32 v41;
	v41 =	vadd.f32 $1.000000000e+00, v38;
	v40 =	vpop (erf);
	(erf) = vpow2.f32 v42  }
0x1e5: {  	v36 =	vunpack.i.u.bf16.f32 v36;
	v40 =	vadd.f32 $1.000000000e+00, v40;
	(erf) = vpow2.f32 v35  }
0x1e6: {  	v42 =	vmul.f32 $1.442695020e+00, v37;
	v36 =	vadd.f32 v36, v39;
	(erf) = vrcp.f32 v41  }
0x1e7: {  	v37 =	vunpack.i.l.bf16.f32 v44;
	(erf) = vrcp.f32 v40;
	v38 =	vpop (erf);
	v39 =	vunpack.i.l.bf16.f32 v43  }
0x1e8: {  	v40 =	vunpack.i.u.bf16.f32 v43;
	v38 =	vadd.f32 $1.000000000e+00, v38;
	v39 =	vmul.f32 v24, v39  }
0x1e9: {  	v43 =	vunpack.i.l.bf16.f32 v46;
	v40 =	vmul.f32 v24, v40;
	(erf) = vpow2.f32 v42;
	v35 =	vpop (erf)  }
0x1ea: {  	v47 =	vmul.f32 $1.442695020e+00, v36;
	v42 =	vadd.f32 $1.000000000e+00, v35;
	(erf) = vrcp.f32 v38;
	[tilespmem:s24+$0x20] =	vst v39  }
0x1eb: {  	v37 =	vadd.f32 v43, v37;
	v38 =	vunpack.i.u.bf16.f32 v44;
	v39 =	vunpack.i.u.bf16.f32 v46;
	v41 =	vpop (erf);
	[tilespmem:s24+$0x30] =	vst v40  }
0x1ec: {  	v38 =	vadd.f32 v39, v38;
	v43 =	vadd.f32 $1.000000000e+00, v41;
	(erf) = vrcp.f32 v42;
	v35 =	vpop (erf);
	v40 =	vld [tilespmem:s4+$0x60]  }
0x1ed: {  	v44 =	vmul.f32 $1.442695020e+00, v37;
	v41 =	vunpack.i.l.bf16.f32 v45;
	(erf) = vpow2.f32 v47;
	v36 =	vpop (erf)  }
0x1ee: {  	v42 =	vunpack.i.l.bf16.f32 v34;
	v36 =	vadd.f32 $1.000000000e+00, v36;
	(erf) = vrcp.f32 v43;
	v39 =	vpop (erf)  }
0x1ef: {  	v38 =	vmul.f32 $1.442695020e+00, v38;
	v39 =	vadd.f32 $1.000000000e+00, v39;
	(erf) = vpow2.f32 v44;
	v37 =	vpop (erf)  }
0x1f0: {  	v35 =	vadd.f32 $1.000000000e+00, v35;
	v37 =	vmul.f32 v37, v9;
	v43 =	vpop (erf);
	(erf) = vrcp.f32 v36  }
0x1f1: {  	v36 =	vmul.f32 v43, v10;
	(erf) = vrcp.f32 v39;
	v39 =	vunpack.i.l.bf16.f32 v40  }
0x1f2: {  	v40 =	vunpack.i.u.bf16.f32 v40;
	v37 =	vadd.f32 $0.0e+00, v37;
	v43 =	vpop (erf);
	v39 =	vmul.f32 v39, v24  }
0x1f3: {  	v41 =	vadd.f32 v42, v41;
	v44 =	vunpack.i.u.bf16.f32 v45;
	v40 =	vmul.f32 v40, v24;
	v42 =	vpop (erf)  }
0x1f4: {  	v36 =	vadd.f32 v37, v36;
	v37 =	vmul.f32 v42, v11;
	(erf) = vrcp.f32 v35;
	[tilespmem:s24+$0x40] =	vst v39  }
0x1f5: {  	v34 =	vunpack.i.u.bf16.f32 v34;
	v42 =	vmul.f32 $1.442695020e+00, v41;
	(erf) = vpow2.f32 v38;
	v38 =	vpop (erf);
	[tilespmem:s24+$0x50] =	vst v40  }
0x1f6: {  	v34 =	vadd.f32 v34, v44;
	v36 =	vadd.f32 v37, v36;
	v44 =	vmul.f32 v38, v12;
	v38 =	vpop (erf);
	v39 =	vld [tilespmem:s4+$0x70]  }
0x1f7: {  	v45 =	vunpack.i.l.bf16.f32 v33;
	v40 =	vunpack.i.l.bf16.f32 v32;
	(erf) = vpow2.f32 v42;
	v35 =	vpop (erf)  }
0x1f8: {  	v34 =	vmul.f32 $1.442695020e+00, v34;
	v36 =	vadd.f32 v36, v44;
	v35 =	vmul.f32 v35, v13;
	v37 =	vpop (erf)  }
0x1f9: {  	v32 =	vunpack.i.u.bf16.f32 v32;
	v40 =	vadd.f32 v45, v40;
	v42 =	vadd.f32 $1.000000000e+00, v43;
	v41 =	vpop (erf)  }
0x1fa: {  	v33 =	vunpack.i.u.bf16.f32 v33;
	v35 =	vadd.f32 v35, v36;
	v36 =	vmul.f32 v41, v14;
	v41 =	vpop (erf)  }
0x1fb: {  	v40 =	vmul.f32 $1.442695020e+00, v40;
	(erf) = vpow2.f32 v34;
	v34 =	vunpack.i.u.bf16.f32 v39  }
0x1fc: {  	v41 =	vmul.f32 v41, v15;
	v35 =	vadd.f32 v35, v36;
	v34 =	vmul.f32 v34, v24  }
0x1fd: {  	v32 =	vadd.f32 v33, v32;
	v38 =	vadd.f32 $1.000000000e+00, v38;
	(erf) = vrcp.f32 v42;
	v33 =	vpop (erf)  }
0x1fe: {  	v41 =	vadd.f32 v41, v35;
	v33 =	vmul.f32 v33, v16;
	v36 =	vpop (erf);
	(erf) = vpow2.f32 v40;
	[tilespmem:s24+$0x70] =	vst v34  }
0x1ff: {  	v32 =	vmul.f32 $1.442695020e+00, v32;
	v34 =	vadd.f32 $1.000000000e+00, v37;
	(erf) = vrcp.f32 v38  }
0x200: {  	v27 =	vmul.f32 $1.442695020e+00, v27;
	v36 =	vadd.f32 $1.000000000e+00, v36;
	v33 =	vadd.f32 v41, v33;
	v35 =	vpop (erf)  }
0x201: {  	v25 =	vadd.f32 v25, v26;
	v37 =	vadd.f32 $1.000000000e+00, v35;
	(erf) = vpow2.f32 v32  }
0x202: {  	v38 =	vunpack.i.u.bf16.f32 v31;
	v26 =	vperm.xlane v33, v5;
	(erf) = vrcp.f32 v34  }
0x203: {  	v35 =	vunpack.i.l.bf16.f32 v31;
	v31 =	vperm.xlane v25, v5;
	(erf) = vrcp.f32 v36  }
0x204: {  	v26 =	vadd.f32 v33, v26;
	(erf) = vrcp.f32 v37;
	v32 =	vpop (erf);
	v33 =	vunpack.i.u.bf16.f32 v29  }
0x205: {  	v31 =	vadd.f32 v25, v31;
	v36 =	vadd.f32 $1.000000000e+00, v32;
	(erf) = vpow2.f32 v27  }
0x206: {  	v29 =	vunpack.i.l.bf16.f32 v29;
	v33 =	vmul.f32 v19, v33;
	v37 =	vperm.xlane v26, v6;
	v25 =	vpop (erf)  }
0x207: {  	v34 =	vmul.f32 v25, v9;
	(erf) = vrcp.f32 v36;
	v32 =	vpop (erf);
	v25 =	vunpack.i.u.bf16.f32 v28  }
0x208: {  	v36 =	vperm.xlane v31, v6;
	v40 =	vadd.f32 $1.000000000e+00, v32;
	v26 =	vadd.f32 v26, v37;
	v27 =	vpop (erf);
	[tilespmem:s8+$0xFFFFFFA0] =	vst v33  }
0x209: {  	v41 =	vmul.f32 v19, v29;
	v37 =	vadd.f32 $0.0e+00, v34;
	v27 =	vmul.f32 v27, v10  }
0x20a: {  	v31 =	vadd.f32 v31, v36;
	v34 =	vperm.xlane v26, v7;
	(erf) = vrcp.f32 v40;
	v32 =	vpop (erf)  }
0x20b: {  	v36 =	vunpack.i.l.bf16.f32 v28;
	v27 =	vadd.f32 v37, v27;
	v32 =	vadd.f32 $1.000000000e+00, v32;
	v33 =	vpop (erf);
	[tilespmem:s8+$0xFFFFFF90] =	vst v41  }
0x20c: {  	v41 =	vmul.f32 v33, v11;
	v26 =	vadd.f32 v26, v34;
	v29 =	vpop (erf);
	v33 =	vperm.xlane v31, v7;
	v40 =	vld [tilespmem:s12+$0xFFFFFFE0]  }
0x20d: {  	v34 =	vmul.f32 v29, v12;
	v37 =	vpop (erf);
	(erf) = vrcp.f32 v32;
	v29 =	vunpack.i.l.bf16.f32 v39  }
.Ltmp2:
0x20e: {  	v41 =	vadd.f32 v41, v27;
	v37 =	vmul.f32 v37, v13;
	v39 =	vperm.xlane v26, v3;
	v28 =	vpop (erf);
	(pc) =	sbr.rel @p2 .LBB2_7-.Ltmp2, $4  }
0x20f: {  	v32 =	vadd.f32 v31, v33;
	v42 =	vmul.f32 v28, v22;
	v33 =	vmul.f32 v28, v21;
	v21 =	vmovc v30  }
0x210: {  	v31 =	vadd.f32 v41, v34;
	v39 =	vadd.f32 v26, v39;
	v27 =	vpop (erf);
	v26 =	vmul.f32 v36, v18  }
0x211: {  	v30 =	vmovc v38;
	v34 =	vperm.xlane v32, v3;
	v36 =	vmul.f32 v27, v14;
	[tilespmem:s3+$0xFFFFFF70] =	vst v42;
	v27 =	vunpack.i.u.bf16.f32 v40  }
0x212: {  	s29 =	sadd.s32 $0x80, s29;
	v22 =	vmovc v20;
	v38 =	vadd.f32 v37, v31;
	v37 =	vadd.f32 v39, v39;
	v31 =	vld [tilespmem:s26+$0x40];
	[tilespmem:s3+$0xFFFFFF80] =	vst v33;
	v33 =	vunpack.i.l.bf16.f32 v40  }
0x213: {  	_ = 	snop  }
0x214: {  	v20 =	vpop (erf)  }
0x215: {  	v36 =	vadd.f32 v38, v36;
	v20 =	vmul.f32 v20, v15  }
0x216: {  	v54 =	vpop (erf)  }
0x217: {  	v20 =	vadd.f32 v20, v36;
	v55 =	vmul.f32 v54, v16;
	_ =	sdelay $0x1  }
0x218: {  	v56 =	vsub.f32 v17, v37;
	v20 =	vadd.f32 v20, v55;
	_ =	sdelay $0x1  }
0x219: {  	v36 =	vmul.f32 $1.442695020e+00, v56;
	v57 =	vperm.xlane v20, v5;
	_ =	sdelay $0x1  }
0x21a: {  	(erf) = vpow2.f32 v36;
	v20 =	vadd.f32 v20, v57;
	_ =	sdelay $0x1  }
0x21b: {  	v58 =	vperm.xlane v20, v6;
	_ =	sdelay $0x1  }
0x21c: {  	v20 =	vadd.f32 v20, v58;
	_ =	sdelay $0x1  }
0x21d: {  	v36 =	vperm.xlane v20, v7  }
0x21e: {  	v32 =	vadd.f32 v32, v34  }
0x21f: {  	v20 =	vadd.f32 v20, v36  }
0x220: {  	v32 =	vadd.f32 v32, v32;
	v60 =	vunpack.i.l.bf16.f32 v31;
	v31 =	vunpack.i.u.bf16.f32 v31;
	v61 =	vpop (erf)  }
0x221: {  	v31 =	vmul.f32 v61, v31;
	v59 =	vperm.xlane v20, v3  }
0x222: {  	s26 =	sadd.s32 $0x120, s24;
	v32 =	vsub.f32 v17, v32;
	v36 =	vmul.f32 v61, v60  }
0x223: {  	[tilespmem:s26+$0x10] =	vst v31;
	v20 =	vadd.f32 v20, v59  }
0x224: {  	v31 =	vmul.f32 $1.442695020e+00, v32;
	[tilespmem:s26+$0x0] =	vst v36  }
0x225: {  	v62 =	vld [tilespmem:s21+$0x50];
	v20 =	vadd.f32 v20, v20  }
0x226: {  	(erf) = vpow2.f32 v31  }
0x227: {  	v20 =	vsub.f32 v17, v20;
	_ =	sdelay $0x1  }
0x228: {  	v20 =	vmul.f32 $1.442695020e+00, v20  }
0x229: {  	v31 =	vunpack.i.u.bf16.f32 v62  }
0x22a: {  	[tilespmem:s23+$0xFFFFFFD0] =	vst v26;
	v26 =	vmul.f32 v61, v31;
	(erf) = vpow2.f32 v20;
	v20 =	vunpack.i.l.bf16.f32 v62  }
0x22b: {  	v20 =	vmul.f32 v61, v20;
	_ =	sdelay $0x1  }
0x22c: {  	[tilespmem:s26+$0x20] =	vst v20;
	v20 =	vmul.f32 v27, v19  }
0x22d: {  	[tilespmem:s26+$0x30] =	vst v26;
	v26 =	vpop (erf)  }
0x22e: {  	v18 =	vmul.f32 v25, v18;
	[tilespmem:s8+$0xFFFFFFC0] =	vst v20;
	v20 =	vmul.f32 v26, v22  }
0x22f: {  	v31 =	vmul.f32 v33, v19;
	v25 =	vld [tilespmem:s21+$0x60]  }
0x230: {  	[tilespmem:s23+$0xFFFFFFE0] =	vst v18  }
0x231: {  	v18 =	vld [tilespmem:s25+$0xFFFFFFD0];
	[tilespmem:s8+$0xFFFFFFB0] =	vst v31;
	v21 =	vmul.f32 v26, v21  }
0x232: {  	v22 =	vmul.f32 v29, v24;
	[tilespmem:s24+$0xFFFFFF70] =	vst v20;
	v20 =	vpop (erf)  }
0x233: {  	[tilespmem:s24+$0xFFFFFF80] =	vst v21;
	v21 =	vmul.f32 v20, v35  }
0x234: {  	[tilespmem:s24+$0x60] =	vst v22;
	v27 =	vld [tilespmem:s4+$0xFFFFFFD0];
	v22 =	vunpack.i.l.bf16.f32 v25;
	v29 =	vmul.f32 v20, v30  }
0x235: {  	v25 =	vunpack.i.u.bf16.f32 v25;
	v22 =	vmul.f32 v22, v61;
	[tilespmem:s26+$0xFFFFFF70] =	vst v21  }
0x236: {  	v21 =	vmul.f32 v25, v61;
	v25 =	vunpack.i.u.bf16.f32 v18;
	[tilespmem:s26+$0xFFFFFF80] =	vst v29  }
0x237: {  	[tilespmem:s26+$0x40] =	vst v22;
	v18 =	vunpack.i.l.bf16.f32 v18;
	v22 =	vmul.f32 v28, v25;
	v25 =	vld [tilespmem:s21+$0xFFFFFFD0]  }
0x238: {  	v18 =	vmul.f32 v28, v18;
	[tilespmem:s26+$0x50] =	vst v21  }
0x239: {  	v21 =	vmul.f32 v8, v24;
	v24 =	vld [tilespmem:s21+$0x70];
	[tilespmem:s3+$0xFFFFFFA0] =	vst v22;
	v22 =	vunpack.i.u.bf16.f32 v27  }
0x23a: {  	v29 =	vld [tilespmem:s12+$0xFFFFFFF0];
	[tilespmem:s3+$0xFFFFFF90] =	vst v18;
	v18 =	vunpack.i.l.bf16.f32 v27;
	v22 =	vmul.f32 v26, v22  }
0x23b: {  	[tilespmem:s24+$0x80] =	vst v21;
	v21 =	vld [tilespmem:s25+$0xFFFFFFE0];
	v18 =	vmul.f32 v26, v18  }
0x23c: {  	[tilespmem:s24+$0xFFFFFFA0] =	vst v22;
	v22 =	vunpack.i.u.bf16.f32 v25  }
0x23d: {  	[tilespmem:s24+$0xFFFFFF90] =	vst v18;
	v18 =	vunpack.i.l.bf16.f32 v25;
	v22 =	vmul.f32 v20, v22  }
0x23e: {  	[tilespmem:s8+$0xFFFFFFF0] =	vst v23;
	v25 =	vld [tilespmem:s4+$0xFFFFFFE0];
	v18 =	vmul.f32 v20, v18;
	v23 =	vunpack.i.u.bf16.f32 v24  }
0x23f: {  	v27 =	vunpack.i.l.bf16.f32 v29;
	v23 =	vmul.f32 v23, v61;
	[tilespmem:s26+$0xFFFFFFA0] =	vst v22  }
0x240: {  	v22 =	vmul.f32 v27, v19;
	v27 =	vunpack.i.l.bf16.f32 v21;
	[tilespmem:s26+$0xFFFFFF90] =	vst v18  }
0x241: {  	v18 =	vunpack.i.u.bf16.f32 v21;
	v21 =	vmul.f32 v27, v28;
	[tilespmem:s26+$0x70] =	vst v23;
	v23 =	vld [tilespmem:s21+$0xFFFFFFE0]  }
0x242: {  	v27 =	vunpack.i.u.bf16.f32 v29;
	v18 =	vmul.f32 v18, v28;
	[tilespmem:s8+$0xFFFFFFD0] =	vst v22  }
0x243: {  	v19 =	vmul.f32 v27, v19;
	[tilespmem:s3+$0xFFFFFFB0] =	vst v21;
	v21 =	vunpack.i.l.bf16.f32 v25  }
0x244: {  	[tilespmem:s3+$0xFFFFFFC0] =	vst v18;
	v18 =	vunpack.i.u.bf16.f32 v25;
	v21 =	vmul.f32 v21, v26  }
0x245: {  	v22 =	vunpack.i.l.bf16.f32 v24;
	[tilespmem:s8+$0xFFFFFFE0] =	vst v19;
	v19 =	vld [tilespmem:s25+$0xFFFFFFF0];
	v18 =	vmul.f32 v18, v26  }
0x246: {  	v22 =	vmul.f32 v22, v61;
	[tilespmem:s24+$0xFFFFFFB0] =	vst v21;
	v21 =	vunpack.i.l.bf16.f32 v23  }
0x247: {  	[tilespmem:s24+$0xFFFFFFC0] =	vst v18;
	v18 =	vunpack.i.u.bf16.f32 v23;
	v21 =	vmul.f32 v21, v20  }
0x248: {  	[tilespmem:s26+$0x60] =	vst v22;
	v22 =	vld [tilespmem:s4+$0xFFFFFFF0];
	v18 =	vmul.f32 v18, v20  }
0x249: {  	v23 =	vmul.f32 v8, v61;
	[tilespmem:s26+$0xFFFFFFB0] =	vst v21  }
0x24a: {  	v24 =	vunpack.i.l.bf16.f32 v19;
	v21 =	vmul.f32 v8, v28;
	[tilespmem:s26+$0xFFFFFFC0] =	vst v18  }
0x24b: {  	[tilespmem:s26+$0x80] =	vst v23;
	v18 =	vunpack.i.u.bf16.f32 v19;
	v19 =	vmul.f32 v24, v28;
	v23 =	vld [tilespmem:s21+$0xFFFFFFF0]  }
0x24c: {  	v18 =	vmul.f32 v18, v28;
	[tilespmem:s3+$0xFFFFFFF0] =	vst v21  }
0x24d: {  	v21 =	vmul.f32 v8, v26;
	[tilespmem:s3+$0xFFFFFFD0] =	vst v19;
	v19 =	vunpack.i.l.bf16.f32 v22  }
0x24e: {  	[tilespmem:s3+$0xFFFFFFE0] =	vst v18;
	v18 =	vunpack.i.u.bf16.f32 v22;
	v19 =	vmul.f32 v19, v26  }
0x24f: {  	[tilespmem:s24+$0xFFFFFFF0] =	vst v21;
	v18 =	vmul.f32 v18, v26  }
0x250: {  	v21 =	vmul.f32 v8, v20;
	[tilespmem:s24+$0xFFFFFFD0] =	vst v19;
	v19 =	vunpack.i.l.bf16.f32 v23  }
0x251: {  	[tilespmem:s24+$0xFFFFFFE0] =	vst v18;
	v18 =	vunpack.i.u.bf16.f32 v23;
	v19 =	vmul.f32 v19, v20  }
0x252: {  	[tilespmem:s26+$0xFFFFFFF0] =	vst v21;
	v18 =	vmul.f32 v18, v20  }
0x253: {  	[tilespmem:s26+$0xFFFFFFD0] =	vst v19  }
0x254: {  	[tilespmem:s26+$0xFFFFFFE0] =	vst v18  }
0x255: {  	v18 =	vld [tilespmem:$0x80]  }
0x256: {  	v19 =	vld [tilespmem:$0x90];
	_ =	sdelay $0x3  }
0x257: {  	[tilespmem:$0xC0] =	vst v18  }
0x258: {  	s3 =	simm.s32 @!p0 $0x7;
	[tilespmem:$0xD0] =	vst v19  }
0x259: {  	[spmem:s2] =	stream.indirect.scatter.add.f32 [tilespmem:s16], [sflag:$0x5], $0x90, s0, s17, $0xb8;
	[tilespmem:$0x1BD80] =	vst v63  }
0x25a: {  	_ =	swait.ge @!p0 [sflag:s3], $0x20  }
0x25b: {  	[sflag:s3] =	ssyncset.done @!p0 $0x0  }
0x25c: {  	[sflag:s3] =	ssyncadd.s32 @!p0 $0xFFFFFFE0  }
0x25d: {  	v18 =	vld @!p0 [tilespmem:$0x0];
	_ =	sdelay $0x4  }
0x25e: {  	v19 =	vand.u32 @!p0 $0xFFFF, v18  }
0x25f: {  	[tilespmem:$0x40] =	vst @!p0 v19  }
0x260: {  	v19 =	vld @!p0 [tilespmem:$0x10];
	_ =	sdelay $0x3  }
0x261: {  	v18 =	vshrl.u32 @!p0 v18, $0x10  }
0x262: {  	[tilespmem:$0x80] =	vst @!p0 v18;
	v18 =	vand.u32 @!p0 $0xFFFF, v19  }
0x263: {  	[tilespmem:$0x50] =	vst @!p0 v18;
	v18 =	vshrl.u32 @!p0 v19, $0x10  }
0x264: {  	s8 =	simm.s32 @!p0 $0x100;
	s4 =	simm.s32 @!p0 $0x80;
	s3 =	simm.s32 @!p0 $0x20;
	[tilespmem:$0x90] =	vst @!p0 v18  }
0x265: {  	[tilespmem:s8], [sflag:$0x1] =	stream.indirect.gather @!p0 [hbm4b:s1+s3], $0x40, s4, s3, $0xb8;
	[tilespmem:$0x1BD80] =	vst v63  }
0x266: {  	s4 =	simm.s32 @!p0 $0x40;
	s8 =	simm.s32 @!p0 $0x1100  }
0x267: {  	[tilespmem:s8], [sflag:$0x3] =	stream.indirect.gather @!p0 [hbm4b:s5+s3], $0x80, s4, s3, $0xb8;
	[tilespmem:$0x1BD80] =	vst v63  }
0x268: {  	s4 =	sadd.s32 @!p0 s9, s11  }
0x269: {  	s4 =	sshrl.u32 @!p0 s4, $0x3  }
0x26a: {  	s8 =	simm.s32 @!p0 $0x0;
	s4 =	sadd.s32 @!p0 s7, s4  }
0x26b: {  	[tilespmem:s3], [sflag:$0x8] =	stream.linear.gather @!p0 [hbm4b:s4+s8], $0x20, $0x38;
	[tilespmem:$0x1BD80] =	vst v63  }
0x26c: {  	_ =	swait.ge [sflag:s14], $0x800  }
0x26d: {  	[sflag:s14] =	ssyncset.done $0x0  }
0x26e: {  	[sflag:s14] =	ssyncadd.s32 $0xFFFFF800  }
0x26f: {  	_ =	swait.ge [sflag:s18], $0x1000  }
0x270: {  	[sflag:s18] =	ssyncset.done $0x0  }
0x271: {  	s3 =	simm.s32 @!p1 $0x6;
	[sflag:s18] =	ssyncadd.s32 $0xFFFFF000  }
0x272: {  	_ =	swait.ge @!p1 [sflag:s3], $0x1200  }
0x273: {  	[sflag:s3] =	ssyncset.done @!p1 $0x0  }
0x274: {  	s23 =	simm.s32 $0x940;
	[sflag:s3] =	ssyncadd.s32 @!p1 $0xFFFFEE00  }
0x275: {  	s21 =	simm.s32 $0x2180;
	v18 =	vld [tilespmem:s23+$0x0]  }
0x276: {  	v19 =	vld [tilespmem:s21+$0x0];
	_ =	sdelay $0x1  }
0x277: {  	v21 =	vld [tilespmem:s21+$0x10]  }
0x278: {  	v20 =	vld [tilespmem:s23+$0x10];
	_ =	sdelay $0x1  }
0x279: {  	v23 =	vunpack.i.l.bf16.f32 v18;
	v24 =	vunpack.i.l.bf16.f32 v19  }
0x27a: {  	v25 =	vld [tilespmem:s21+$0x30];
	v18 =	vunpack.i.u.bf16.f32 v18;
	v19 =	vunpack.i.u.bf16.f32 v19;
	v23 =	vadd.f32 v24, v23  }
0x27b: {  	v26 =	vld [tilespmem:s21+$0x20];
	v27 =	vunpack.i.l.bf16.f32 v21;
	v18 =	vadd.f32 v19, v18  }
0x27c: {  	v19 =	vld [tilespmem:s23+$0x20];
	v24 =	vunpack.i.u.bf16.f32 v20;
	v20 =	vunpack.i.l.bf16.f32 v20;
	v23 =	vmul.f32 $1.442695020e+00, v23  }
0x27d: {  	v22 =	vld [tilespmem:s23+$0x30];
	v20 =	vadd.f32 v27, v20;
	v18 =	vmul.f32 $1.442695020e+00, v18  }
0x27e: {  	(erf) = vpow2.f32 v23  }
0x27f: {  	v21 =	vunpack.i.u.bf16.f32 v21;
	(erf) = vpow2.f32 v18;
	v18 =	vmul.f32 $1.442695020e+00, v20  }
0x280: {  	v28 =	vld [tilespmem:s23+$0xFFFFFFC0];
	v27 =	vunpack.i.u.bf16.f32 v25;
	v21 =	vadd.f32 v21, v24;
	v24 =	vunpack.i.l.bf16.f32 v26  }
0x281: {  	v20 =	vunpack.i.u.bf16.f32 v19;
	v19 =	vunpack.i.l.bf16.f32 v19;
	(erf) = vpow2.f32 v18;
	v18 =	vld [tilespmem:s21+$0xFFFFFF80]  }
0x282: {  	v21 =	vmul.f32 $1.442695020e+00, v21;
	v23 =	vunpack.i.u.bf16.f32 v22;
	v19 =	vadd.f32 v24, v19  }
0x283: {  	v22 =	vunpack.i.l.bf16.f32 v22;
	v23 =	vadd.f32 v27, v23;
	v24 =	vunpack.i.l.bf16.f32 v25  }
0x284: {  	v25 =	vunpack.i.u.bf16.f32 v26;
	v19 =	vmul.f32 $1.442695020e+00, v19;
	(erf) = vpow2.f32 v21  }
0x285: {  	v20 =	vadd.f32 v25, v20;
	v21 =	vadd.f32 v24, v22;
	v22 =	vmul.f32 $1.442695020e+00, v23  }
0x286: {  	(erf) = vpow2.f32 v19;
	v19 =	vunpack.i.l.bf16.f32 v28;
	v24 =	vunpack.i.l.bf16.f32 v18  }
0x287: {  	v20 =	vmul.f32 $1.442695020e+00, v20;
	(erf) = vpow2.f32 v22;
	v22 =	vld [tilespmem:s23+$0xFFFFFFD0];
	v19 =	vadd.f32 v24, v19  }
0x288: {  	v21 =	vmul.f32 $1.442695020e+00, v21;
	v23 =	vpop (erf)  }
0x289: {  	(erf) = vpow2.f32 v20;
	v20 =	vld [tilespmem:s21+$0xFFFFFF90];
	v23 =	vadd.f32 $1.000000000e+00, v23;
	v24 =	vpop (erf);
	v19 =	vmul.f32 $1.442695020e+00, v19  }
0x28a: {  	(erf) = vpow2.f32 v21;
	v21 =	vadd.f32 $1.000000000e+00, v24  }
0x28b: {  	v18 =	vunpack.i.u.bf16.f32 v18;
	(erf) = vrcp.f32 v23;
	v23 =	vunpack.i.u.bf16.f32 v28  }
0x28c: {  	v24 =	vpop (erf);
	v18 =	vadd.f32 v18, v23;
	v23 =	vunpack.i.l.bf16.f32 v22;
	(erf) = vrcp.f32 v21  }
0x28d: {  	v21 =	vadd.f32 $1.000000000e+00, v24;
	(erf) = vpow2.f32 v19;
	v19 =	vpop (erf)  }
0x28e: {  	v24 =	vunpack.i.l.bf16.f32 v20;
	v19 =	vadd.f32 $1.000000000e+00, v19  }
0x28f: {  	v18 =	vmul.f32 $1.442695020e+00, v18;
	(erf) = vrcp.f32 v21;
	v21 =	vadd.f32 v24, v23;
	v23 =	vpop (erf)  }
0x290: {  	v23 =	vadd.f32 $1.000000000e+00, v23;
	_ =	sdelay $0x1  }
0x291: {  	(erf) = vrcp.f32 v19;
	v21 =	vmul.f32 $1.442695020e+00, v21;
	v19 =	vpop (erf)  }
0x292: {  	(erf) = vpow2.f32 v18;
	v18 =	vpop (erf)  }
0x293: {  	(erf) = vrcp.f32 v23;
	v23 =	vpop (erf)  }
0x294: {  	v23 =	vadd.f32 $1.000000000e+00, v23  }
0x295: {  	v18 =	vadd.f32 $1.000000000e+00, v18;
	(erf) = vpow2.f32 v21;
	v21 =	vpop (erf)  }
0x296: {  	v21 =	vmul.f32 v21, v9  }
0x297: {  	(erf) = vrcp.f32 v18;
	v18 =	vadd.f32 $1.000000000e+00, v19;
	v19 =	vpop (erf)  }
0x298: {  	v19 =	vmul.f32 v19, v10;
	(erf) = vrcp.f32 v23;
	v21 =	vadd.f32 $0.0e+00, v21;
	v23 =	vpop (erf)  }
0x299: {  	v24 =	vpop (erf)  }
0x29a: {  	v19 =	vadd.f32 v21, v19;
	v21 =	vmul.f32 v24, v11;
	_ =	sdelay $0x1  }
0x29b: {  	(erf) = vrcp.f32 v18  }
0x29c: {  	v18 =	vpop (erf)  }
0x29d: {  	v18 =	vmul.f32 v18, v12;
	v19 =	vadd.f32 v21, v19;
	v21 =	vpop (erf)  }
0x29e: {  	v24 =	vpop (erf)  }
0x29f: {  	v18 =	vadd.f32 v19, v18;
	v19 =	vmul.f32 v24, v13;
	v24 =	vpop (erf)  }
0x2a0: {  	v26 =	vpop (erf)  }
0x2a1: {  	v27 =	vld [tilespmem:s21+$0xFFFFFFA0];
	v18 =	vadd.f32 v19, v18;
	v19 =	vmul.f32 v26, v14  }
0x2a2: {  	v25 =	vld [tilespmem:s23+$0xFFFFFFE0];
	v26 =	vpop (erf)  }
0x2a3: {  	v18 =	vadd.f32 v18, v19;
	v19 =	vmul.f32 v26, v15  }
0x2a4: {  	v22 =	vunpack.i.u.bf16.f32 v22;
	v26 =	vpop (erf)  }
0x2a5: {  	v28 =	vld [tilespmem:s23+$0xFFFFFFF0];
	v20 =	vunpack.i.u.bf16.f32 v20;
	v18 =	vadd.f32 v19, v18;
	v19 =	vmul.f32 v26, v16  }
0x2a6: {  	v20 =	vadd.f32 v20, v22;
	v26 =	vld [tilespmem:s21+$0xFFFFFFB0]  }
0x2a7: {  	v29 =	vunpack.i.l.bf16.f32 v27;
	v22 =	vunpack.i.l.bf16.f32 v25;
	v18 =	vadd.f32 v18, v19  }
0x2a8: {  	v22 =	vadd.f32 v29, v22;
	v19 =	vmul.f32 $1.442695020e+00, v20  }
0x2a9: {  	v20 =	vunpack.i.u.bf16.f32 v25;
	v25 =	vunpack.i.u.bf16.f32 v27;
	v27 =	vperm.xlane v18, v5  }
0x2aa: {  	v22 =	vmul.f32 $1.442695020e+00, v22;
	(erf) = vpow2.f32 v19;
	v19 =	vadd.f32 v25, v20  }
0x2ab: {  	v20 =	vunpack.i.l.bf16.f32 v28;
	v25 =	vunpack.i.l.bf16.f32 v26;
	v18 =	vadd.f32 v18, v27  }
0x2ac: {  	(erf) = vpow2.f32 v22;
	v19 =	vmul.f32 $1.442695020e+00, v19;
	v20 =	vadd.f32 v25, v20  }
0x2ad: {  	v22 =	vadd.f32 $1.000000000e+00, v23;
	v25 =	vunpack.i.u.bf16.f32 v26;
	v26 =	vperm.xlane v18, v6  }
0x2ae: {  	v23 =	vunpack.i.u.bf16.f32 v28;
	v20 =	vmul.f32 $1.442695020e+00, v20;
	(erf) = vpow2.f32 v19  }
0x2af: {  	v19 =	vadd.f32 v25, v23;
	(erf) = vrcp.f32 v22  }
0x2b0: {  	v21 =	vadd.f32 $1.000000000e+00, v21;
	v18 =	vadd.f32 v18, v26;
	(erf) = vpow2.f32 v20  }
0x2b1: {  	v19 =	vmul.f32 $1.442695020e+00, v19  }
0x2b2: {  	(erf) = vrcp.f32 v21;
	v20 =	vperm.xlane v18, v7  }
0x2b3: {  	(erf) = vpow2.f32 v19  }
0x2b4: {  	v18 =	vadd.f32 v18, v20  }
0x2b5: {  	v21 =	vadd.f32 $1.000000000e+00, v24;
	v19 =	vpop (erf)  }
0x2b6: {  	s9 =	simm.s32 $0x2280;
	v22 =	vpop (erf);
	v19 =	vadd.f32 $1.000000000e+00, v19;
	v20 =	vperm.xlane v18, v3  }
0x2b7: {  	s24 =	simm.s32 $0x9C0;
	v25 =	vld [tilespmem:s9+$0x0];
	(erf) = vrcp.f32 v21;
	v24 =	vadd.f32 $1.000000000e+00, v22;
	v23 =	vpop (erf)  }
0x2b8: {  	(erf) = vrcp.f32 v19;
	v18 =	vadd.f32 v18, v20;
	v20 =	vld [tilespmem:s24+$0x0];
	v22 =	vpop (erf);
	v19 =	vadd.f32 $1.000000000e+00, v23  }
0x2b9: {  	v21 =	vpop (erf)  }
0x2ba: {  	(erf) = vrcp.f32 v24;
	v18 =	vadd.f32 v18, v18;
	v23 =	vadd.f32 $1.000000000e+00, v21  }
0x2bb: {  	v24 =	vld [tilespmem:s24+$0x10];
	v21 =	vpop (erf);
	(erf) = vrcp.f32 v19  }
0x2bc: {  	v19 =	vpop (erf);
	v18 =	vsub.f32 v17, v18;
	(erf) = vrcp.f32 v23;
	v23 =	vld [tilespmem:s9+$0x10]  }
0x2bd: {  	v28 =	vunpack.i.l.bf16.f32 v25;
	v19 =	vadd.f32 $1.000000000e+00, v19;
	v27 =	vunpack.i.l.bf16.f32 v20  }
0x2be: {  	v29 =	vld [tilespmem:s9+$0x30];
	v18 =	vmul.f32 $1.442695020e+00, v18;
	v27 =	vadd.f32 v28, v27  }
0x2bf: {  	v26 =	vld [tilespmem:s24+$0x30];
	v25 =	vunpack.i.u.bf16.f32 v25;
	v20 =	vunpack.i.u.bf16.f32 v20;
	(erf) = vrcp.f32 v19  }
0x2c0: {  	v19 =	vadd.f32 v25, v20;
	(erf) = vpow2.f32 v18;
	v18 =	vmul.f32 $1.442695020e+00, v27;
	v27 =	vld [tilespmem:s9+$0x20]  }
0x2c1: {  	v20 =	vld [tilespmem:s24+$0x20];
	v25 =	vunpack.i.u.bf16.f32 v24;
	v24 =	vunpack.i.l.bf16.f32 v24;
	v28 =	vunpack.i.l.bf16.f32 v23  }
0x2c2: {  	v24 =	vadd.f32 v28, v24  }
0x2c3: {  	v19 =	vmul.f32 $1.442695020e+00, v19;
	v23 =	vunpack.i.u.bf16.f32 v23  }
0x2c4: {  	(erf) = vpow2.f32 v18;
	v18 =	vunpack.i.u.bf16.f32 v26;
	v23 =	vadd.f32 v23, v25  }
0x2c5: {  	v37 =	vld [tilespmem:s9+$0xFFFFFF80];
	v25 =	vpop (erf);
	(erf) = vpow2.f32 v19;
	v19 =	vmul.f32 $1.442695020e+00, v24;
	v31 =	vunpack.i.l.bf16.f32 v27  }
0x2c6: {  	v36 =	vld [tilespmem:s24+$0xFFFFFFC0];
	v28 =	vunpack.i.u.bf16.f32 v29;
	v30 =	vunpack.i.u.bf16.f32 v20;
	v20 =	vunpack.i.l.bf16.f32 v20;
	v24 =	vpop (erf)  }
0x2c7: {  	v26 =	vunpack.i.l.bf16.f32 v26;
	v23 =	vmul.f32 $1.442695020e+00, v23;
	v20 =	vadd.f32 v31, v20;
	v63 =	vpop (erf)  }
0x2c8: {  	v29 =	vunpack.i.l.bf16.f32 v29;
	v18 =	vadd.f32 v28, v18;
	(erf) = vpow2.f32 v19;
	v31 =	vpop (erf)  }
0x2c9: {  	v27 =	vunpack.i.u.bf16.f32 v27;
	v28 =	vmul.f32 $1.442695020e+00, v20;
	v19 =	vpop (erf);
	(erf) = vpow2.f32 v23  }
0x2ca: {  	v38 =	vunpack.i.l.bf16.f32 v37;
	v26 =	vadd.f32 v29, v26;
	v27 =	vadd.f32 v27, v30  }
0x2cb: {  	v29 =	vmul.f32 $1.442695020e+00, v18;
	v20 =	vpop (erf);
	(erf) = vpow2.f32 v28;
	v28 =	vunpack.i.l.bf16.f32 v36  }
0x2cc: {  	v27 =	vmul.f32 $1.442695020e+00, v27;
	v18 =	vpop (erf);
	v28 =	vadd.f32 v38, v28  }
0x2cd: {  	v26 =	vmul.f32 $1.442695020e+00, v26;
	(erf) = vpow2.f32 v29;
	v30 =	vpop (erf)  }
0x2ce: {  	v23 =	vld [tilespmem:s21+$0x40];
	(erf) = vpow2.f32 v27;
	v30 =	vadd.f32 $1.000000000e+00, v30;
	v39 =	vpop (erf);
	v28 =	vmul.f32 $1.442695020e+00, v28  }
0x2cf: {  	(erf) = vpow2.f32 v26;
	v35 =	vadd.f32 $1.000000000e+00, v39  }
0x2d0: {  	(erf) = vrcp.f32 v30  }
0x2d1: {  	v34 =	vunpack.i.u.bf16.f32 v37;
	v29 =	vld [tilespmem:s24+$0xFFFFFFD0];
	v30 =	vunpack.i.u.bf16.f32 v36;
	v40 =	vpop (erf);
	(erf) = vrcp.f32 v35  }
0x2d2: {  	v27 =	vld [tilespmem:s9+$0xFFFFFF90];
	v30 =	vadd.f32 v34, v30;
	(erf) = vpow2.f32 v28;
	v28 =	vpop (erf)  }
0x2d3: {  	v26 =	vunpack.i.u.bf16.f32 v23;
	v28 =	vadd.f32 $1.000000000e+00, v28  }
0x2d4: {  	v23 =	vunpack.i.l.bf16.f32 v23;
	v33 =	vadd.f32 $1.000000000e+00, v40;
	v30 =	vmul.f32 $1.442695020e+00, v30  }
0x2d5: {  	v23 =	vmul.f32 v18, v23  }
0x2d6: {  	v26 =	vmul.f32 v18, v26;
	(erf) = vrcp.f32 v33;
	v44 =	vpop (erf)  }
0x2d7: {  	v41 =	vunpack.i.l.bf16.f32 v29;
	v42 =	vunpack.i.l.bf16.f32 v27;
	(erf) = vrcp.f32 v28;
	v28 =	vpop (erf)  }
0x2d8: {  	s12 =	simm.s32 $0x4390;
	v43 =	vadd.f32 v42, v41;
	(erf) = vpow2.f32 v30;
	v30 =	vpop (erf)  }
0x2d9: {  	[tilespmem:s12+$0x0] =	vst v23;
	v34 =	vadd.f32 $1.000000000e+00, v44;
	v23 =	vadd.f32 $1.000000000e+00, v30;
	v30 =	vpop (erf)  }
0x2da: {  	v33 =	vmul.f32 $1.442695020e+00, v43;
	v30 =	vadd.f32 $1.000000000e+00, v30  }
0x2db: {  	[tilespmem:s12+$0x10] =	vst v26;
	(erf) = vrcp.f32 v34;
	v26 =	vpop (erf)  }
0x2dc: {  	(erf) = vpow2.f32 v33;
	v26 =	vmul.f32 v26, v9  }
0x2dd: {  	(erf) = vrcp.f32 v23;
	v23 =	vadd.f32 $1.000000000e+00, v28;
	v28 =	vpop (erf)  }
0x2de: {  	v45 =	vld [tilespmem:s21+$0x50];
	v28 =	vmul.f32 v28, v10;
	(erf) = vrcp.f32 v30;
	v26 =	vadd.f32 $0.0e+00, v26;
	v30 =	vpop (erf)  }
0x2df: {  	v22 =	vmul.f32 v22, v9;
	v46 =	vpop (erf)  }
0x2e0: {  	v50 =	vld [tilespmem:s24+$0xFFFFFFE0];
	v26 =	vadd.f32 v26, v28;
	v28 =	vmul.f32 v46, v11  }
0x2e1: {  	v22 =	vadd.f32 $0.0e+00, v22;
	v21 =	vmul.f32 v21, v10;
	v47 =	vpop (erf)  }
0x2e2: {  	(erf) = vrcp.f32 v23;
	v26 =	vadd.f32 v28, v26;
	v28 =	vmul.f32 v47, v12  }
0x2e3: {  	v23 =	vunpack.i.l.bf16.f32 v45  }
0x2e4: {  	v21 =	vadd.f32 v22, v21;
	v22 =	vmul.f32 v25, v11;
	v25 =	vld [tilespmem:s9+$0xFFFFFFA0];
	v23 =	vmul.f32 v18, v23;
	v48 =	vpop (erf)  }
0x2e5: {  	v54 =	vunpack.i.l.bf16.f32 v50;
	v49 =	vpop (erf)  }
0x2e6: {  	v57 =	vunpack.i.u.bf16.f32 v50;
	[tilespmem:s12+$0x20] =	vst v23;
	v23 =	vadd.f32 v26, v28;
	v26 =	vmul.f32 v49, v13;
	v28 =	vpop (erf)  }
0x2e7: {  	v21 =	vadd.f32 v22, v21;
	v24 =	vmul.f32 v24, v12;
	v22 =	vmul.f32 v63, v13;
	v51 =	vpop (erf)  }
0x2e8: {  	v29 =	vunpack.i.u.bf16.f32 v29;
	v23 =	vadd.f32 v26, v23;
	v26 =	vmul.f32 v51, v14  }
0x2e9: {  	v55 =	vunpack.i.l.bf16.f32 v25;
	v25 =	vunpack.i.u.bf16.f32 v25;
	v27 =	vunpack.i.u.bf16.f32 v27;
	v53 =	vpop (erf)  }
0x2ea: {  	v33 =	vunpack.i.u.bf16.f32 v45;
	v23 =	vadd.f32 v23, v26;
	v26 =	vmul.f32 v53, v15  }
0x2eb: {  	v21 =	vadd.f32 v21, v24;
	v27 =	vadd.f32 v27, v29;
	v33 =	vmul.f32 v18, v33;
	v29 =	vpop (erf)  }
0x2ec: {  	v24 =	vmul.f32 v31, v14;
	v31 =	vld [tilespmem:s24+$0xFFFFFFF0];
	v23 =	vadd.f32 v26, v23;
	v26 =	vmul.f32 v29, v16  }
0x2ed: {  	v32 =	vadd.f32 v55, v54;
	v25 =	vadd.f32 v25, v57;
	v19 =	vmul.f32 v19, v15;
	[tilespmem:s12+$0x30] =	vst v33;
	v29 =	vld [tilespmem:s9+$0xFFFFFFB0]  }
0x2ee: {  	v21 =	vadd.f32 v22, v21;
	v27 =	vmul.f32 $1.442695020e+00, v27;
	v52 =	vld [tilespmem:s21+$0x60];
	v23 =	vadd.f32 v23, v26  }
0x2ef: {  	v32 =	vmul.f32 $1.442695020e+00, v32;
	v25 =	vmul.f32 $1.442695020e+00, v25  }
0x2f0: {  	v24 =	vadd.f32 v21, v24;
	(erf) = vpow2.f32 v27;
	v58 =	vperm.xlane v23, v5  }
0x2f1: {  	v30 =	vadd.f32 $1.000000000e+00, v30;
	v27 =	vunpack.i.l.bf16.f32 v31;
	(erf) = vpow2.f32 v32  }
0x2f2: {  	(erf) = vpow2.f32 v25;
	v59 =	vunpack.i.l.bf16.f32 v29;
	v23 =	vadd.f32 v23, v58  }
0x2f3: {  	(erf) = vrcp.f32 v30;
	v56 =	vunpack.i.l.bf16.f32 v52;
	v27 =	vadd.f32 v59, v27  }
0x2f4: {  	v35 =	vunpack.i.u.bf16.f32 v52;
	v26 =	vmul.f32 v56, v18;
	v60 =	vperm.xlane v23, v6  }
0x2f5: {  	v31 =	vunpack.i.u.bf16.f32 v31;
	v35 =	vmul.f32 v35, v18;
	v27 =	vmul.f32 $1.442695020e+00, v27  }
0x2f6: {  	s23 =	simm.s32 $0x2380;
	v39 =	vld [tilespmem:s9+$0x40];
	[tilespmem:s12+$0x40] =	vst v26;
	v26 =	vadd.f32 $1.000000000e+00, v48;
	v29 =	vunpack.i.u.bf16.f32 v29;
	v23 =	vadd.f32 v23, v60  }
0x2f7: {  	v20 =	vmul.f32 v20, v16;
	v44 =	vld [tilespmem:s23+$0xFFFFFF80];
	v25 =	vadd.f32 v29, v31;
	(erf) = vpow2.f32 v27  }
0x2f8: {  	v19 =	vadd.f32 v19, v24;
	[tilespmem:s12+$0x50] =	vst v35;
	v29 =	vld [tilespmem:s21+$0xFFFFFFC0];
	(erf) = vrcp.f32 v26;
	v26 =	vperm.xlane v23, v7  }
0x2f9: {  	s25 =	simm.s32 $0xA40;
	v22 =	vmul.f32 $1.442695020e+00, v25;
	v25 =	vld [tilespmem:s21+$0x70]  }
0x2fa: {  	v19 =	vadd.f32 v19, v20;
	v46 =	vld [tilespmem:s25+$0x10];
	v23 =	vadd.f32 v23, v26  }
0x2fb: {  	v55 =	vunpack.i.u.bf16.f32 v39;
	v57 =	vunpack.i.l.bf16.f32 v39;
	v49 =	vld [tilespmem:s23+$0x30];
	(erf) = vpow2.f32 v22  }
0x2fc: {  	v45 =	vunpack.i.l.bf16.f32 v44;
	v27 =	vadd.f32 $1.000000000e+00, v28;
	v26 =	vpop (erf);
	v28 =	vperm.xlane v23, v3  }
0x2fd: {  	v44 =	vunpack.i.u.bf16.f32 v44;
	v51 =	vld [tilespmem:s23+$0x20];
	v21 =	vunpack.i.u.bf16.f32 v29;
	v26 =	vadd.f32 $1.000000000e+00, v26  }
0x2fe: {  	v22 =	vunpack.i.l.bf16.f32 v29;
	v29 =	vunpack.i.u.bf16.f32 v25;
	v30 =	vpop (erf);
	v23 =	vadd.f32 v23, v28;
	v28 =	vld [tilespmem:s25+$0x0]  }
0x2ff: {  	v33 =	vunpack.i.l.bf16.f32 v46;
	v20 =	vmul.f32 v29, v18;
	v29 =	vadd.f32 $1.000000000e+00, v30;
	v30 =	vld [tilespmem:s23+$0x0]  }
0x300: {  	v53 =	vunpack.i.u.bf16.f32 v49;
	v31 =	vperm.xlane v19, v5;
	(erf) = vrcp.f32 v27;
	v27 =	vpop (erf)  }
0x301: {  	(erf) = vrcp.f32 v26;
	v27 =	vadd.f32 $1.000000000e+00, v27;
	v62 =	vadd.f32 v23, v23;
	v26 =	vpop (erf)  }
0x302: {  	v41 =	vunpack.i.l.bf16.f32 v51;
	v31 =	vadd.f32 v19, v31;
	(erf) = vrcp.f32 v29;
	v61 =	vpop (erf)  }
0x303: {  	(erf) = vrcp.f32 v27;
	v27 =	vsub.f32 v17, v62;
	v34 =	vmul.f32 v26, v9;
	v63 =	vpop (erf)  }
0x304: {  	v26 =	vld [tilespmem:s23+$0x10];
	v29 =	vadd.f32 $1.000000000e+00, v61;
	v47 =	vunpack.i.l.bf16.f32 v28;
	v48 =	vunpack.i.l.bf16.f32 v30;
	v19 =	vpop (erf)  }
0x305: {  	v28 =	vunpack.i.u.bf16.f32 v28;
	v30 =	vunpack.i.u.bf16.f32 v30;
	v19 =	vadd.f32 $1.000000000e+00, v19  }
0x306: {  	v27 =	vmul.f32 $1.442695020e+00, v27;
	v35 =	vadd.f32 v48, v47;
	(erf) = vrcp.f32 v29  }
0x307: {  	v50 =	vperm.xlane v31, v6;
	(erf) = vrcp.f32 v19;
	v19 =	vadd.f32 v30, v28;
	v28 =	vld [tilespmem:s25+$0x20]  }
0x308: {  	v29 =	vld [tilespmem:s25+$0x30];
	v30 =	vunpack.i.u.bf16.f32 v46;
	(erf) = vpow2.f32 v27;
	v27 =	vmul.f32 $1.442695020e+00, v35  }
0x309: {  	v25 =	vunpack.i.l.bf16.f32 v25;
	v52 =	vunpack.i.l.bf16.f32 v26;
	v19 =	vmul.f32 $1.442695020e+00, v19  }
0x30a: {  	v26 =	vunpack.i.u.bf16.f32 v26;
	v33 =	vadd.f32 v52, v33;
	(erf) = vpow2.f32 v27  }
0x30b: {  	v25 =	vmul.f32 v25, v18;
	v26 =	vadd.f32 v26, v30;
	v30 =	vpop (erf);
	(erf) = vpow2.f32 v19  }
0x30c: {  	v43 =	vld [tilespmem:s25+$0xFFFFFFC0];
	v19 =	vmul.f32 $1.442695020e+00, v33;
	v54 =	vpop (erf);
	v40 =	vunpack.i.u.bf16.f32 v28;
	v28 =	vunpack.i.l.bf16.f32 v28  }
0x30d: {  	v27 =	vunpack.i.u.bf16.f32 v29;
	v26 =	vmul.f32 $1.442695020e+00, v26;
	v42 =	vpop (erf);
	v28 =	vadd.f32 v41, v28  }
0x30e: {  	v35 =	vunpack.i.u.bf16.f32 v51;
	v27 =	vadd.f32 v53, v27;
	(erf) = vpow2.f32 v19;
	v41 =	vpop (erf)  }
0x30f: {  	v19 =	vunpack.i.l.bf16.f32 v49;
	v37 =	vpop (erf);
	(erf) = vpow2.f32 v26;
	v28 =	vmul.f32 $1.442695020e+00, v28  }
0x310: {  	v29 =	vunpack.i.l.bf16.f32 v29;
	v35 =	vadd.f32 v35, v40;
	v27 =	vmul.f32 $1.442695020e+00, v27  }
0x311: {  	v29 =	vadd.f32 v19, v29;
	v26 =	vpop (erf);
	(erf) = vpow2.f32 v28;
	v28 =	vunpack.i.l.bf16.f32 v43  }
0x312: {  	v32 =	vmul.f32 v63, v10;
	v35 =	vmul.f32 $1.442695020e+00, v35;
	v19 =	vpop (erf);
	v28 =	vadd.f32 v45, v28  }
0x313: {  	v39 =	vld [tilespmem:s23+$0xFFFFFF90];
	v31 =	vadd.f32 v31, v50;
	v29 =	vmul.f32 $1.442695020e+00, v29;
	(erf) = vpow2.f32 v27;
	v56 =	vpop (erf)  }
0x314: {  	v27 =	vld [tilespmem:s25+$0xFFFFFFD0];
	(erf) = vpow2.f32 v35;
	v40 =	vadd.f32 $1.000000000e+00, v56;
	v58 =	vpop (erf);
	v28 =	vmul.f32 $1.442695020e+00, v28  }
0x315: {  	v48 =	vperm.xlane v31, v7;
	(erf) = vpow2.f32 v29;
	v59 =	vadd.f32 $1.000000000e+00, v58  }
0x316: {  	v24 =	vld [tilespmem:s9+$0xFFFFFFC0];
	v34 =	vadd.f32 $0.0e+00, v34;
	v29 =	vmul.f32 v19, v57;
	(erf) = vrcp.f32 v40  }
0x317: {  	s8 =	simm.s32 $0x44B0;
	v60 =	vunpack.i.u.bf16.f32 v43;
	v38 =	vmul.f32 v19, v55;
	v61 =	vpop (erf);
	(erf) = vrcp.f32 v59  }
0x318: {  	v32 =	vadd.f32 v34, v32;
	[tilespmem:s8+$0x0] =	vst v29;
	v29 =	vunpack.i.l.bf16.f32 v39;
	(erf) = vpow2.f32 v28;
	v28 =	vpop (erf)  }
0x319: {  	[tilespmem:s8+$0x10] =	vst v38;
	v62 =	vadd.f32 $1.000000000e+00, v61;
	v63 =	vunpack.i.l.bf16.f32 v27;
	v28 =	vadd.f32 $1.000000000e+00, v28  }
0x31a: {  	v30 =	vmul.f32 v30, v11;
	v40 =	vadd.f32 v44, v60;
	v38 =	vld [tilespmem:s9+$0x50];
	v29 =	vadd.f32 v29, v63  }
0x31b: {  	v23 =	vunpack.i.u.bf16.f32 v24;
	v33 =	vmul.f32 v54, v12;
	(erf) = vrcp.f32 v62  }
0x31c: {  	v30 =	vadd.f32 v30, v32;
	v45 =	vmul.f32 $1.442695020e+00, v40;
	v46 =	vpop (erf);
	v29 =	vmul.f32 $1.442695020e+00, v29  }
0x31d: {  	v31 =	vadd.f32 v31, v48;
	v36 =	vadd.f32 $1.000000000e+00, v46;
	(erf) = vrcp.f32 v28;
	v28 =	vpop (erf)  }
0x31e: {  	v30 =	vadd.f32 v30, v33;
	v39 =	vunpack.i.u.bf16.f32 v39;
	(erf) = vpow2.f32 v45;
	v47 =	vpop (erf)  }
0x31f: {  	v51 =	vunpack.i.l.bf16.f32 v38;
	(erf) = vrcp.f32 v36;
	v35 =	vadd.f32 $1.000000000e+00, v47;
	v49 =	vpop (erf)  }
0x320: {  	v53 =	vunpack.i.u.bf16.f32 v38;
	v32 =	vmul.f32 v19, v51;
	(erf) = vpow2.f32 v29;
	v29 =	vpop (erf)  }
0x321: {  	v50 =	vadd.f32 $1.000000000e+00, v49;
	v29 =	vmul.f32 v29, v9;
	(erf) = vrcp.f32 v35  }
0x322: {  	v27 =	vunpack.i.u.bf16.f32 v27;
	v56 =	vmul.f32 v19, v53;
	v28 =	vadd.f32 $1.000000000e+00, v28;
	v52 =	vpop (erf)  }
0x323: {  	v59 =	vld [tilespmem:s25+$0xFFFFFFE0];
	[tilespmem:s8+$0x20] =	vst v32;
	v35 =	vmul.f32 v52, v10;
	(erf) = vrcp.f32 v50;
	v34 =	vpop (erf);
	v29 =	vadd.f32 $0.0e+00, v29  }
0x324: {  	v26 =	vmul.f32 v26, v16;
	v58 =	vperm.xlane v31, v3;
	v27 =	vadd.f32 v39, v27;
	[tilespmem:s8+$0x30] =	vst v56;
	v54 =	vpop (erf)  }
0x325: {  	v63 =	vld [tilespmem:s9+$0x60];
	(erf) = vrcp.f32 v28;
	v55 =	vmul.f32 v54, v11;
	v29 =	vadd.f32 v29, v35  }
0x326: {  	v61 =	vmul.f32 v41, v14;
	v31 =	vadd.f32 v31, v58;
	v27 =	vmul.f32 $1.442695020e+00, v27;
	v57 =	vpop (erf)  }
0x327: {  	v28 =	vmul.f32 v42, v13;
	v60 =	vmul.f32 v57, v12;
	v35 =	vpop (erf);
	v29 =	vadd.f32 v55, v29  }
0x328: {  	v47 =	vmul.f32 v37, v15;
	v50 =	vunpack.i.l.bf16.f32 v59;
	v52 =	vld [tilespmem:s25+$0xFFFFFFF0];
	v34 =	vadd.f32 $1.000000000e+00, v34;
	v62 =	vpop (erf)  }
0x329: {  	v28 =	vadd.f32 v28, v30;
	v30 =	vld [tilespmem:s23+$0xFFFFFFA0];
	v45 =	vmul.f32 v62, v13;
	v46 =	vpop (erf);
	v29 =	vadd.f32 v29, v60  }
0x32a: {  	(erf) = vpow2.f32 v27;
	v27 =	vunpack.i.u.bf16.f32 v59;
	v56 =	vunpack.i.l.bf16.f32 v63;
	v48 =	vpop (erf)  }
0x32b: {  	v38 =	vunpack.i.u.bf16.f32 v63;
	v29 =	vadd.f32 v45, v29;
	v49 =	vmul.f32 v48, v14  }
0x32c: {  	v43 =	vmul.f32 v56, v19;
	v59 =	vmul.f32 v38, v19;
	v28 =	vadd.f32 v28, v61;
	v55 =	vld [tilespmem:s23+$0xFFFFFFB0];
	v51 =	vpop (erf)  }
0x32d: {  	v35 =	vadd.f32 $1.000000000e+00, v35;
	v54 =	vmul.f32 v51, v15;
	v29 =	vadd.f32 v29, v49  }
0x32e: {  	v62 =	vunpack.i.u.bf16.f32 v52;
	v53 =	vunpack.i.l.bf16.f32 v30;
	v30 =	vunpack.i.u.bf16.f32 v30;
	v57 =	vpop (erf)  }
0x32f: {  	v37 =	vadd.f32 v53, v50;
	v58 =	vmul.f32 v57, v16;
	v29 =	vadd.f32 v54, v29  }
0x330: {  	v28 =	vadd.f32 v47, v28;
	v27 =	vadd.f32 v30, v27;
	v30 =	vunpack.i.l.bf16.f32 v52  }
0x331: {  	v60 =	vunpack.i.l.bf16.f32 v55;
	v37 =	vmul.f32 $1.442695020e+00, v37;
	v29 =	vadd.f32 v29, v58  }
0x332: {  	v40 =	vadd.f32 v28, v26;
	v27 =	vmul.f32 $1.442695020e+00, v27;
	v30 =	vadd.f32 v60, v30  }
0x333: {  	s4 =	simm.s32 $0x2480;
	v39 =	vunpack.i.u.bf16.f32 v55;
	(erf) = vpow2.f32 v37;
	v61 =	vperm.xlane v29, v5  }
0x334: {  	s26 =	simm.s32 $0xAC0;
	v51 =	vld [tilespmem:s4+$0x0];
	v30 =	vmul.f32 $1.442695020e+00, v30;
	(erf) = vpow2.f32 v27;
	v27 =	vadd.f32 v39, v62  }
0x335: {  	v28 =	vmul.f32 v8, v18;
	v49 =	vld [tilespmem:s26+$0x0];
	(erf) = vrcp.f32 v34;
	v29 =	vadd.f32 v29, v61  }
0x336: {  	v24 =	vunpack.i.l.bf16.f32 v24;
	v56 =	vld [tilespmem:s26+$0x20];
	(erf) = vpow2.f32 v30;
	v27 =	vmul.f32 $1.442695020e+00, v27  }
0x337: {  	[tilespmem:s8+$0x40] =	vst v43;
	v33 =	vadd.f32 $1.000000000e+00, v46;
	v54 =	vld [tilespmem:s26+$0x30];
	v37 =	vpop (erf);
	(erf) = vrcp.f32 v35;
	v63 =	vperm.xlane v29, v6  }
0x338: {  	[tilespmem:s8+$0x50] =	vst v59;
	v41 =	vperm.xlane v40, v5;
	v32 =	vadd.f32 $1.000000000e+00, v37;
	(erf) = vpow2.f32 v27  }
0x339: {  	v36 =	vunpack.i.u.bf16.f32 v51;
	v30 =	vld [tilespmem:s9+$0x70];
	(erf) = vrcp.f32 v33;
	v29 =	vadd.f32 v29, v63  }
0x33a: {  	v53 =	vld [tilespmem:s23+$0x40];
	v37 =	vunpack.i.u.bf16.f32 v49;
	(erf) = vrcp.f32 v32;
	v32 =	vadd.f32 v40, v41  }
0x33b: {  	v55 =	vadd.f32 v36, v37;
	v27 =	vadd.f32 v31, v31;
	v31 =	vld [tilespmem:s23+$0xFFFFFFC0];
	v39 =	vperm.xlane v29, v7  }
0x33c: {  	v36 =	vunpack.i.l.bf16.f32 v56;
	v57 =	vunpack.i.u.bf16.f32 v54;
	v47 =	vperm.xlane v32, v6  }
0x33d: {  	v61 =	vunpack.i.l.bf16.f32 v51;
	v26 =	vsub.f32 v17, v27;
	v18 =	vadd.f32 v29, v39  }
0x33e: {  	v62 =	vld [tilespmem:s4+$0x30];
	v41 =	vunpack.i.l.bf16.f32 v54;
	v27 =	vunpack.i.u.bf16.f32 v30;
	v38 =	vpop (erf);
	v32 =	vadd.f32 v32, v47  }
0x33f: {  	v42 =	vmul.f32 $1.442695020e+00, v26;
	v34 =	vadd.f32 $1.000000000e+00, v38;
	v33 =	vperm.xlane v18, v3  }
0x340: {  	v26 =	vunpack.i.u.bf16.f32 v31;
	v63 =	vunpack.i.u.bf16.f32 v53;
	v40 =	vperm.xlane v32, v7  }
0x341: {  	v60 =	vld [tilespmem:s26+$0x10];
	(erf) = vrcp.f32 v34;
	v29 =	vmul.f32 v27, v19;
	v27 =	vpop (erf);
	v18 =	vadd.f32 v18, v33  }
0x342: {  	(erf) = vpow2.f32 v42;
	v43 =	vpop (erf);
	v27 =	vadd.f32 $1.000000000e+00, v27;
	v32 =	vadd.f32 v32, v40  }
0x343: {  	v35 =	vmul.f32 v43, v9;
	v44 =	vpop (erf);
	v43 =	vunpack.i.l.bf16.f32 v62;
	v18 =	vadd.f32 v18, v18  }
0x344: {  	v45 =	vadd.f32 $1.000000000e+00, v44;
	v46 =	vpop (erf);
	(erf) = vrcp.f32 v27;
	v41 =	vadd.f32 v43, v41  }
0x345: {  	v47 =	vld [tilespmem:s4+$0x20];
	v27 =	vadd.f32 $0.0e+00, v35;
	v48 =	vpop (erf);
	v34 =	vmul.f32 v46, v10;
	v18 =	vsub.f32 v17, v18  }
0x346: {  	v46 =	vunpack.i.u.bf16.f32 v60;
	(erf) = vrcp.f32 v45;
	v35 =	vadd.f32 $1.000000000e+00, v48  }
0x347: {  	v41 =	vmul.f32 $1.442695020e+00, v41;
	v34 =	vadd.f32 v27, v34;
	v18 =	vmul.f32 $1.442695020e+00, v18  }
0x348: {  	v50 =	vpop (erf);
	v27 =	vunpack.i.l.bf16.f32 v31;
	v31 =	vunpack.i.l.bf16.f32 v30;
	v30 =	vld [tilespmem:s4+$0x10];
	(erf) = vrcp.f32 v35  }
0x349: {  	v33 =	vmul.f32 v50, v11;
	v52 =	vpop (erf);
	(erf) = vpow2.f32 v18;
	v18 =	vunpack.i.l.bf16.f32 v49  }
0x34a: {  	v50 =	vunpack.i.l.bf16.f32 v47;
	v47 =	vunpack.i.u.bf16.f32 v47;
	v18 =	vadd.f32 v61, v18  }
0x34b: {  	v38 =	vmul.f32 v52, v12;
	v59 =	vpop (erf);
	v35 =	vunpack.i.l.bf16.f32 v60;
	v36 =	vadd.f32 v50, v36  }
0x34c: {  	v34 =	vadd.f32 v33, v34;
	v42 =	vmul.f32 v59, v13;
	v58 =	vmul.f32 $1.442695020e+00, v18  }
0x34d: {  	v33 =	vmul.f32 $1.442695020e+00, v55;
	v59 =	vunpack.i.u.bf16.f32 v62;
	v48 =	vunpack.i.l.bf16.f32 v30  }
0x34e: {  	v51 =	vld [tilespmem:s26+$0xFFFFFFC0];
	v30 =	vunpack.i.u.bf16.f32 v30;
	v35 =	vadd.f32 v48, v35;
	v18 =	vpop (erf);
	(erf) = vpow2.f32 v58  }
0x34f: {  	v40 =	vld [tilespmem:s4+$0xFFFFFF90];
	v31 =	vmul.f32 v31, v19;
	v37 =	vadd.f32 v59, v57;
	v30 =	vadd.f32 v30, v46;
	v45 =	vpop (erf)  }
0x350: {  	v49 =	vunpack.i.u.bf16.f32 v56;
	v35 =	vmul.f32 $1.442695020e+00, v35;
	v46 =	vpop (erf);
	(erf) = vpow2.f32 v33  }
0x351: {  	v60 =	vld [tilespmem:s4+$0xFFFFFF80];
	v36 =	vmul.f32 $1.442695020e+00, v36;
	v47 =	vadd.f32 v47, v49;
	v52 =	vmul.f32 $1.442695020e+00, v30  }
0x352: {  	v39 =	vunpack.i.l.bf16.f32 v53;
	v37 =	vmul.f32 $1.442695020e+00, v37;
	v33 =	vpop (erf);
	(erf) = vpow2.f32 v35  }
0x353: {  	v62 =	vunpack.i.l.bf16.f32 v51;
	v61 =	vmul.f32 $1.442695020e+00, v47;
	v30 =	vpop (erf);
	(erf) = vpow2.f32 v52  }
0x354: {  	v57 =	vunpack.i.l.bf16.f32 v40;
	v58 =	vperm.xlane v32, v3;
	v22 =	vmul.f32 v18, v22  }
0x355: {  	v34 =	vadd.f32 v34, v38;
	v39 =	vmul.f32 v30, v39;
	(erf) = vpow2.f32 v36  }
0x356: {  	s3 =	simm.s32 $0x45D0;
	v48 =	vunpack.i.l.bf16.f32 v60;
	v44 =	vmul.f32 v30, v63;
	(erf) = vpow2.f32 v37  }
0x357: {  	v34 =	vadd.f32 v42, v34;
	v21 =	vmul.f32 v18, v21;
	v37 =	vld [tilespmem:s26+$0xFFFFFFD0];
	[tilespmem:s3+$0x0] =	vst v39;
	v63 =	vpop (erf);
	(erf) = vpow2.f32 v61  }
0x358: {  	v35 =	vunpack.i.u.bf16.f32 v60;
	v52 =	vunpack.i.u.bf16.f32 v51;
	[tilespmem:s3+$0x10] =	vst v44;
	v43 =	vadd.f32 $1.000000000e+00, v63  }
0x359: {  	v36 =	vadd.f32 v48, v62;
	v35 =	vadd.f32 v35, v52;
	v50 =	vld [tilespmem:s23+$0x50];
	(erf) = vpow2.f32 v41;
	v49 =	vpop (erf)  }
0x35a: {  	v32 =	vadd.f32 v32, v58;
	v39 =	vadd.f32 $1.000000000e+00, v49;
	(erf) = vrcp.f32 v43  }
0x35b: {  	v58 =	vunpack.i.u.bf16.f32 v40;
	v36 =	vmul.f32 $1.442695020e+00, v36;
	v35 =	vmul.f32 $1.442695020e+00, v35;
	v53 =	vpop (erf)  }
0x35c: {  	v55 =	vunpack.i.l.bf16.f32 v37;
	v54 =	vadd.f32 $1.000000000e+00, v53;
	v56 =	vpop (erf);
	(erf) = vrcp.f32 v39  }
0x35d: {  	v41 =	vadd.f32 v57, v55;
	(erf) = vpow2.f32 v36;
	v36 =	vadd.f32 $1.000000000e+00, v56  }
0x35e: {  	v49 =	vmul.f32 v45, v14;
	v60 =	vunpack.i.l.bf16.f32 v50;
	v59 =	vpop (erf);
	(erf) = vrcp.f32 v54  }
0x35f: {  	v41 =	vmul.f32 $1.442695020e+00, v41;
	v43 =	vadd.f32 $1.000000000e+00, v59;
	v61 =	vpop (erf);
	(erf) = vrcp.f32 v36  }
0x360: {  	v38 =	vunpack.i.u.bf16.f32 v50;
	v44 =	vmul.f32 v30, v60;
	(erf) = vpow2.f32 v35;
	v62 =	vpop (erf)  }
0x361: {  	v38 =	vmul.f32 v30, v38;
	v39 =	vld [tilespmem:s26+$0xFFFFFFE0];
	v35 =	vadd.f32 $1.000000000e+00, v62;
	(erf) = vrcp.f32 v43  }
0x362: {  	v52 =	vmul.f32 v46, v15;
	v34 =	vadd.f32 v34, v49;
	[tilespmem:s3+$0x20] =	vst v44;
	v44 =	vld [tilespmem:s4+$0xFFFFFFA0];
	v63 =	vpop (erf);
	(erf) = vpow2.f32 v41  }
0x363: {  	v33 =	vmul.f32 v33, v16;
	[tilespmem:s3+$0x30] =	vst v38;
	v48 =	vadd.f32 $1.000000000e+00, v63;
	v47 =	vpop (erf);
	(erf) = vrcp.f32 v35  }
0x364: {  	v56 =	vunpack.i.u.bf16.f32 v37;
	v34 =	vadd.f32 v52, v34;
	v53 =	vld [tilespmem:s23+$0x60];
	v41 =	vmul.f32 v47, v9  }
0x365: {  	v46 =	vld [tilespmem:s26+$0xFFFFFFF0];
	v36 =	vadd.f32 $1.000000000e+00, v61;
	v43 =	vadd.f32 v32, v32;
	v50 =	vpop (erf);
	(erf) = vrcp.f32 v48  }
0x366: {  	v59 =	vunpack.i.l.bf16.f32 v39;
	v51 =	vmul.f32 v50, v10;
	v41 =	vadd.f32 $0.0e+00, v41;
	v42 =	vpop (erf)  }
0x367: {  	v39 =	vunpack.i.u.bf16.f32 v39;
	v35 =	vadd.f32 v58, v56;
	v60 =	vunpack.i.l.bf16.f32 v44;
	v54 =	vpop (erf)  }
0x368: {  	(erf) = vrcp.f32 v36;
	v38 =	vadd.f32 v41, v51;
	v55 =	vmul.f32 v54, v11;
	v57 =	vpop (erf)  }
0x369: {  	v62 =	vunpack.i.l.bf16.f32 v53;
	v32 =	vunpack.i.u.bf16.f32 v53;
	v37 =	vadd.f32 v60, v59;
	v40 =	vpop (erf)  }
0x36a: {  	v52 =	vld [tilespmem:s4+$0xFFFFFFB0];
	v59 =	vunpack.i.l.bf16.f32 v46;
	v36 =	vmul.f32 v57, v12;
	v38 =	vadd.f32 v55, v38;
	v61 =	vpop (erf)  }
0x36b: {  	v35 =	vmul.f32 $1.442695020e+00, v35;
	v37 =	vmul.f32 $1.442695020e+00, v37;
	v55 =	vunpack.i.u.bf16.f32 v44;
	v45 =	vpop (erf)  }
0x36c: {  	v63 =	vmul.f32 v61, v13;
	v58 =	vadd.f32 v55, v39;
	v36 =	vadd.f32 v38, v36;
	v53 =	vpop (erf)  }
0x36d: {  	v46 =	vunpack.i.u.bf16.f32 v46;
	(erf) = vpow2.f32 v35;
	v54 =	vmul.f32 v53, v14  }
0x36e: {  	v35 =	vmul.f32 $1.442695020e+00, v58;
	v36 =	vadd.f32 v63, v36;
	v56 =	vpop (erf);
	(erf) = vpow2.f32 v37  }
0x36f: {  	v47 =	vmul.f32 v62, v30;
	v32 =	vmul.f32 v32, v30;
	v61 =	vunpack.i.l.bf16.f32 v52  }
0x370: {  	v57 =	vmul.f32 v56, v15;
	(erf) = vpow2.f32 v35;
	v36 =	vadd.f32 v36, v54  }
0x371: {  	v50 =	vsub.f32 v17, v43;
	[tilespmem:s3+$0x40] =	vst v47;
	v47 =	vunpack.i.u.bf16.f32 v52;
	v63 =	vadd.f32 v61, v59;
	v60 =	vpop (erf)  }
0x372: {  	v44 =	vadd.f32 $1.000000000e+00, v42;
	v62 =	vmul.f32 v60, v16;
	v36 =	vadd.f32 v57, v36  }
0x373: {  	[tilespmem:s3+$0x50] =	vst v32;
	v32 =	vmul.f32 v8, v18;
	v48 =	vadd.f32 v47, v46;
	v37 =	vmul.f32 $1.442695020e+00, v63  }
0x374: {  	[tilespmem:s12+$0xFFFFFF70] =	vst v22;
	v40 =	vadd.f32 $1.000000000e+00, v40;
	v38 =	vld [tilespmem:s23+$0x70];
	(erf) = vrcp.f32 v44;
	v36 =	vadd.f32 v36, v62  }
0x375: {  	[tilespmem:s12+$0xFFFFFF80] =	vst v21;
	v52 =	vadd.f32 $1.000000000e+00, v45;
	v35 =	vmul.f32 $1.442695020e+00, v48;
	(erf) = vpow2.f32 v37  }
0x376: {  	v56 =	vadd.f32 v34, v33;
	v57 =	vld [tilespmem:s21+$0xFFFFFFD0];
	(erf) = vrcp.f32 v40;
	v54 =	vpop (erf);
	v49 =	vperm.xlane v36, v5  }
0x377: {  	v34 =	vmul.f32 v8, v19;
	(erf) = vpow2.f32 v35;
	v22 =	vadd.f32 $1.000000000e+00, v54;
	v19 =	vpop (erf)  }
0x378: {  	s29 =	simm.s32 $0xB40;
	v51 =	vld [tilespmem:s4+$0xFFFFFFC0];
	(erf) = vrcp.f32 v52;
	v36 =	vadd.f32 v36, v49;
	v19 =	vadd.f32 $1.000000000e+00, v19  }
0x379: {  	v53 =	vunpack.i.u.bf16.f32 v38;
	v54 =	vld [tilespmem:s29+$0x0];
	(erf) = vrcp.f32 v22;
	v22 =	vperm.xlane v56, v5;
	v58 =	vpop (erf)  }
0x37a: {  	v55 =	vperm.xlane v36, v6;
	(erf) = vrcp.f32 v19;
	v19 =	vadd.f32 $1.000000000e+00, v58  }
0x37b: {  	v37 =	vmul.f32 $1.442695020e+00, v50;
	v63 =	vunpack.i.u.bf16.f32 v57;
	v60 =	vadd.f32 v56, v22  }
0x37c: {  	v33 =	vmul.f32 v53, v30;
	v39 =	vmul.f32 v18, v63;
	v35 =	vadd.f32 v36, v55  }
0x37d: {  	s25 =	simm.s32 $0x2580;
	v21 =	vunpack.i.u.bf16.f32 v51;
	v56 =	vld [tilespmem:s4+$0x40];
	v22 =	vpop (erf);
	(erf) = vpow2.f32 v37;
	v62 =	vperm.xlane v60, v6  }
0x37e: {  	v58 =	vunpack.i.l.bf16.f32 v54;
	(erf) = vrcp.f32 v19;
	v55 =	vld [tilespmem:s25+$0x0];
	v59 =	vperm.xlane v35, v7;
	v19 =	vpop (erf)  }
0x37f: {  	v61 =	vmul.f32 v22, v9;
	v40 =	vadd.f32 v60, v62;
	v19 =	vadd.f32 $1.000000000e+00, v19  }
0x380: {  	v46 =	vld [tilespmem:s29+$0x20];
	v44 =	vunpack.i.u.bf16.f32 v54;
	v22 =	vunpack.i.l.bf16.f32 v51;
	v35 =	vadd.f32 v35, v59  }
0x381: {  	v36 =	vunpack.i.l.bf16.f32 v57;
	v37 =	vadd.f32 $0.0e+00, v61;
	v48 =	vpop (erf);
	v51 =	vperm.xlane v40, v7  }
0x382: {  	v54 =	vunpack.i.l.bf16.f32 v56;
	v42 =	vmul.f32 v48, v10;
	v50 =	vpop (erf);
	v49 =	vperm.xlane v35, v3  }
0x383: {  	v48 =	vld [tilespmem:s29+$0x30];
	(erf) = vrcp.f32 v19;
	v52 =	vadd.f32 $1.000000000e+00, v50;
	v45 =	vunpack.i.u.bf16.f32 v55;
	v19 =	vpop (erf)  }
0x384: {  	v57 =	vld [tilespmem:s25+$0x10];
	v50 =	vunpack.i.u.bf16.f32 v56;
	v35 =	vadd.f32 v35, v49;
	v19 =	vmul.f32 v19, v11  }
0x385: {  	v56 =	vunpack.i.l.bf16.f32 v46;
	v46 =	vunpack.i.u.bf16.f32 v46;
	v37 =	vadd.f32 v37, v42  }
0x386: {  	v42 =	vadd.f32 v40, v51;
	v40 =	vmul.f32 v18, v36;
	v53 =	vpop (erf);
	v35 =	vadd.f32 v35, v35  }
0x387: {  	(erf) = vrcp.f32 v52;
	v43 =	vmul.f32 v53, v12;
	v37 =	vadd.f32 v19, v37  }
0x388: {  	v63 =	vld [tilespmem:s29+$0x10];
	v61 =	vperm.xlane v42, v3;
	v51 =	vunpack.i.u.bf16.f32 v48;
	v19 =	vpop (erf);
	v59 =	vsub.f32 v17, v35  }
0x389: {  	v53 =	vunpack.i.l.bf16.f32 v57;
	v43 =	vadd.f32 v37, v43;
	v60 =	vmul.f32 v19, v13;
	v19 =	vpop (erf)  }
0x38a: {  	v36 =	vadd.f32 v42, v61;
	v35 =	vmul.f32 v19, v24;
	v24 =	vpop (erf);
	v62 =	vmul.f32 $1.442695020e+00, v59  }
0x38b: {  	v59 =	vunpack.i.l.bf16.f32 v55;
	v24 =	vmul.f32 v24, v14;
	v43 =	vadd.f32 v60, v43  }
0x38c: {  	v37 =	vunpack.i.l.bf16.f32 v38;
	v38 =	vadd.f32 v59, v58;
	(erf) = vpow2.f32 v62  }
0x38d: {  	v61 =	vunpack.i.l.bf16.f32 v63;
	v43 =	vadd.f32 v43, v24;
	v24 =	vadd.f32 v45, v44;
	v44 =	vld [tilespmem:s25+$0x20]  }
0x38e: {  	v63 =	vunpack.i.u.bf16.f32 v63;
	v42 =	vunpack.i.u.bf16.f32 v57;
	v45 =	vld [tilespmem:s25+$0x30];
	v38 =	vmul.f32 $1.442695020e+00, v38  }
0x38f: {  	v37 =	vmul.f32 v37, v30;
	v62 =	vadd.f32 v53, v61;
	v60 =	vpop (erf);
	v24 =	vmul.f32 $1.442695020e+00, v24  }
0x390: {  	v47 =	vmul.f32 v60, v15;
	(erf) = vpow2.f32 v38;
	v38 =	vadd.f32 v42, v63  }
0x391: {  	v48 =	vunpack.i.l.bf16.f32 v48;
	v41 =	vpop (erf);
	(erf) = vpow2.f32 v24;
	v24 =	vmul.f32 $1.442695020e+00, v62  }
0x392: {  	v36 =	vadd.f32 v36, v36;
	v60 =	vld [tilespmem:s29+$0xFFFFFFC0];
	v41 =	vmul.f32 v41, v16;
	v38 =	vmul.f32 $1.442695020e+00, v38  }
0x393: {  	v57 =	vunpack.i.l.bf16.f32 v44;
	v58 =	vunpack.i.u.bf16.f32 v45;
	v45 =	vunpack.i.l.bf16.f32 v45  }
0x394: {  	v44 =	vunpack.i.u.bf16.f32 v44;
	v59 =	vadd.f32 v57, v56;
	(erf) = vpow2.f32 v24  }
0x395: {  	v53 =	vld [tilespmem:s25+$0xFFFFFF80];
	v51 =	vadd.f32 v58, v51;
	v44 =	vadd.f32 v44, v46;
	(erf) = vpow2.f32 v38;
	v24 =	vpop (erf)  }
0x396: {  	v62 =	vadd.f32 v45, v48;
	v46 =	vld [tilespmem:s29+$0xFFFFFFD0];
	v42 =	vmul.f32 $1.442695020e+00, v59;
	v61 =	vmul.f32 v24, v54  }
0x397: {  	s24 =	simm.s32 $0x46F0;
	v52 =	vunpack.i.l.bf16.f32 v60;
	v57 =	vld [tilespmem:s25+$0xFFFFFF90];
	v63 =	vmul.f32 $1.442695020e+00, v51;
	v50 =	vmul.f32 v24, v50  }
0x398: {  	v60 =	vunpack.i.u.bf16.f32 v60;
	v44 =	vmul.f32 $1.442695020e+00, v44;
	(erf) = vpow2.f32 v42;
	[tilespmem:s24+$0x0] =	vst v61  }
0x399: {  	v38 =	vadd.f32 v47, v43;
	v43 =	vmul.f32 $1.442695020e+00, v62;
	[tilespmem:s24+$0x10] =	vst v50;
	v56 =	vpop (erf);
	(erf) = vpow2.f32 v63  }
0x39a: {  	v54 =	vunpack.i.l.bf16.f32 v53;
	v55 =	vld [tilespmem:s4+$0x50];
	v58 =	vadd.f32 $1.000000000e+00, v56;
	(erf) = vpow2.f32 v44  }
0x39b: {  	v42 =	vadd.f32 v54, v52;
	v63 =	vunpack.i.l.bf16.f32 v46;
	v59 =	vpop (erf);
	(erf) = vpow2.f32 v43  }
0x39c: {  	v54 =	vunpack.i.l.bf16.f32 v57;
	v61 =	vadd.f32 $1.000000000e+00, v59;
	(erf) = vrcp.f32 v58  }
0x39d: {  	v62 =	vunpack.i.u.bf16.f32 v53;
	v42 =	vmul.f32 $1.442695020e+00, v42;
	v44 =	vadd.f32 v54, v63;
	v52 =	vpop (erf)  }
0x39e: {  	v43 =	vadd.f32 v62, v60;
	(erf) = vrcp.f32 v61;
	v47 =	vadd.f32 $1.000000000e+00, v52  }
0x39f: {  	v53 =	vunpack.i.l.bf16.f32 v55;
	v48 =	vunpack.i.u.bf16.f32 v55;
	(erf) = vpow2.f32 v42;
	v55 =	vpop (erf)  }
0x3a0: {  	v46 =	vunpack.i.u.bf16.f32 v46;
	v42 =	vadd.f32 $1.000000000e+00, v55;
	(erf) = vrcp.f32 v47  }
0x3a1: {  	v50 =	vld [tilespmem:s29+$0xFFFFFFE0];
	v45 =	vunpack.i.u.bf16.f32 v57;
	v44 =	vmul.f32 $1.442695020e+00, v44;
	v43 =	vmul.f32 $1.442695020e+00, v43;
	v56 =	vpop (erf)  }
0x3a2: {  	v49 =	vmul.f32 v24, v53;
	v47 =	vld [tilespmem:s25+$0xFFFFFFA0];
	v57 =	vadd.f32 $1.000000000e+00, v56;
	(erf) = vrcp.f32 v42;
	v58 =	vpop (erf)  }
0x3a3: {  	v45 =	vadd.f32 v45, v46;
	v48 =	vmul.f32 v24, v48;
	(erf) = vpow2.f32 v43;
	v59 =	vpop (erf)  }
0x3a4: {  	v51 =	vmul.f32 v19, v23;
	[tilespmem:s24+$0x20] =	vst v49;
	v43 =	vadd.f32 $1.000000000e+00, v59;
	(erf) = vrcp.f32 v57;
	v61 =	vpop (erf)  }
0x3a5: {  	v36 =	vsub.f32 v17, v36;
	v45 =	vmul.f32 $1.442695020e+00, v45;
	[tilespmem:s24+$0x30] =	vst v48;
	(erf) = vpow2.f32 v44;
	v62 =	vpop (erf)  }
0x3a6: {  	v46 =	vld [tilespmem:s4+$0x60];
	v48 =	vadd.f32 $1.000000000e+00, v61;
	v44 =	vmul.f32 v62, v9;
	(erf) = vrcp.f32 v43  }
0x3a7: {  	v60 =	vunpack.i.l.bf16.f32 v50;
	v42 =	vadd.f32 $1.000000000e+00, v58;
	v63 =	vunpack.i.l.bf16.f32 v47;
	v56 =	vpop (erf)  }
0x3a8: {  	(erf) = vrcp.f32 v48;
	v57 =	vmul.f32 v56, v10;
	v44 =	vadd.f32 $0.0e+00, v44;
	v53 =	vpop (erf)  }
0x3a9: {  	v50 =	vunpack.i.u.bf16.f32 v50;
	v61 =	vunpack.i.u.bf16.f32 v47;
	v49 =	vadd.f32 v63, v60;
	v48 =	vld [tilespmem:s29+$0xFFFFFFF0];
	v59 =	vpop (erf)  }
0x3aa: {  	[tilespmem:s12+$0xFFFFFFA0] =	vst v39;
	v39 =	vld [tilespmem:s25+$0xFFFFFFB0];
	(erf) = vrcp.f32 v42;
	v43 =	vadd.f32 v44, v57;
	v60 =	vmul.f32 v59, v11  }
0x3ab: {  	v58 =	vunpack.i.l.bf16.f32 v46;
	v46 =	vunpack.i.u.bf16.f32 v46;
	v62 =	vmul.f32 $1.442695020e+00, v49;
	v63 =	vpop (erf)  }
0x3ac: {  	(erf) = vpow2.f32 v45;
	v43 =	vadd.f32 v60, v43;
	v54 =	vmul.f32 v63, v12;
	v45 =	vpop (erf)  }
0x3ad: {  	v42 =	vadd.f32 v61, v50;
	v50 =	vmul.f32 v8, v30;
	v52 =	vmul.f32 v58, v24;
	v56 =	vpop (erf)  }
0x3ae: {  	v55 =	vunpack.i.l.bf16.f32 v48;
	v43 =	vadd.f32 v43, v54;
	v58 =	vmul.f32 v56, v13;
	v47 =	vpop (erf)  }
0x3af: {  	[tilespmem:s12+$0xFFFFFF90] =	vst v40;
	v40 =	vmul.f32 v46, v24;
	(erf) = vpow2.f32 v62;
	v57 =	vunpack.i.l.bf16.f32 v39;
	v60 =	vpop (erf)  }
0x3b0: {  	v46 =	vld [tilespmem:s21+$0xFFFFFFE0];
	v23 =	vmul.f32 $1.442695020e+00, v42;
	v61 =	vadd.f32 v58, v43;
	v63 =	vmul.f32 v60, v14  }
0x3b1: {  	v39 =	vunpack.i.u.bf16.f32 v39;
	[tilespmem:s24+$0x40] =	vst v52;
	v52 =	vunpack.i.u.bf16.f32 v48;
	v59 =	vadd.f32 v57, v55;
	v55 =	vpop (erf)  }
0x3b2: {  	[tilespmem:s24+$0x50] =	vst v40;
	v54 =	vadd.f32 $1.000000000e+00, v53;
	v30 =	vmul.f32 v55, v15;
	v40 =	vadd.f32 v61, v63  }
0x3b3: {  	v49 =	vld [tilespmem:s4+$0x70];
	(erf) = vpow2.f32 v23;
	v45 =	vadd.f32 $1.000000000e+00, v45;
	v42 =	vmul.f32 $1.442695020e+00, v59;
	v58 =	vpop (erf)  }
0x3b4: {  	(erf) = vrcp.f32 v54;
	v30 =	vadd.f32 v30, v40;
	v40 =	vmul.f32 v58, v16  }
0x3b5: {  	v62 =	vunpack.i.l.bf16.f32 v46;
	v46 =	vunpack.i.u.bf16.f32 v46;
	(erf) = vpow2.f32 v42  }
0x3b6: {  	[tilespmem:s8+$0xFFFFFF70] =	vst v35;
	v39 =	vadd.f32 v39, v52;
	v46 =	vmul.f32 v46, v18;
	v40 =	vadd.f32 v30, v40  }
0x3b7: {  	v36 =	vmul.f32 $1.442695020e+00, v36;
	v38 =	vadd.f32 v38, v41;
	[tilespmem:s8+$0xFFFFFF80] =	vst v51;
	v57 =	vld [tilespmem:s25+$0xFFFFFFC0];
	(erf) = vrcp.f32 v45  }
0x3b8: {  	v59 =	vld [tilespmem:s9+$0xFFFFFFD0];
	v39 =	vmul.f32 $1.442695020e+00, v39;
	v56 =	vunpack.i.u.bf16.f32 v49;
	[tilespmem:s12+$0xFFFFFFC0] =	vst v46;
	v46 =	vperm.xlane v40, v5  }
0x3b9: {  	v47 =	vadd.f32 $1.000000000e+00, v47;
	v43 =	vmul.f32 v62, v18;
	v44 =	vmul.f32 v56, v24;
	v60 =	vpop (erf)  }
0x3ba: {  	[tilespmem:s12+$0x70] =	vst v20;
	(erf) = vpow2.f32 v39;
	v61 =	vadd.f32 $1.000000000e+00, v60;
	v30 =	vpop (erf);
	v20 =	vadd.f32 v40, v46  }
0x3bb: {  	[tilespmem:s12+$0x60] =	vst v25;
	(erf) = vrcp.f32 v47;
	v47 =	vperm.xlane v38, v5;
	v62 =	vadd.f32 $1.000000000e+00, v30  }
0x3bc: {  	[tilespmem:s12+$0x80] =	vst v28;
	v35 =	vunpack.i.l.bf16.f32 v57;
	(erf) = vrcp.f32 v61;
	v48 =	vpop (erf);
	v28 =	vperm.xlane v20, v6  }
0x3bd: {  	[tilespmem:s8+$0x70] =	vst v29;
	v51 =	vunpack.i.u.bf16.f32 v59;
	v38 =	vadd.f32 v38, v47;
	v52 =	vpop (erf);
	(erf) = vrcp.f32 v62  }
0x3be: {  	[tilespmem:s8+$0x60] =	vst v31;
	v53 =	vunpack.i.l.bf16.f32 v59;
	v25 =	vadd.f32 $1.000000000e+00, v48;
	v54 =	vpop (erf);
	(erf) = vpow2.f32 v36  }
0x3bf: {  	[tilespmem:s12+$0xFFFFFFB0] =	vst v43;
	v29 =	vmul.f32 v52, v9;
	v31 =	vadd.f32 $1.000000000e+00, v54;
	v55 =	vperm.xlane v38, v6  }
0x3c0: {  	v63 =	vld [tilespmem:s21+$0xFFFFFFF0];
	v41 =	vmul.f32 v19, v51;
	(erf) = vrcp.f32 v25;
	v20 =	vadd.f32 v20, v28;
	v28 =	vpop (erf)  }
0x3c1: {  	v29 =	vadd.f32 $0.0e+00, v29;
	v36 =	vadd.f32 v38, v55;
	v28 =	vmul.f32 v28, v10  }
0x3c2: {  	[tilespmem:s8+$0x80] =	vst v34;
	v56 =	vmul.f32 v19, v53;
	v30 =	vunpack.i.u.bf16.f32 v57;
	v57 =	vperm.xlane v20, v7  }
0x3c3: {  	[tilespmem:s8+$0xFFFFFFA0] =	vst v41;
	(erf) = vrcp.f32 v31;
	v38 =	vperm.xlane v36, v7;
	v31 =	vpop (erf);
	v28 =	vadd.f32 v29, v28  }
0x3c4: {  	v23 =	vmul.f32 v8, v19;
	[tilespmem:s8+$0xFFFFFF90] =	vst v56;
	v20 =	vadd.f32 v20, v57;
	v29 =	vadd.f32 $1.000000000e+00, v31;
	v31 =	vpop (erf)  }
0x3c5: {  	[tilespmem:s12+$0xFFFFFFF0] =	vst v32;
	v58 =	vunpack.i.l.bf16.f32 v63;
	v60 =	vld [tilespmem:s9+$0xFFFFFFE0];
	v32 =	vadd.f32 v36, v38;
	v31 =	vmul.f32 v31, v11;
	v59 =	vpop (erf)  }
0x3c6: {  	[tilespmem:s3+$0x70] =	vst v33;
	v25 =	vunpack.i.u.bf16.f32 v63;
	v40 =	vperm.xlane v20, v3;
	v61 =	vpop (erf);
	(erf) = vrcp.f32 v29  }
0x3c7: {  	[tilespmem:s3+$0x60] =	vst v37;
	v34 =	vperm.xlane v32, v3;
	v33 =	vmul.f32 v59, v12;
	v31 =	vadd.f32 v31, v28;
	v28 =	vpop (erf)  }
0x3c8: {  	[tilespmem:s3+$0x80] =	vst v50;
	v29 =	vunpack.i.l.bf16.f32 v49;
	v37 =	vmul.f32 v61, v13;
	v27 =	vmul.f32 v28, v27  }
0x3c9: {  	[tilespmem:s24+$0x70] =	vst v44;
	v20 =	vadd.f32 v20, v40;
	v62 =	vmul.f32 v28, v26;
	v31 =	vadd.f32 v31, v33;
	v63 =	vpop (erf)  }
0x3ca: {  	v26 =	vmul.f32 v58, v18;
	v33 =	vunpack.i.l.bf16.f32 v60;
	v36 =	vmul.f32 v63, v14;
	[tilespmem:s3+$0xFFFFFF70] =	vst v27  }
0x3cb: {  	s28 =	simm.s32 $0xBC0;
	s26 =	simm.s32 $0x8;
	s21 =	simm.s32 $0x2580;
	v27 =	vunpack.i.u.bf16.f32 v60;
	v38 =	vadd.f32 v37, v31;
	v37 =	vadd.f32 v20, v20;
	v31 =	vld [tilespmem:s25+$0x40];
	[tilespmem:s3+$0xFFFFFF80] =	vst v62  }
.LBB2_9:
0x3cc: {  	v39 =	vld [tilespmem:s28+$0x0];
	s25 =	sadd.s32 $0x100, s25;
	v20 =	vpop (erf);
	v32 =	vadd.f32 v32, v34;
	v33 =	vmul.f32 v33, v19;
	v27 =	vmul.f32 v27, v19;
	[tilespmem:s12+$0xFFFFFFD0] =	vst v26  }
0x3cd: {  	v34 =	vld [tilespmem:s25+$0x0];
	v38 =	vadd.f32 v38, v36;
	v36 =	vmul.f32 v20, v15;
	v37 =	vsub.f32 v17, v37;
	v20 =	vmovc v35  }
0x3ce: {  	v29 =	vmul.f32 v29, v24;
	v40 =	vmul.f32 v25, v18;
	v35 =	vld [tilespmem:s28+$0x30];
	v32 =	vadd.f32 v32, v32;
	[tilespmem:s8+$0xFFFFFFB0] =	vst v33  }
0x3cf: {  	v33 =	vld [tilespmem:s25+$0x30];
	v25 =	vadd.f32 v36, v38;
	v36 =	vmul.f32 $1.442695020e+00, v37;
	v26 =	vpop (erf);
	v37 =	vmul.f32 v8, v28;
	[tilespmem:s8+$0xFFFFFFC0] =	vst v27  }
0x3d0: {  	s26 =	sadd.s32 $0x2, s26;
	v24 =	vmul.f32 v8, v24;
	v38 =	vld [tilespmem:s28+$0x10];
	v26 =	vmul.f32 v26, v16;
	v27 =	vsub.f32 v17, v32;
	[tilespmem:s12+$0xFFFFFFE0] =	vst v40;
	s12 =	smov.u32 s8;
	s8 =	smov.u32 s3  }
0x3d1: {  	v18 =	vmov v19;
	v19 =	vmov v28;
	p0 =	slt.u32 s26, $0x1E;
	s3 =	smov.u32 s24;
	v32 =	vld [tilespmem:s25+$0x10];
	(erf) = vpow2.f32 v36;
	[tilespmem:s24+$0x60] =	vst v29  }
0x3d2: {  	v40 =	vunpack.i.u.bf16.f32 v31;
	v28 =	vunpack.i.l.bf16.f32 v39;
	v36 =	vld [tilespmem:s25+$0xFFFFFF80];
	v29 =	vunpack.i.l.bf16.f32 v34;
	[tilespmem:s24+$0x80] =	vst v24  }
0x3d3: {  	v24 =	vunpack.i.u.bf16.f32 v39;
	v34 =	vunpack.i.u.bf16.f32 v34;
	v41 =	vld [tilespmem:s28+$0xFFFFFFC0];
	v28 =	vadd.f32 v29, v28  }
0x3d4: {  	v31 =	vunpack.i.l.bf16.f32 v31;
	v24 =	vadd.f32 v34, v24;
	v39 =	vunpack.i.u.bf16.f32 v35;
	v29 =	vld [tilespmem:s28+$0x20]  }
0x3d5: {  	v43 =	vunpack.i.u.bf16.f32 v33;
	v28 =	vmul.f32 $1.442695020e+00, v28;
	v34 =	vunpack.i.u.bf16.f32 v38;
	v42 =	vld [tilespmem:s25+$0x20]  }
0x3d6: {  	v24 =	vmul.f32 $1.442695020e+00, v24;
	v38 =	vunpack.i.l.bf16.f32 v38;
	v44 =	vld [tilespmem:s28+$0xFFFFFFD0];
	v45 =	vunpack.i.l.bf16.f32 v32  }
0x3d7: {  	v32 =	vunpack.i.u.bf16.f32 v32;
	v46 =	vld [tilespmem:s25+$0xFFFFFF90];
	v38 =	vadd.f32 v45, v38;
	(erf) = vpow2.f32 v28  }
0x3d8: {  	v35 =	vunpack.i.l.bf16.f32 v35;
	v28 =	vadd.f32 v32, v34;
	v45 =	vld [tilespmem:s28+$0xFFFFFFE0];
	(erf) = vpow2.f32 v24  }
0x3d9: {  	v48 =	vunpack.i.l.bf16.f32 v33;
	v34 =	vld [tilespmem:s25+$0xFFFFFFA0];
	v38 =	vmul.f32 $1.442695020e+00, v38;
	v47 =	vunpack.i.u.bf16.f32 v29  }
0x3da: {  	v28 =	vmul.f32 $1.442695020e+00, v28;
	v29 =	vunpack.i.l.bf16.f32 v29;
	v32 =	vld [tilespmem:s28+$0xFFFFFFF0];
	v49 =	vunpack.i.l.bf16.f32 v42;
	v24 =	vpop (erf)  }
0x3db: {  	v33 =	vld [tilespmem:s25+$0xFFFFFFB0];
	v29 =	vadd.f32 v49, v29;
	(erf) = vpow2.f32 v38;
	v38 =	vmul.f32 v24, v31  }
0x3dc: {  	s24 =	sadd.s32 $0x120, s24;
	v39 =	vadd.f32 v43, v39;
	v42 =	vunpack.i.u.bf16.f32 v42;
	v40 =	vmul.f32 v24, v40;
	v31 =	vld [tilespmem:s25+$0xFFFFFFC0]  }
0x3dd: {  	v42 =	vadd.f32 v42, v47;
	v43 =	vmul.f32 $1.442695020e+00, v29;
	(erf) = vpow2.f32 v28;
	[tilespmem:s24+$0x0] =	vst v38;
	v29 =	vld [tilespmem:s23+$0xFFFFFFD0]  }
0x3de: {  	v35 =	vadd.f32 v48, v35;
	v39 =	vmul.f32 $1.442695020e+00, v39;
	v47 =	vunpack.i.l.bf16.f32 v41;
	[tilespmem:s24+$0x10] =	vst v40;
	v28 =	vld [tilespmem:s9+$0xFFFFFFF0];
	s9 =	smov.u32 s23;
	s23 =	smov.u32 s4;
	s4 =	smov.u32 s21  }
0x3df: {  	v48 =	vunpack.i.l.bf16.f32 v36;
	v42 =	vmul.f32 $1.442695020e+00, v42;
	s21 =	smov.u32 s25;
	(erf) = vpow2.f32 v43;
	v43 =	vld [tilespmem:s4+$0x50];
	[tilespmem:s12+$0xFFFFFFF0] =	vst v23;
	v23 =	vmovc v37  }
0x3e0: {  	v35 =	vmul.f32 $1.442695020e+00, v35;
	v37 =	vadd.f32 v48, v47;
	v38 =	vpop (erf);
	(erf) = vpow2.f32 v39  }
0x3e1: {  	v39 =	vunpack.i.u.bf16.f32 v41;
	v41 =	vadd.f32 $1.000000000e+00, v38;
	v40 =	vpop (erf);
	(erf) = vpow2.f32 v42  }
0x3e2: {  	v36 =	vunpack.i.u.bf16.f32 v36;
	v40 =	vadd.f32 $1.000000000e+00, v40;
	(erf) = vpow2.f32 v35  }
0x3e3: {  	v42 =	vmul.f32 $1.442695020e+00, v37;
	v36 =	vadd.f32 v36, v39;
	(erf) = vrcp.f32 v41  }
0x3e4: {  	v37 =	vunpack.i.l.bf16.f32 v44;
	(erf) = vrcp.f32 v40;
	v38 =	vpop (erf);
	v39 =	vunpack.i.l.bf16.f32 v43  }
0x3e5: {  	v40 =	vunpack.i.u.bf16.f32 v43;
	v38 =	vadd.f32 $1.000000000e+00, v38;
	v39 =	vmul.f32 v24, v39  }
0x3e6: {  	v43 =	vunpack.i.l.bf16.f32 v46;
	v40 =	vmul.f32 v24, v40;
	(erf) = vpow2.f32 v42;
	v35 =	vpop (erf)  }
0x3e7: {  	v47 =	vmul.f32 $1.442695020e+00, v36;
	v42 =	vadd.f32 $1.000000000e+00, v35;
	(erf) = vrcp.f32 v38;
	[tilespmem:s24+$0x20] =	vst v39  }
0x3e8: {  	v37 =	vadd.f32 v43, v37;
	v38 =	vunpack.i.u.bf16.f32 v44;
	v39 =	vunpack.i.u.bf16.f32 v46;
	v41 =	vpop (erf);
	[tilespmem:s24+$0x30] =	vst v40  }
0x3e9: {  	v38 =	vadd.f32 v39, v38;
	v43 =	vadd.f32 $1.000000000e+00, v41;
	(erf) = vrcp.f32 v42;
	v35 =	vpop (erf);
	v40 =	vld [tilespmem:s4+$0x60]  }
0x3ea: {  	v44 =	vmul.f32 $1.442695020e+00, v37;
	v41 =	vunpack.i.l.bf16.f32 v45;
	(erf) = vpow2.f32 v47;
	v36 =	vpop (erf)  }
0x3eb: {  	v42 =	vunpack.i.l.bf16.f32 v34;
	v36 =	vadd.f32 $1.000000000e+00, v36;
	(erf) = vrcp.f32 v43;
	v39 =	vpop (erf)  }
0x3ec: {  	v38 =	vmul.f32 $1.442695020e+00, v38;
	v39 =	vadd.f32 $1.000000000e+00, v39;
	(erf) = vpow2.f32 v44;
	v37 =	vpop (erf)  }
0x3ed: {  	v35 =	vadd.f32 $1.000000000e+00, v35;
	v37 =	vmul.f32 v37, v9;
	v43 =	vpop (erf);
	(erf) = vrcp.f32 v36  }
0x3ee: {  	v36 =	vmul.f32 v43, v10;
	(erf) = vrcp.f32 v39;
	v39 =	vunpack.i.l.bf16.f32 v40  }
0x3ef: {  	v40 =	vunpack.i.u.bf16.f32 v40;
	v37 =	vadd.f32 $0.0e+00, v37;
	v43 =	vpop (erf);
	v39 =	vmul.f32 v39, v24  }
0x3f0: {  	v41 =	vadd.f32 v42, v41;
	v44 =	vunpack.i.u.bf16.f32 v45;
	v40 =	vmul.f32 v40, v24;
	v42 =	vpop (erf)  }
0x3f1: {  	v36 =	vadd.f32 v37, v36;
	v37 =	vmul.f32 v42, v11;
	(erf) = vrcp.f32 v35;
	[tilespmem:s24+$0x40] =	vst v39  }
0x3f2: {  	v34 =	vunpack.i.u.bf16.f32 v34;
	v42 =	vmul.f32 $1.442695020e+00, v41;
	(erf) = vpow2.f32 v38;
	v38 =	vpop (erf);
	[tilespmem:s24+$0x50] =	vst v40  }
0x3f3: {  	v34 =	vadd.f32 v34, v44;
	v36 =	vadd.f32 v37, v36;
	v44 =	vmul.f32 v38, v12;
	v38 =	vpop (erf);
	v39 =	vld [tilespmem:s4+$0x70]  }
0x3f4: {  	v45 =	vunpack.i.l.bf16.f32 v33;
	v40 =	vunpack.i.l.bf16.f32 v32;
	(erf) = vpow2.f32 v42;
	v35 =	vpop (erf)  }
0x3f5: {  	v34 =	vmul.f32 $1.442695020e+00, v34;
	v36 =	vadd.f32 v36, v44;
	v35 =	vmul.f32 v35, v13;
	v37 =	vpop (erf)  }
0x3f6: {  	v32 =	vunpack.i.u.bf16.f32 v32;
	v40 =	vadd.f32 v45, v40;
	v42 =	vadd.f32 $1.000000000e+00, v43;
	v41 =	vpop (erf)  }
0x3f7: {  	v33 =	vunpack.i.u.bf16.f32 v33;
	v35 =	vadd.f32 v35, v36;
	v36 =	vmul.f32 v41, v14;
	v41 =	vpop (erf)  }
0x3f8: {  	v40 =	vmul.f32 $1.442695020e+00, v40;
	(erf) = vpow2.f32 v34;
	v34 =	vunpack.i.u.bf16.f32 v39  }
0x3f9: {  	v41 =	vmul.f32 v41, v15;
	v35 =	vadd.f32 v35, v36;
	v34 =	vmul.f32 v34, v24  }
0x3fa: {  	v32 =	vadd.f32 v33, v32;
	v38 =	vadd.f32 $1.000000000e+00, v38;
	(erf) = vrcp.f32 v42;
	v33 =	vpop (erf)  }
0x3fb: {  	v41 =	vadd.f32 v41, v35;
	v33 =	vmul.f32 v33, v16;
	v36 =	vpop (erf);
	(erf) = vpow2.f32 v40;
	[tilespmem:s24+$0x70] =	vst v34  }
0x3fc: {  	v32 =	vmul.f32 $1.442695020e+00, v32;
	v34 =	vadd.f32 $1.000000000e+00, v37;
	(erf) = vrcp.f32 v38  }
0x3fd: {  	v27 =	vmul.f32 $1.442695020e+00, v27;
	v36 =	vadd.f32 $1.000000000e+00, v36;
	v33 =	vadd.f32 v41, v33;
	v35 =	vpop (erf)  }
0x3fe: {  	v25 =	vadd.f32 v25, v26;
	v37 =	vadd.f32 $1.000000000e+00, v35;
	(erf) = vpow2.f32 v32  }
0x3ff: {  	v38 =	vunpack.i.u.bf16.f32 v31;
	v26 =	vperm.xlane v33, v5;
	(erf) = vrcp.f32 v34  }
0x400: {  	v35 =	vunpack.i.l.bf16.f32 v31;
	v31 =	vperm.xlane v25, v5;
	(erf) = vrcp.f32 v36  }
0x401: {  	v26 =	vadd.f32 v33, v26;
	(erf) = vrcp.f32 v37;
	v32 =	vpop (erf);
	v33 =	vunpack.i.u.bf16.f32 v29  }
0x402: {  	v31 =	vadd.f32 v25, v31;
	v36 =	vadd.f32 $1.000000000e+00, v32;
	(erf) = vpow2.f32 v27  }
0x403: {  	v29 =	vunpack.i.l.bf16.f32 v29;
	v33 =	vmul.f32 v19, v33;
	v37 =	vperm.xlane v26, v6;
	v25 =	vpop (erf)  }
0x404: {  	v34 =	vmul.f32 v25, v9;
	(erf) = vrcp.f32 v36;
	v32 =	vpop (erf);
	v25 =	vunpack.i.u.bf16.f32 v28  }
0x405: {  	v36 =	vperm.xlane v31, v6;
	v40 =	vadd.f32 $1.000000000e+00, v32;
	v26 =	vadd.f32 v26, v37;
	v27 =	vpop (erf);
	[tilespmem:s8+$0xFFFFFFA0] =	vst v33  }
0x406: {  	v41 =	vmul.f32 v19, v29;
	v37 =	vadd.f32 $0.0e+00, v34;
	v27 =	vmul.f32 v27, v10  }
0x407: {  	v31 =	vadd.f32 v31, v36;
	v34 =	vperm.xlane v26, v7;
	(erf) = vrcp.f32 v40;
	v32 =	vpop (erf)  }
0x408: {  	v36 =	vunpack.i.l.bf16.f32 v28;
	v27 =	vadd.f32 v37, v27;
	v32 =	vadd.f32 $1.000000000e+00, v32;
	v33 =	vpop (erf);
	[tilespmem:s8+$0xFFFFFF90] =	vst v41  }
0x409: {  	v41 =	vmul.f32 v33, v11;
	v26 =	vadd.f32 v26, v34;
	v29 =	vpop (erf);
	v33 =	vperm.xlane v31, v7;
	v40 =	vld [tilespmem:s9+$0xFFFFFFE0]  }
0x40a: {  	v34 =	vmul.f32 v29, v12;
	v37 =	vpop (erf);
	(erf) = vrcp.f32 v32;
	v29 =	vunpack.i.l.bf16.f32 v39  }
.Ltmp3:
0x40b: {  	v41 =	vadd.f32 v41, v27;
	v37 =	vmul.f32 v37, v13;
	v39 =	vperm.xlane v26, v3;
	v28 =	vpop (erf);
	(pc) =	sbr.rel @p0 .LBB2_9-.Ltmp3, $4  }
0x40c: {  	v32 =	vadd.f32 v31, v33;
	v42 =	vmul.f32 v28, v22;
	v33 =	vmul.f32 v28, v21;
	v21 =	vmovc v30  }
0x40d: {  	v31 =	vadd.f32 v41, v34;
	v39 =	vadd.f32 v26, v39;
	v27 =	vpop (erf);
	v26 =	vmul.f32 v36, v18  }
0x40e: {  	v30 =	vmovc v38;
	v34 =	vperm.xlane v32, v3;
	v36 =	vmul.f32 v27, v14;
	[tilespmem:s3+$0xFFFFFF70] =	vst v42;
	v27 =	vunpack.i.u.bf16.f32 v40  }
0x40f: {  	s28 =	sadd.s32 $0x80, s28;
	v22 =	vmovc v20;
	v38 =	vadd.f32 v37, v31;
	v37 =	vadd.f32 v39, v39;
	v31 =	vld [tilespmem:s25+$0x40];
	[tilespmem:s3+$0xFFFFFF80] =	vst v33;
	v33 =	vunpack.i.l.bf16.f32 v40  }
0x410: {  	_ = 	snop  }
0x411: {  	v20 =	vpop (erf)  }
0x412: {  	v36 =	vadd.f32 v38, v36;
	v20 =	vmul.f32 v20, v15  }
0x413: {  	v46 =	vpop (erf)  }
0x414: {  	v20 =	vadd.f32 v20, v36;
	v47 =	vmul.f32 v46, v16;
	_ =	sdelay $0x1  }
0x415: {  	v20 =	vadd.f32 v20, v47;
	_ =	sdelay $0x1  }
0x416: {  	v49 =	vperm.xlane v20, v5;
	_ =	sdelay $0x1  }
0x417: {  	v20 =	vadd.f32 v20, v49  }
0x418: {  	v48 =	vsub.f32 v17, v37  }
0x419: {  	v50 =	vperm.xlane v20, v6  }
0x41a: {  	v36 =	vmul.f32 $1.442695020e+00, v48  }
0x41b: {  	v20 =	vadd.f32 v20, v50  }
0x41c: {  	(erf) = vpow2.f32 v36  }
0x41d: {  	v36 =	vperm.xlane v20, v7  }
0x41e: {  	v32 =	vadd.f32 v32, v34  }
0x41f: {  	v20 =	vadd.f32 v20, v36  }
0x420: {  	v32 =	vadd.f32 v32, v32  }
0x421: {  	v51 =	vperm.xlane v20, v3  }
0x422: {  	v32 =	vsub.f32 v17, v32  }
0x423: {  	v20 =	vadd.f32 v20, v51  }
0x424: {  	v54 =	vmul.f32 $1.442695020e+00, v32  }
0x425: {  	v53 =	vunpack.i.u.bf16.f32 v31;
	v37 =	vpop (erf);
	v20 =	vadd.f32 v20, v20  }
0x426: {  	v52 =	vunpack.i.l.bf16.f32 v31;
	(erf) = vpow2.f32 v54;
	v31 =	vmul.f32 v37, v53  }
0x427: {  	s25 =	sadd.s32 $0x120, s24;
	v36 =	vmul.f32 v37, v52;
	v20 =	vsub.f32 v17, v20  }
0x428: {  	[tilespmem:s25+$0x10] =	vst v31  }
0x429: {  	[tilespmem:s25+$0x0] =	vst v36;
	v20 =	vmul.f32 $1.442695020e+00, v20  }
0x42a: {  	v55 =	vld [tilespmem:s21+$0x50]  }
0x42b: {  	(erf) = vpow2.f32 v20;
	_ =	sdelay $0x1  }
0x42c: {  	v18 =	vmul.f32 v25, v18  }
0x42d: {  	[tilespmem:s12+$0xFFFFFFD0] =	vst v26;
	v59 =	vmul.f32 v33, v19  }
0x42e: {  	[tilespmem:s12+$0xFFFFFFE0] =	vst v18;
	v18 =	vmul.f32 v27, v19;
	v26 =	vpop (erf);
	v56 =	vunpack.i.l.bf16.f32 v55  }
0x42f: {  	[tilespmem:s8+$0xFFFFFFB0] =	vst v59;
	v61 =	vmul.f32 v26, v22;
	v57 =	vunpack.i.u.bf16.f32 v55;
	v20 =	vmul.f32 v37, v56  }
0x430: {  	[tilespmem:s8+$0xFFFFFFC0] =	vst v18;
	v58 =	vmul.f32 v37, v57  }
0x431: {  	[tilespmem:s24+$0xFFFFFF70] =	vst v61  }
0x432: {  	v18 =	vld [tilespmem:s23+$0xFFFFFFD0];
	v21 =	vmul.f32 v26, v21;
	[tilespmem:s25+$0x30] =	vst v58  }
0x433: {  	v62 =	vmul.f32 v29, v24;
	[tilespmem:s25+$0x20] =	vst v20;
	v20 =	vpop (erf)  }
0x434: {  	[tilespmem:s24+$0xFFFFFF80] =	vst v21;
	v60 =	vld [tilespmem:s21+$0x60];
	v63 =	vmul.f32 v20, v35  }
0x435: {  	[tilespmem:s24+$0x60] =	vst v62;
	v33 =	vld [tilespmem:s4+$0xFFFFFFD0];
	v34 =	vmul.f32 v20, v30  }
0x436: {  	v40 =	vmul.f32 v8, v24;
	[tilespmem:s25+$0xFFFFFF70] =	vst v63  }
0x437: {  	v36 =	vunpack.i.u.bf16.f32 v18;
	v18 =	vunpack.i.l.bf16.f32 v18;
	[tilespmem:s25+$0xFFFFFF80] =	vst v34  }
0x438: {  	[tilespmem:s24+$0x80] =	vst v40;
	v18 =	vmul.f32 v28, v18;
	v39 =	vld [tilespmem:s21+$0xFFFFFFD0]  }
0x439: {  	v43 =	vld [tilespmem:s9+$0xFFFFFFF0];
	[tilespmem:s8+$0xFFFFFFF0] =	vst v23;
	v38 =	vmul.f32 v28, v36;
	v32 =	vunpack.i.l.bf16.f32 v60  }
0x43a: {  	[tilespmem:s3+$0xFFFFFF90] =	vst v18;
	v18 =	vunpack.i.l.bf16.f32 v33;
	v22 =	vmul.f32 v32, v37  }
0x43b: {  	[tilespmem:s3+$0xFFFFFFA0] =	vst v38;
	v42 =	vunpack.i.u.bf16.f32 v33;
	v18 =	vmul.f32 v26, v18  }
0x43c: {  	v44 =	vld [tilespmem:s23+$0xFFFFFFE0];
	v25 =	vunpack.i.u.bf16.f32 v60;
	[tilespmem:s25+$0x40] =	vst v22;
	v22 =	vmul.f32 v26, v42  }
0x43d: {  	[tilespmem:s24+$0xFFFFFF90] =	vst v18;
	v35 =	vmul.f32 v25, v37;
	v45 =	vunpack.i.u.bf16.f32 v39  }
0x43e: {  	[tilespmem:s24+$0xFFFFFFA0] =	vst v22;
	v18 =	vunpack.i.l.bf16.f32 v39;
	v22 =	vmul.f32 v20, v45  }
0x43f: {  	v48 =	vunpack.i.l.bf16.f32 v43;
	[tilespmem:s25+$0x50] =	vst v35;
	v47 =	vld [tilespmem:s4+$0xFFFFFFE0];
	v18 =	vmul.f32 v20, v18  }
0x440: {  	v49 =	vmul.f32 v48, v19;
	v53 =	vunpack.i.u.bf16.f32 v43;
	[tilespmem:s25+$0xFFFFFFA0] =	vst v22  }
0x441: {  	v19 =	vmul.f32 v53, v19;
	v50 =	vunpack.i.l.bf16.f32 v44;
	v41 =	vld [tilespmem:s21+$0x70];
	[tilespmem:s25+$0xFFFFFF90] =	vst v18  }
0x442: {  	[tilespmem:s8+$0xFFFFFFD0] =	vst v49;
	v51 =	vmul.f32 v50, v28;
	v18 =	vunpack.i.u.bf16.f32 v44;
	v52 =	vld [tilespmem:s21+$0xFFFFFFE0]  }
0x443: {  	[tilespmem:s8+$0xFFFFFFE0] =	vst v19;
	v18 =	vmul.f32 v18, v28  }
0x444: {  	v58 =	vmul.f32 v8, v37;
	[tilespmem:s3+$0xFFFFFFB0] =	vst v51;
	v54 =	vunpack.i.l.bf16.f32 v47  }
0x445: {  	v21 =	vmul.f32 v54, v26;
	[tilespmem:s3+$0xFFFFFFC0] =	vst v18;
	v18 =	vunpack.i.u.bf16.f32 v47  }
0x446: {  	[tilespmem:s25+$0x80] =	vst v58;
	v46 =	vunpack.i.u.bf16.f32 v41;
	v19 =	vld [tilespmem:s23+$0xFFFFFFF0];
	v18 =	vmul.f32 v18, v26  }
0x447: {  	v23 =	vmul.f32 v46, v37;
	[tilespmem:s24+$0xFFFFFFB0] =	vst v21;
	v56 =	vunpack.i.l.bf16.f32 v52  }
0x448: {  	[tilespmem:s24+$0xFFFFFFC0] =	vst v18;
	v18 =	vunpack.i.u.bf16.f32 v52;
	v21 =	vmul.f32 v56, v20  }
0x449: {  	v55 =	vunpack.i.l.bf16.f32 v41;
	[tilespmem:s25+$0x70] =	vst v23;
	v57 =	vld [tilespmem:s4+$0xFFFFFFF0];
	v18 =	vmul.f32 v18, v20  }
0x44a: {  	v22 =	vmul.f32 v55, v37;
	[tilespmem:s25+$0xFFFFFFB0] =	vst v21  }
0x44b: {  	v59 =	vmul.f32 v8, v28;
	v60 =	vunpack.i.l.bf16.f32 v19;
	[tilespmem:s25+$0xFFFFFFC0] =	vst v18  }
0x44c: {  	[tilespmem:s25+$0x60] =	vst v22;
	v18 =	vunpack.i.u.bf16.f32 v19;
	v19 =	vmul.f32 v60, v28;
	v61 =	vld [tilespmem:s21+$0xFFFFFFF0]  }
0x44d: {  	[tilespmem:s3+$0xFFFFFFF0] =	vst v59;
	v18 =	vmul.f32 v18, v28  }
0x44e: {  	v62 =	vmul.f32 v8, v26;
	[tilespmem:s3+$0xFFFFFFD0] =	vst v19;
	v19 =	vunpack.i.l.bf16.f32 v57  }
0x44f: {  	[tilespmem:s3+$0xFFFFFFE0] =	vst v18;
	v18 =	vunpack.i.u.bf16.f32 v57;
	v19 =	vmul.f32 v19, v26  }
0x450: {  	[tilespmem:s24+$0xFFFFFFF0] =	vst v62;
	v18 =	vmul.f32 v18, v26  }
0x451: {  	v63 =	vmul.f32 v8, v20;
	[tilespmem:s24+$0xFFFFFFD0] =	vst v19;
	v19 =	vunpack.i.l.bf16.f32 v61  }
0x452: {  	[tilespmem:s24+$0xFFFFFFE0] =	vst v18;
	v18 =	vunpack.i.u.bf16.f32 v61;
	v19 =	vmul.f32 v19, v20  }
0x453: {  	[tilespmem:s25+$0xFFFFFFF0] =	vst v63;
	v18 =	vmul.f32 v18, v20  }
0x454: {  	[tilespmem:s25+$0xFFFFFFD0] =	vst v19  }
0x455: {  	[tilespmem:s25+$0xFFFFFFE0] =	vst v18  }
0x456: {  	v18 =	vld [tilespmem:$0xA0]  }
0x457: {  	s6 =	sadd.s32 $0x1, s6;
	v19 =	vld [tilespmem:$0xB0]  }
0x458: {  	p0 =	sne.s32 s6, $0xA0  }
.Ltmp4:
0x459: {  	_ = 	snop;
	(pc) =	sbr.rel @p0 .LBB2_6-.Ltmp4, $4  }
0x45a: {  	_ = 	snop  }
0x45b: {  	[tilespmem:$0xE0] =	vst v18  }
0x45c: {  	[tilespmem:$0xF0] =	vst v19  }
0x45d: {  	[spmem:s2] =	stream.indirect.scatter.add.f32 [tilespmem:s20], [sflag:$0x6], $0x90, s19, s17, $0xb8;
	[tilespmem:$0x1BD80] =	vst v63  }
0x45e: {  	s3 =	simm.s32 $0x5  }
0x45f: {  	_ =	swait.ge [sflag:s3], $0x1200  }
0x460: {  	[sflag:s3] =	ssyncset.done $0x0  }
0x461: {  	s25 =	simm.s32 $0x6;
	[sflag:s3] =	ssyncadd.s32 $0xFFFFEE00  }
0x462: {  	_ =	swait.ge [sflag:s25], $0x1200  }
0x463: {  	[sflag:s25] =	ssyncset.done $0x0  }
0x464: {  	[sflag:s25] =	ssyncadd.s32 $0xFFFFEE00  }
0x465: {  	s26 =	stileid.u32;
	[bflag:$0x0] =	sbarrier.arrive $0xFFFF  }
0x466: {  	s3 =	sshll.u32 s26, $0x6;
	s4 =	rddreg [dreg:$0x8]  }
0x467: {  	s3 =	sor.u32 $0x1C09, s3;
	s6 =	rddreg [dreg:$0x9]  }
0x468: {  	[hbm:s4], [sflag:s3] =	dma.local [spmem:s6], $0x2D00  }
0x469: {  	_ =	swait.ge [sflag:s15], $0x2D00  }
0x46a: {  	s28 =	rddreg [dreg:$0xa]  }
0x46b: {  	s29 =	rddreg [dreg:$0x7];
	s4 =	sadd.s32 $0x1, s28  }
0x46c: {  	p0 =	sne.s32 s4, s29  }
.Ltmp5:
0x46d: {  	_ = 	snop;
	(pc) =	sbr.rel @p0 .LBB2_1-.Ltmp5, $3  }
0x46e: {  	_ =	sdelay $0x1  }
0x46f: {  	[sflag:s15] =	ssyncset.done $0x0  }
0x470: {  	[sflag:s15] =	ssyncadd.s32 $0xFFFFD300  }
0x471: {  	_ =	sfence.sel $0x180000  }
0x472: {  	[bflag:$0x0] =	sbarrier.arrive $0xFFFF  }
0x473: {  	_ =	strace $0x90000047  }
0x474: {  	s0 =	stileid.u32;
	[bflag:$0x2] =	sbarrier.arrive $0xFFFF  }
0x475: {  	p0 =	sne.s32 s0, $0x0;
	s0 =	rddreg [dreg:$0x3]  }
0x476: {  	s0 =	sadd.s32 @!p0 $0x100000, s0  }
0x477: {  	[sflag:s0] =	ssyncadd.tile.s32 @!p0 $0x1;
	_ =	shalt  }
.Lfunc_end2:
_tile_overlayer_lowered:
.L_overlay_start_2:
0x478: {  	(tag) =	ssettag $0x2  }
0x479: {  	s0 =	rddreg [dreg:$0x0];
	s2 =	stileid.u32  }
0x47a: {  	s1 =	rddreg [dreg:$0x1];
	p0 =	sne.s32 s2, $0x0  }
0x47b: {  	s3 =	rddreg [dreg:$0x2];
	[bflag:$0x3] =	sbarrier.arrive $0xFFFF;
	s2 =	simm.s32 @!p0 $0x1C09  }
0x47c: {  	[timem:s3], [sflag:s2] =	dma.local @!p0 [hbm:s0], s1  }
0x47d: {  	s0 =	simm.s32 @!p0 $0x9  }
0x47e: {  	_ =	swait.ge @!p0 [sflag:s0], s1  }
0x47f: {  	s1 =	ssub.s32 @!p0 $0x0, s1;
	[sflag:s0] =	ssyncset.done @!p0 $0x0  }
0x480: {  	[sflag:s0] =	ssyncadd.s32 @!p0 s1  }
0x481: {  	[bflag:$0x3] =	sbarrier.arrive $0xFFFF  }
0x482: {  	_ =	shalt  }

</sc_bundles>
